<compile_context>
chip_gen: v7x
topology: tpu7x:2x2x1
jax: 0.10.2.dev20260603
libtpu: 0.0.44.dev20260713+nightly
codegen_flags: <defaults>
</compile_context>

<pallas_src>
import jax
import jax.numpy as jnp
from jax import lax
from jax.experimental import pallas as pl
from jax.experimental.pallas import tpu as pltpu
from jax.experimental.pallas import tpu_sc as plsc

VOCAB = 100000
MAX_LEN = 200
EMBED_DIM = 64
BATCH = 1024

NC = 2
NS = 16
NW = NC * NS
NBT = BATCH // 128
NSG = NW // NBT
SPG = MAX_LEN // NSG
LANES = 16
GPB = 128 // LANES
IDX_ROWS = SPG // 8 + 2
ROW_PITCH = 72


def _body(x_hbm, tab_hbm, pos_hbm, out_hbm, idx_v, pos_v, rows_v, skew_v, outb_v,
          gsem0, gsem1, ssem0, ssem1):
    wid = lax.axis_index("s") * NC + lax.axis_index("c")
    bt = wid % NBT
    sgrp = wid // NBT
    p0 = sgrp * SPG
    st0 = p0 // 8
    gsem = (gsem0, gsem1)
    ssem = (ssem0, ssem1)

    pltpu.sync_copy(x_hbm.at[pl.ds(st0, IDX_ROWS), pl.ds(bt, 1)], idx_v)
    pltpu.sync_copy(pos_hbm.at[pl.ds(p0, SPG)], pos_v.at[:, pl.ds(0, EMBED_DIM)])

    def idx_ref(u):
        off = u + p0 % 8
        return idx_v.at[off // 8, 0, off % 8]

    def issue_gather(u, b):
        pltpu.async_copy(tab_hbm.at[idx_ref(u)], rows_v.at[b], gsem[b])

    def drain_gather(b):
        pltpu.make_async_copy(
            tab_hbm.at[idx_ref(0)], rows_v.at[b], gsem[b]).wait()

    def issue_scatter(u, b):
        pltpu.async_copy(
            outb_v.at[b], out_hbm.at[p0 + u, :, pl.ds(bt, 1)], ssem[b])

    def drain_scatter(b):
        pltpu.make_async_copy(
            outb_v.at[b], out_hbm.at[0, :, pl.ds(0, 1)], ssem[b]).wait()

    rowvecs = [lax.iota(jnp.int32, LANES) + g * LANES for g in range(GPB)]

    def compute(u, b):
        pvs = [pos_v[u, pl.ds(k * LANES, LANES)] for k in range(4)]

        @plsc.parallel_loop(0, 128, 1, unroll=4)
        def _(r):
            for k in range(4):
                sl = pl.ds(k * LANES, LANES)
                skew_v[r, sl] = rows_v[b, r, sl] + pvs[k]

        @plsc.parallel_loop(0, 8, 1)
        def _(ct):
            for ci in range(8):
                c = ct * 8 + ci
                col = jnp.zeros((LANES,), jnp.int32) + c
                vals = [plsc.load_gather(skew_v, [rowvecs[g], col])
                        for g in range(GPB)]
                for g in range(GPB):
                    outb_v[b, ct, 0, ci, pl.ds(g * LANES, LANES)] = vals[g]

    issue_gather(0, 0)

    def step(i, _):
        u0 = 2 * i

        @pl.when(i > 0)
        def _():
            drain_scatter(1)

        issue_gather(u0 + 1, 1)

        drain_gather(0)
        compute(u0, 0)
        issue_scatter(u0, 0)

        @pl.when(i < SPG // 2 - 1)
        def _():
            drain_scatter(0)
            issue_gather(u0 + 2, 0)

        drain_gather(1)
        compute(u0 + 1, 1)
        issue_scatter(u0 + 1, 1)
        return 0

    lax.fori_loop(0, SPG // 2, step, 0)
    drain_scatter(0)
    drain_scatter(1)


@jax.jit
def kernel(x, token_table, pos_table):
    x6 = (x.astype(jnp.int32).T
          .reshape(MAX_LEN // 8, 8, NBT, 128).transpose(0, 2, 1, 3))
    mesh = plsc.VectorSubcoreMesh(core_axis_name="c", subcore_axis_name="s")
    out6 = pl.kernel(
        _body,
        out_type=jax.ShapeDtypeStruct(
            (MAX_LEN, 8, NBT, 8, 128), jnp.float32),
        mesh=mesh,
        scratch_types=[
            pltpu.VMEM((IDX_ROWS, 1, 8, 128), jnp.int32),
            pltpu.VMEM((SPG, 80), jnp.float32),
            pltpu.VMEM((2, 128, EMBED_DIM), jnp.float32),
            pltpu.VMEM((128, ROW_PITCH), jnp.float32),
            pltpu.VMEM((2, 8, 1, 8, 128), jnp.float32),
            pltpu.SemaphoreType.DMA,
            pltpu.SemaphoreType.DMA,
            pltpu.SemaphoreType.DMA,
            pltpu.SemaphoreType.DMA,
        ],
        compiler_params=pltpu.CompilerParams(
            use_tc_tiling_on_sc=False, needs_layout_passes=False),
    )(x6, token_table, pos_table)
    return out6.transpose(2, 4, 0, 1, 3).reshape(BATCH, MAX_LEN, EMBED_DIM)

# --- scband reference (transcript-rebuilt; emitter-appended) ---
"""Pipeline reference for scband-token-and-position-embedding-29755533427477 (READ-ONLY COPY).

The authoritative reference and input builder live on the scoring server;
editing this copy changes nothing except your own understanding.
"""

import jax, jax.numpy as jnp
import numpy as np

VOCAB = 100000
MAX_LEN = 200
EMBED_DIM = 64
BATCH = 1024


def setup_inputs(seed: int = 0) -> dict:
    key = jax.random.key(seed)
    k1, k2, k3 = jax.random.split(key, 3)
    x = jax.random.randint(k1, (BATCH, MAX_LEN), 0, VOCAB, dtype=jnp.int64 if jax.config.jax_enable_x64 else jnp.int32)
    token_table = jax.random.normal(k2, (VOCAB, EMBED_DIM), dtype=jnp.float32) * 0.05
    pos_table = jax.random.normal(k3, (MAX_LEN, EMBED_DIM), dtype=jnp.float32) * 0.05
    return {"x": x, "token_table": token_table, "pos_table": pos_table}


def reference(x, token_table, pos_table):
    seq_len = x.shape[-1]
    positions = jnp.arange(seq_len)
    pos_emb = jnp.take(pos_table, positions, axis=0)  # [seq_len, embed_dim]
    tok_emb = jnp.take(token_table, x, axis=0)        # [batch, seq_len, embed_dim]
    return tok_emb + pos_emb[None, :, :]

if __name__ == "__main__":
    import jax
    _d = setup_inputs()
    print(jax.jit(kernel)(*tuple(_d.values())))

</pallas_src>

<mosaic_0001>
#map = affine_map<(d0, d1) -> (0, 0, 0, 0)>
#map1 = affine_map<(d0, d1) -> (0, 0)>
#map2 = affine_map<(d0, d1) -> (0, 0, 0, 0, 0)>
module attributes {stable_mosaic.version = 14 : i64} {
  func.func @_body(%arg0: i32, %arg1: i32, %arg2: memref<25x8x8x128xi32, #tpu.memory_space<hbm>>, %arg3: memref<100000x64xf32, #tpu.memory_space<hbm>>, %arg4: memref<200x64xf32, #tpu.memory_space<hbm>>, %arg5: memref<200x8x8x8x128xf32, #tpu.memory_space<hbm>>, %arg6: memref<8x1x8x128xi32, #tpu.memory_space<vmem>>, %arg7: memref<50x80xf32, #tpu.memory_space<vmem>>, %arg8: memref<2x128x64xf32, #tpu.memory_space<vmem>>, %arg9: memref<128x72xf32, #tpu.memory_space<vmem>>, %arg10: memref<2x8x1x8x128xf32, #tpu.memory_space<vmem>>, %arg11: memref<!tpu.dma_semaphore, #tpu.memory_space<semaphore_mem>>, %arg12: memref<!tpu.dma_semaphore, #tpu.memory_space<semaphore_mem>>, %arg13: memref<!tpu.dma_semaphore, #tpu.memory_space<semaphore_mem>>, %arg14: memref<!tpu.dma_semaphore, #tpu.memory_space<semaphore_mem>>) attributes {dimension_semantics = [#tpu.dimension_semantics<core_parallel>, #tpu.dimension_semantics<subcore_parallel>], iteration_bounds = array<i64: 2, 16>, scalar_prefetch = 0 : i64, scratch_operands = 9 : i64, tpu.core_type = #tpu.core_type<sc_vector_subcore>, window_params = [{transform_indices = #map}, {transform_indices = #map1}, {transform_indices = #map1}, {transform_indices = #map2}]} {
    %mul3A = arith.constant 2 : i32
    %mul3A_0 = arith.muli %arg1, %mul3A : i32
    %add3A = arith.addi %mul3A_0, %arg0 : i32
    %jit3A = arith.constant 8 : i32
    %eq3A = arith.constant 0 : i32
    %eq3A_1 = arith.cmpi eq, %jit3A, %eq3A : i32
    %jit3A_2 = arith.constant 1 : i32
    %select_n3A = arith.select %eq3A_1, %jit3A_2, %jit3A : i32
    %rem3A = arith.remsi %add3A, %select_n3A : i32
    %ne3A = arith.constant 0 : i32
    %ne3A_3 = arith.cmpi ne, %rem3A, %ne3A : i32
    %lt3A = arith.constant 0 : i32
    %lt3A_4 = arith.cmpi slt, %rem3A, %lt3A : i32
    %lt3A_5 = arith.constant 0 : i32
    %lt3A_6 = arith.cmpi slt, %select_n3A, %lt3A_5 : i32
    %ne3A_7 = arith.xori %lt3A_4, %lt3A_6 : i1
    %and3A = arith.andi %ne3A_7, %ne3A_3 : i1
    %add3A_8 = arith.addi %rem3A, %select_n3A : i32
    %select_n3A_9 = arith.select %and3A, %add3A_8, %rem3A : i32
    %jit3A_10 = arith.constant 8 : i32
    %div3A = arith.divsi %add3A, %jit3A_10 : i32
    %sign3A = arith.constant 0 : i32
    %sign3A_11 = arith.cmpi sgt, %add3A, %sign3A : i32
    %sign3A_12 = arith.extui %sign3A_11 : i1 to i32
    %sign3A_13 = arith.constant 0 : i32
    %sign3A_14 = arith.cmpi slt, %add3A, %sign3A_13 : i32
    %sign3A_15 = arith.extui %sign3A_14 : i1 to i32
    %sign3A_16 = arith.subi %sign3A_12, %sign3A_15 : i32
    %sign3A_17 = arith.constant 0 : i32
    %sign3A_18 = arith.cmpi sgt, %jit3A_10, %sign3A_17 : i32
    %sign3A_19 = arith.extui %sign3A_18 : i1 to i32
    %sign3A_20 = arith.constant 0 : i32
    %sign3A_21 = arith.cmpi slt, %jit3A_10, %sign3A_20 : i32
    %sign3A_22 = arith.extui %sign3A_21 : i1 to i32
    %sign3A_23 = arith.subi %sign3A_19, %sign3A_22 : i32
    %ne3A_24 = arith.cmpi ne, %sign3A_16, %sign3A_23 : i32
    %rem3A_25 = arith.remsi %add3A, %jit3A_10 : i32
    %ne3A_26 = arith.constant 0 : i32
    %ne3A_27 = arith.cmpi ne, %rem3A_25, %ne3A_26 : i32
    %and3A_28 = arith.andi %ne3A_24, %ne3A_27 : i1
    %sub3A = arith.constant 1 : i32
    %sub3A_29 = arith.subi %div3A, %sub3A : i32
    %select_n3A_30 = arith.select %and3A_28, %sub3A_29, %div3A : i32
    %mul3A_31 = arith.constant 50 : i32
    %mul3A_32 = arith.muli %select_n3A_30, %mul3A_31 : i32
    %jit3A_33 = arith.constant 8 : i32
    %div3A_34 = arith.divsi %mul3A_32, %jit3A_33 : i32
    %sign3A_35 = arith.constant 0 : i32
    %sign3A_36 = arith.cmpi sgt, %mul3A_32, %sign3A_35 : i32
    %sign3A_37 = arith.extui %sign3A_36 : i1 to i32
    %sign3A_38 = arith.constant 0 : i32
    %sign3A_39 = arith.cmpi slt, %mul3A_32, %sign3A_38 : i32
    %sign3A_40 = arith.extui %sign3A_39 : i1 to i32
    %sign3A_41 = arith.subi %sign3A_37, %sign3A_40 : i32
    %sign3A_42 = arith.constant 0 : i32
    %sign3A_43 = arith.cmpi sgt, %jit3A_33, %sign3A_42 : i32
    %sign3A_44 = arith.extui %sign3A_43 : i1 to i32
    %sign3A_45 = arith.constant 0 : i32
    %sign3A_46 = arith.cmpi slt, %jit3A_33, %sign3A_45 : i32
    %sign3A_47 = arith.extui %sign3A_46 : i1 to i32
    %sign3A_48 = arith.subi %sign3A_44, %sign3A_47 : i32
    %ne3A_49 = arith.cmpi ne, %sign3A_41, %sign3A_48 : i32
    %rem3A_50 = arith.remsi %mul3A_32, %jit3A_33 : i32
    %ne3A_51 = arith.constant 0 : i32
    %ne3A_52 = arith.cmpi ne, %rem3A_50, %ne3A_51 : i32
    %and3A_53 = arith.andi %ne3A_49, %ne3A_52 : i1
    %sub3A_54 = arith.constant 1 : i32
    %sub3A_55 = arith.subi %div3A_34, %sub3A_54 : i32
    %select_n3A_56 = arith.select %and3A_53, %sub3A_55, %div3A_34 : i32
    "tpu.region"() ({
      %run_scoped3A = tpu.sem_alloc : memref<!tpu.dma_semaphore, #tpu.memory_space<semaphore_mem>>
      %dma_start3A_214 = arith.constant 0 : i32
      %dma_start3A_215 = arith.constant 0 : i32
      %dma_start3A_216 = tpu.memref_slice %arg2[%select_n3A_56, %select_n3A_9, %dma_start3A_214, %dma_start3A_215] : memref<25x8x8x128xi32, #tpu.memory_space<hbm>> -> memref<8x1x8x128xi32, #tpu.memory_space<hbm>>
      %dma_start3A_217 = arith.constant 0 : i32
      %dma_start3A_218 = arith.constant 0 : i32
      %dma_start3A_219 = tpu.memref_slice %arg2[%select_n3A_56, %select_n3A_9, %dma_start3A_217, %dma_start3A_218] : memref<25x8x8x128xi32, #tpu.memory_space<hbm>> -> memref<8x1x8x128xi32, #tpu.memory_space<hbm>>
      tpu.enqueue_dma source(%dma_start3A_219 : memref<8x1x8x128xi32, #tpu.memory_space<hbm>>) target(%arg6 : memref<8x1x8x128xi32, #tpu.memory_space<vmem>>) target_semaphore(%run_scoped3A : memref<!tpu.dma_semaphore, #tpu.memory_space<semaphore_mem>>)
      %dma_wait3A_220 = arith.constant 0 : i32
      %dma_wait3A_221 = arith.constant 0 : i32
      %dma_wait3A_222 = tpu.memref_slice %arg2[%select_n3A_56, %select_n3A_9, %dma_wait3A_220, %dma_wait3A_221] : memref<25x8x8x128xi32, #tpu.memory_space<hbm>> -> memref<8x1x8x128xi32, #tpu.memory_space<hbm>>
      %dma_wait3A_223 = arith.constant 0 : i32
      %dma_wait3A_224 = arith.constant 0 : i32
      %dma_wait3A_225 = tpu.memref_slice %arg2[%select_n3A_56, %select_n3A_9, %dma_wait3A_223, %dma_wait3A_224] : memref<25x8x8x128xi32, #tpu.memory_space<hbm>> -> memref<8x1x8x128xi32, #tpu.memory_space<hbm>>
      tpu.wait_dma2 semaphore(%run_scoped3A : memref<!tpu.dma_semaphore, #tpu.memory_space<semaphore_mem>>) src(%dma_wait3A_225 : memref<8x1x8x128xi32, #tpu.memory_space<hbm>>) dst(%arg6 : memref<8x1x8x128xi32, #tpu.memory_space<vmem>>)
      tpu.yield
    }) : () -> ()
    "tpu.region"() ({
      %run_scoped3A = tpu.sem_alloc : memref<!tpu.dma_semaphore, #tpu.memory_space<semaphore_mem>>
      %dma_start3A_214 = arith.constant 0 : i32
      %dma_start3A_215 = arith.constant 0 : i32
      %dma_start3A_216 = tpu.memref_slice %arg7[%dma_start3A_214, %dma_start3A_215] : memref<50x80xf32, #tpu.memory_space<vmem>> -> memref<50x64xf32, #tpu.memory_space<vmem>>
      %dma_start3A_217 = arith.constant 0 : i32
      %dma_start3A_218 = tpu.memref_slice %arg4[%mul3A_32, %dma_start3A_217] : memref<200x64xf32, #tpu.memory_space<hbm>> -> memref<50x64xf32, #tpu.memory_space<hbm>>
      %dma_start3A_219 = arith.constant 0 : i32
      %dma_start3A_220 = arith.constant 0 : i32
      %dma_start3A_221 = tpu.memref_slice %arg7[%dma_start3A_219, %dma_start3A_220] : memref<50x80xf32, #tpu.memory_space<vmem>> -> memref<50x64xf32, #tpu.memory_space<vmem>>
      %dma_start3A_222 = arith.constant 0 : i32
      %dma_start3A_223 = tpu.memref_slice %arg4[%mul3A_32, %dma_start3A_222] : memref<200x64xf32, #tpu.memory_space<hbm>> -> memref<50x64xf32, #tpu.memory_space<hbm>>
      tpu.enqueue_dma source(%dma_start3A_223 : memref<50x64xf32, #tpu.memory_space<hbm>>) target(%dma_start3A_221 : memref<50x64xf32, #tpu.memory_space<vmem>>) target_semaphore(%run_scoped3A : memref<!tpu.dma_semaphore, #tpu.memory_space<semaphore_mem>>)
      %dma_wait3A_224 = arith.constant 0 : i32
      %dma_wait3A_225 = arith.constant 0 : i32
      %dma_wait3A_226 = tpu.memref_slice %arg7[%dma_wait3A_224, %dma_wait3A_225] : memref<50x80xf32, #tpu.memory_space<vmem>> -> memref<50x64xf32, #tpu.memory_space<vmem>>
      %dma_wait3A_227 = arith.constant 0 : i32
      %dma_wait3A_228 = tpu.memref_slice %arg4[%mul3A_32, %dma_wait3A_227] : memref<200x64xf32, #tpu.memory_space<hbm>> -> memref<50x64xf32, #tpu.memory_space<hbm>>
      %dma_wait3A_229 = arith.constant 0 : i32
      %dma_wait3A_230 = arith.constant 0 : i32
      %dma_wait3A_231 = tpu.memref_slice %arg7[%dma_wait3A_229, %dma_wait3A_230] : memref<50x80xf32, #tpu.memory_space<vmem>> -> memref<50x64xf32, #tpu.memory_space<vmem>>
      %dma_wait3A_232 = arith.constant 0 : i32
      %dma_wait3A_233 = tpu.memref_slice %arg4[%mul3A_32, %dma_wait3A_232] : memref<200x64xf32, #tpu.memory_space<hbm>> -> memref<50x64xf32, #tpu.memory_space<hbm>>
      tpu.wait_dma2 semaphore(%run_scoped3A : memref<!tpu.dma_semaphore, #tpu.memory_space<semaphore_mem>>) src(%dma_wait3A_233 : memref<50x64xf32, #tpu.memory_space<hbm>>) dst(%dma_wait3A_231 : memref<50x64xf32, #tpu.memory_space<vmem>>)
      tpu.yield
    }) : () -> ()
    %iota3A = tpu.iota {dimensions = array<i32: 0>} : vector<16xi32>
    %add3A_57 = arith.constant 0 : i32
    %add3A_58 = vector.broadcast %add3A_57 : i32 to vector<16xi32>
    %add3A_59 = arith.addi %iota3A, %add3A_58 : vector<16xi32>
    %iota3A_60 = tpu.iota {dimensions = array<i32: 0>} : vector<16xi32>
    %add3A_61 = arith.constant 16 : i32
    %add3A_62 = vector.broadcast %add3A_61 : i32 to vector<16xi32>
    %add3A_63 = arith.addi %iota3A_60, %add3A_62 : vector<16xi32>
    %iota3A_64 = tpu.iota {dimensions = array<i32: 0>} : vector<16xi32>
    %add3A_65 = arith.constant 32 : i32
    %add3A_66 = vector.broadcast %add3A_65 : i32 to vector<16xi32>
    %add3A_67 = arith.addi %iota3A_64, %add3A_66 : vector<16xi32>
    %iota3A_68 = tpu.iota {dimensions = array<i32: 0>} : vector<16xi32>
    %add3A_69 = arith.constant 48 : i32
    %add3A_70 = vector.broadcast %add3A_69 : i32 to vector<16xi32>
    %add3A_71 = arith.addi %iota3A_68, %add3A_70 : vector<16xi32>
    %iota3A_72 = tpu.iota {dimensions = array<i32: 0>} : vector<16xi32>
    %add3A_73 = arith.constant 64 : i32
    %add3A_74 = vector.broadcast %add3A_73 : i32 to vector<16xi32>
    %add3A_75 = arith.addi %iota3A_72, %add3A_74 : vector<16xi32>
    %iota3A_76 = tpu.iota {dimensions = array<i32: 0>} : vector<16xi32>
    %add3A_77 = arith.constant 80 : i32
    %add3A_78 = vector.broadcast %add3A_77 : i32 to vector<16xi32>
    %add3A_79 = arith.addi %iota3A_76, %add3A_78 : vector<16xi32>
    %iota3A_80 = tpu.iota {dimensions = array<i32: 0>} : vector<16xi32>
    %add3A_81 = arith.constant 96 : i32
    %add3A_82 = vector.broadcast %add3A_81 : i32 to vector<16xi32>
    %add3A_83 = arith.addi %iota3A_80, %add3A_82 : vector<16xi32>
    %iota3A_84 = tpu.iota {dimensions = array<i32: 0>} : vector<16xi32>
    %add3A_85 = arith.constant 112 : i32
    %add3A_86 = vector.broadcast %add3A_85 : i32 to vector<16xi32>
    %add3A_87 = arith.addi %iota3A_84, %add3A_86 : vector<16xi32>
    %jit3A_88 = arith.constant 8 : i32
    %eq3A_89 = arith.constant 0 : i32
    %eq3A_90 = arith.cmpi eq, %jit3A_88, %eq3A_89 : i32
    %jit3A_91 = arith.constant 1 : i32
    %select_n3A_92 = arith.select %eq3A_90, %jit3A_91, %jit3A_88 : i32
    %rem3A_93 = arith.remsi %mul3A_32, %select_n3A_92 : i32
    %ne3A_94 = arith.constant 0 : i32
    %ne3A_95 = arith.cmpi ne, %rem3A_93, %ne3A_94 : i32
    %lt3A_96 = arith.constant 0 : i32
    %lt3A_97 = arith.cmpi slt, %rem3A_93, %lt3A_96 : i32
    %lt3A_98 = arith.constant 0 : i32
    %lt3A_99 = arith.cmpi slt, %select_n3A_92, %lt3A_98 : i32
    %ne3A_100 = arith.xori %lt3A_97, %lt3A_99 : i1
    %and3A_101 = arith.andi %ne3A_100, %ne3A_95 : i1
    %add3A_102 = arith.addi %rem3A_93, %select_n3A_92 : i32
    %select_n3A_103 = arith.select %and3A_101, %add3A_102, %rem3A_93 : i32
    %add3A_104 = arith.constant 0 : i32
    %add3A_105 = arith.addi %add3A_104, %select_n3A_103 : i32
    %jit3A_106 = arith.constant 8 : i32
    %div3A_107 = arith.divsi %add3A_105, %jit3A_106 : i32
    %sign3A_108 = arith.constant 0 : i32
    %sign3A_109 = arith.cmpi sgt, %add3A_105, %sign3A_108 : i32
    %sign3A_110 = arith.extui %sign3A_109 : i1 to i32
    %sign3A_111 = arith.constant 0 : i32
    %sign3A_112 = arith.cmpi slt, %add3A_105, %sign3A_111 : i32
    %sign3A_113 = arith.extui %sign3A_112 : i1 to i32
    %sign3A_114 = arith.subi %sign3A_110, %sign3A_113 : i32
    %sign3A_115 = arith.constant 0 : i32
    %sign3A_116 = arith.cmpi sgt, %jit3A_106, %sign3A_115 : i32
    %sign3A_117 = arith.extui %sign3A_116 : i1 to i32
    %sign3A_118 = arith.constant 0 : i32
    %sign3A_119 = arith.cmpi slt, %jit3A_106, %sign3A_118 : i32
    %sign3A_120 = arith.extui %sign3A_119 : i1 to i32
    %sign3A_121 = arith.subi %sign3A_117, %sign3A_120 : i32
    %ne3A_122 = arith.cmpi ne, %sign3A_114, %sign3A_121 : i32
    %rem3A_123 = arith.remsi %add3A_105, %jit3A_106 : i32
    %ne3A_124 = arith.constant 0 : i32
    %ne3A_125 = arith.cmpi ne, %rem3A_123, %ne3A_124 : i32
    %and3A_126 = arith.andi %ne3A_122, %ne3A_125 : i1
    %sub3A_127 = arith.constant 1 : i32
    %sub3A_128 = arith.subi %div3A_107, %sub3A_127 : i32
    %select_n3A_129 = arith.select %and3A_126, %sub3A_128, %div3A_107 : i32
    %jit3A_130 = arith.constant 8 : i32
    %eq3A_131 = arith.constant 0 : i32
    %eq3A_132 = arith.cmpi eq, %jit3A_130, %eq3A_131 : i32
    %jit3A_133 = arith.constant 1 : i32
    %select_n3A_134 = arith.select %eq3A_132, %jit3A_133, %jit3A_130 : i32
    %rem3A_135 = arith.remsi %add3A_105, %select_n3A_134 : i32
    %ne3A_136 = arith.constant 0 : i32
    %ne3A_137 = arith.cmpi ne, %rem3A_135, %ne3A_136 : i32
    %lt3A_138 = arith.constant 0 : i32
    %lt3A_139 = arith.cmpi slt, %rem3A_135, %lt3A_138 : i32
    %lt3A_140 = arith.constant 0 : i32
    %lt3A_141 = arith.cmpi slt, %select_n3A_134, %lt3A_140 : i32
    %ne3A_142 = arith.xori %lt3A_139, %lt3A_141 : i1
    %and3A_143 = arith.andi %ne3A_142, %ne3A_137 : i1
    %add3A_144 = arith.addi %rem3A_135, %select_n3A_134 : i32
    %select_n3A_145 = arith.select %and3A_143, %add3A_144, %rem3A_135 : i32
    %dma_start3A = arith.constant 0 : i32
    %dma_start3A_146 = arith.constant 0 : i32
    %dma_start3A_147 = arith.constant 0 : i32
    %dma_start3A_148 = arith.constant 0 : i32
    %dma_start3A_149 = tpu.memref_slice %arg8[%dma_start3A_146, %dma_start3A_147, %dma_start3A_148] : memref<2x128x64xf32, #tpu.memory_space<vmem>> -> memref<1x128x64xf32, #tpu.memory_space<vmem>>
    %dma_start3A_150 = tpu.memref_squeeze %dma_start3A_149 : memref<1x128x64xf32, #tpu.memory_space<vmem>> -> memref<128x64xf32, #tpu.memory_space<vmem>>
    %dma_start3A_151 = arith.constant 0 : i32
    %dma_start3A_152 = tpu.memref_slice %arg6[%select_n3A_129, %dma_start3A, %select_n3A_145, %dma_start3A_151] : memref<8x1x8x128xi32, #tpu.memory_space<vmem>> -> memref<1x1x1x128xi32, #tpu.memory_space<vmem>>
    %dma_start3A_153 = tpu.memref_squeeze %dma_start3A_152 : memref<1x1x1x128xi32, #tpu.memory_space<vmem>> -> memref<128xi32, #tpu.memory_space<vmem>>
    %dma_start3A_154 = arith.constant 0 : i32
    %dma_start3A_155 = arith.constant 0 : i32
    %dma_start3A_156 = tpu.memref_slice %arg3[%dma_start3A_154, %dma_start3A_155] : memref<100000x64xf32, #tpu.memory_space<hbm>> -> memref<100000x64xf32, #tpu.memory_space<hbm>>
    tpu.enqueue_indirect_dma source(%dma_start3A_156 : memref<100000x64xf32, #tpu.memory_space<hbm>>) target(%dma_start3A_150 : memref<128x64xf32, #tpu.memory_space<vmem>>) offsets(%dma_start3A_153 : memref<128xi32, #tpu.memory_space<vmem>>) semaphore(%arg11 : memref<!tpu.dma_semaphore, #tpu.memory_space<semaphore_mem>>)
    %scan3A = arith.constant 0 : i32
    %scan3A_157 = arith.constant 0 : i32
    %scan3A_158 = arith.constant 25 : i32
    %scan3A_159 = arith.addi %scan3A_157, %scan3A_158 : i32
    %scan3A_160 = arith.constant 1 : i32
    %scan3A_161 = scf.for %scan3A_214 = %scan3A_157 to %scan3A_159 step %scan3A_160 iter_args(%scan3A_215 = %scan3A) -> (i32)  : i32 {
      %mul3A_216 = arith.constant 2 : i32
      %mul3A_217 = arith.muli %mul3A_216, %scan3A_214 : i32
      %gt3A = arith.constant 0 : i32
      %gt3A_218 = arith.cmpi sgt, %scan3A_214, %gt3A : i32
      %convert_element_type3A = arith.extui %gt3A_218 : i1 to i32
      %cond3A = arith.constant 0 : i32
      %cond3A_219 = arith.cmpi ne, %convert_element_type3A, %cond3A : i32
      scf.if %cond3A_219 {
        %dma_wait3A_523 = arith.constant 1 : i32
        %dma_wait3A_524 = arith.constant 0 : i32
        %dma_wait3A_525 = arith.constant 0 : i32
        %dma_wait3A_526 = arith.constant 0 : i32
        %dma_wait3A_527 = arith.constant 0 : i32
        %dma_wait3A_528 = arith.constant 0 : i32
        %dma_wait3A_529 = tpu.memref_slice %arg10[%dma_wait3A_523, %dma_wait3A_525, %dma_wait3A_526, %dma_wait3A_527, %dma_wait3A_528] : memref<2x8x1x8x128xf32, #tpu.memory_space<vmem>> -> memref<1x8x1x8x128xf32, #tpu.memory_space<vmem>>
        %dma_wait3A_530 = tpu.memref_squeeze %dma_wait3A_529 : memref<1x8x1x8x128xf32, #tpu.memory_space<vmem>> -> memref<8x1x8x128xf32, #tpu.memory_space<vmem>>
        %dma_wait3A_531 = arith.constant 0 : i32
        %dma_wait3A_532 = arith.constant 0 : i32
        %dma_wait3A_533 = arith.constant 0 : i32
        %dma_wait3A_534 = arith.constant 0 : i32
        %dma_wait3A_535 = tpu.memref_slice %arg5[%dma_wait3A_524, %dma_wait3A_531, %dma_wait3A_532, %dma_wait3A_533, %dma_wait3A_534] : memref<200x8x8x8x128xf32, #tpu.memory_space<hbm>> -> memref<1x8x1x8x128xf32, #tpu.memory_space<hbm>>
        %dma_wait3A_536 = tpu.memref_squeeze %dma_wait3A_535 : memref<1x8x1x8x128xf32, #tpu.memory_space<hbm>> -> memref<8x1x8x128xf32, #tpu.memory_space<hbm>>
        %dma_wait3A_537 = arith.constant 0 : i32
        %dma_wait3A_538 = arith.constant 0 : i32
        %dma_wait3A_539 = arith.constant 0 : i32
        %dma_wait3A_540 = arith.constant 0 : i32
        %dma_wait3A_541 = tpu.memref_slice %arg5[%dma_wait3A_524, %dma_wait3A_537, %dma_wait3A_538, %dma_wait3A_539, %dma_wait3A_540] : memref<200x8x8x8x128xf32, #tpu.memory_space<hbm>> -> memref<1x8x1x8x128xf32, #tpu.memory_space<hbm>>
        %dma_wait3A_542 = tpu.memref_squeeze %dma_wait3A_541 : memref<1x8x1x8x128xf32, #tpu.memory_space<hbm>> -> memref<8x1x8x128xf32, #tpu.memory_space<hbm>>
        %dma_wait3A_543 = arith.constant 0 : i32
        %dma_wait3A_544 = arith.constant 0 : i32
        %dma_wait3A_545 = arith.constant 0 : i32
        %dma_wait3A_546 = arith.constant 0 : i32
        %dma_wait3A_547 = tpu.memref_slice %arg10[%dma_wait3A_523, %dma_wait3A_543, %dma_wait3A_544, %dma_wait3A_545, %dma_wait3A_546] : memref<2x8x1x8x128xf32, #tpu.memory_space<vmem>> -> memref<1x8x1x8x128xf32, #tpu.memory_space<vmem>>
        %dma_wait3A_548 = tpu.memref_squeeze %dma_wait3A_547 : memref<1x8x1x8x128xf32, #tpu.memory_space<vmem>> -> memref<8x1x8x128xf32, #tpu.memory_space<vmem>>
        tpu.wait_dma2 semaphore(%arg14 : memref<!tpu.dma_semaphore, #tpu.memory_space<semaphore_mem>>) src(%dma_wait3A_548 : memref<8x1x8x128xf32, #tpu.memory_space<vmem>>) dst(%dma_wait3A_542 : memref<8x1x8x128xf32, #tpu.memory_space<hbm>>)
      } else {
      }
      %add3A_220 = arith.constant 1 : i32
      %add3A_221 = arith.addi %mul3A_217, %add3A_220 : i32
      %jit3A_222 = arith.constant 8 : i32
      %eq3A_223 = arith.constant 0 : i32
      %eq3A_224 = arith.cmpi eq, %jit3A_222, %eq3A_223 : i32
      %jit3A_225 = arith.constant 1 : i32
      %select_n3A_226 = arith.select %eq3A_224, %jit3A_225, %jit3A_222 : i32
      %rem3A_227 = arith.remsi %mul3A_32, %select_n3A_226 : i32
      %ne3A_228 = arith.constant 0 : i32
      %ne3A_229 = arith.cmpi ne, %rem3A_227, %ne3A_228 : i32
      %lt3A_230 = arith.constant 0 : i32
      %lt3A_231 = arith.cmpi slt, %rem3A_227, %lt3A_230 : i32
      %lt3A_232 = arith.constant 0 : i32
      %lt3A_233 = arith.cmpi slt, %select_n3A_226, %lt3A_232 : i32
      %ne3A_234 = arith.xori %lt3A_231, %lt3A_233 : i1
      %and3A_235 = arith.andi %ne3A_234, %ne3A_229 : i1
      %add3A_236 = arith.addi %rem3A_227, %select_n3A_226 : i32
      %select_n3A_237 = arith.select %and3A_235, %add3A_236, %rem3A_227 : i32
      %add3A_238 = arith.addi %add3A_221, %select_n3A_237 : i32
      %jit3A_239 = arith.constant 8 : i32
      %div3A_240 = arith.divsi %add3A_238, %jit3A_239 : i32
      %sign3A_241 = arith.constant 0 : i32
      %sign3A_242 = arith.cmpi sgt, %add3A_238, %sign3A_241 : i32
      %sign3A_243 = arith.extui %sign3A_242 : i1 to i32
      %sign3A_244 = arith.constant 0 : i32
      %sign3A_245 = arith.cmpi slt, %add3A_238, %sign3A_244 : i32
      %sign3A_246 = arith.extui %sign3A_245 : i1 to i32
      %sign3A_247 = arith.subi %sign3A_243, %sign3A_246 : i32
      %sign3A_248 = arith.constant 0 : i32
      %sign3A_249 = arith.cmpi sgt, %jit3A_239, %sign3A_248 : i32
      %sign3A_250 = arith.extui %sign3A_249 : i1 to i32
      %sign3A_251 = arith.constant 0 : i32
      %sign3A_252 = arith.cmpi slt, %jit3A_239, %sign3A_251 : i32
      %sign3A_253 = arith.extui %sign3A_252 : i1 to i32
      %sign3A_254 = arith.subi %sign3A_250, %sign3A_253 : i32
      %ne3A_255 = arith.cmpi ne, %sign3A_247, %sign3A_254 : i32
      %rem3A_256 = arith.remsi %add3A_238, %jit3A_239 : i32
      %ne3A_257 = arith.constant 0 : i32
      %ne3A_258 = arith.cmpi ne, %rem3A_256, %ne3A_257 : i32
      %and3A_259 = arith.andi %ne3A_255, %ne3A_258 : i1
      %sub3A_260 = arith.constant 1 : i32
      %sub3A_261 = arith.subi %div3A_240, %sub3A_260 : i32
      %select_n3A_262 = arith.select %and3A_259, %sub3A_261, %div3A_240 : i32
      %jit3A_263 = arith.constant 8 : i32
      %eq3A_264 = arith.constant 0 : i32
      %eq3A_265 = arith.cmpi eq, %jit3A_263, %eq3A_264 : i32
      %jit3A_266 = arith.constant 1 : i32
      %select_n3A_267 = arith.select %eq3A_265, %jit3A_266, %jit3A_263 : i32
      %rem3A_268 = arith.remsi %add3A_238, %select_n3A_267 : i32
      %ne3A_269 = arith.constant 0 : i32
      %ne3A_270 = arith.cmpi ne, %rem3A_268, %ne3A_269 : i32
      %lt3A_271 = arith.constant 0 : i32
      %lt3A_272 = arith.cmpi slt, %rem3A_268, %lt3A_271 : i32
      %lt3A_273 = arith.constant 0 : i32
      %lt3A_274 = arith.cmpi slt, %select_n3A_267, %lt3A_273 : i32
      %ne3A_275 = arith.xori %lt3A_272, %lt3A_274 : i1
      %and3A_276 = arith.andi %ne3A_275, %ne3A_270 : i1
      %add3A_277 = arith.addi %rem3A_268, %select_n3A_267 : i32
      %select_n3A_278 = arith.select %and3A_276, %add3A_277, %rem3A_268 : i32
      %dma_start3A_279 = arith.constant 0 : i32
      %dma_start3A_280 = arith.constant 1 : i32
      %dma_start3A_281 = arith.constant 0 : i32
      %dma_start3A_282 = arith.constant 0 : i32
      %dma_start3A_283 = tpu.memref_slice %arg8[%dma_start3A_280, %dma_start3A_281, %dma_start3A_282] : memref<2x128x64xf32, #tpu.memory_space<vmem>> -> memref<1x128x64xf32, #tpu.memory_space<vmem>>
      %dma_start3A_284 = tpu.memref_squeeze %dma_start3A_283 : memref<1x128x64xf32, #tpu.memory_space<vmem>> -> memref<128x64xf32, #tpu.memory_space<vmem>>
      %dma_start3A_285 = arith.constant 0 : i32
      %dma_start3A_286 = tpu.memref_slice %arg6[%select_n3A_262, %dma_start3A_279, %select_n3A_278, %dma_start3A_285] : memref<8x1x8x128xi32, #tpu.memory_space<vmem>> -> memref<1x1x1x128xi32, #tpu.memory_space<vmem>>
      %dma_start3A_287 = tpu.memref_squeeze %dma_start3A_286 : memref<1x1x1x128xi32, #tpu.memory_space<vmem>> -> memref<128xi32, #tpu.memory_space<vmem>>
      %dma_start3A_288 = arith.constant 0 : i32
      %dma_start3A_289 = arith.constant 0 : i32
      %dma_start3A_290 = tpu.memref_slice %arg3[%dma_start3A_288, %dma_start3A_289] : memref<100000x64xf32, #tpu.memory_space<hbm>> -> memref<100000x64xf32, #tpu.memory_space<hbm>>
      tpu.enqueue_indirect_dma source(%dma_start3A_290 : memref<100000x64xf32, #tpu.memory_space<hbm>>) target(%dma_start3A_284 : memref<128x64xf32, #tpu.memory_space<vmem>>) offsets(%dma_start3A_287 : memref<128xi32, #tpu.memory_space<vmem>>) semaphore(%arg12 : memref<!tpu.dma_semaphore, #tpu.memory_space<semaphore_mem>>)
      %jit3A_291 = arith.constant 8 : i32
      %eq3A_292 = arith.constant 0 : i32
      %eq3A_293 = arith.cmpi eq, %jit3A_291, %eq3A_292 : i32
      %jit3A_294 = arith.constant 1 : i32
      %select_n3A_295 = arith.select %eq3A_293, %jit3A_294, %jit3A_291 : i32
      %rem3A_296 = arith.remsi %mul3A_32, %select_n3A_295 : i32
      %ne3A_297 = arith.constant 0 : i32
      %ne3A_298 = arith.cmpi ne, %rem3A_296, %ne3A_297 : i32
      %lt3A_299 = arith.constant 0 : i32
      %lt3A_300 = arith.cmpi slt, %rem3A_296, %lt3A_299 : i32
      %lt3A_301 = arith.constant 0 : i32
      %lt3A_302 = arith.cmpi slt, %select_n3A_295, %lt3A_301 : i32
      %ne3A_303 = arith.xori %lt3A_300, %lt3A_302 : i1
      %and3A_304 = arith.andi %ne3A_303, %ne3A_298 : i1
      %add3A_305 = arith.addi %rem3A_296, %select_n3A_295 : i32
      %select_n3A_306 = arith.select %and3A_304, %add3A_305, %rem3A_296 : i32
      %add3A_307 = arith.constant 0 : i32
      %add3A_308 = arith.addi %add3A_307, %select_n3A_306 : i32
      %jit3A_309 = arith.constant 8 : i32
      %div3A_310 = arith.divsi %add3A_308, %jit3A_309 : i32
      %sign3A_311 = arith.constant 0 : i32
      %sign3A_312 = arith.cmpi sgt, %add3A_308, %sign3A_311 : i32
      %sign3A_313 = arith.extui %sign3A_312 : i1 to i32
      %sign3A_314 = arith.constant 0 : i32
      %sign3A_315 = arith.cmpi slt, %add3A_308, %sign3A_314 : i32
      %sign3A_316 = arith.extui %sign3A_315 : i1 to i32
      %sign3A_317 = arith.subi %sign3A_313, %sign3A_316 : i32
      %sign3A_318 = arith.constant 0 : i32
      %sign3A_319 = arith.cmpi sgt, %jit3A_309, %sign3A_318 : i32
      %sign3A_320 = arith.extui %sign3A_319 : i1 to i32
      %sign3A_321 = arith.constant 0 : i32
      %sign3A_322 = arith.cmpi slt, %jit3A_309, %sign3A_321 : i32
      %sign3A_323 = arith.extui %sign3A_322 : i1 to i32
      %sign3A_324 = arith.subi %sign3A_320, %sign3A_323 : i32
      %ne3A_325 = arith.cmpi ne, %sign3A_317, %sign3A_324 : i32
      %rem3A_326 = arith.remsi %add3A_308, %jit3A_309 : i32
      %ne3A_327 = arith.constant 0 : i32
      %ne3A_328 = arith.cmpi ne, %rem3A_326, %ne3A_327 : i32
      %and3A_329 = arith.andi %ne3A_325, %ne3A_328 : i1
      %sub3A_330 = arith.constant 1 : i32
      %sub3A_331 = arith.subi %div3A_310, %sub3A_330 : i32
      %select_n3A_332 = arith.select %and3A_329, %sub3A_331, %div3A_310 : i32
      %jit3A_333 = arith.constant 8 : i32
      %eq3A_334 = arith.constant 0 : i32
      %eq3A_335 = arith.cmpi eq, %jit3A_333, %eq3A_334 : i32
      %jit3A_336 = arith.constant 1 : i32
      %select_n3A_337 = arith.select %eq3A_335, %jit3A_336, %jit3A_333 : i32
      %rem3A_338 = arith.remsi %add3A_308, %select_n3A_337 : i32
      %ne3A_339 = arith.constant 0 : i32
      %ne3A_340 = arith.cmpi ne, %rem3A_338, %ne3A_339 : i32
      %lt3A_341 = arith.constant 0 : i32
      %lt3A_342 = arith.cmpi slt, %rem3A_338, %lt3A_341 : i32
      %lt3A_343 = arith.constant 0 : i32
      %lt3A_344 = arith.cmpi slt, %select_n3A_337, %lt3A_343 : i32
      %ne3A_345 = arith.xori %lt3A_342, %lt3A_344 : i1
      %and3A_346 = arith.andi %ne3A_345, %ne3A_340 : i1
      %add3A_347 = arith.addi %rem3A_338, %select_n3A_337 : i32
      %select_n3A_348 = arith.select %and3A_346, %add3A_347, %rem3A_338 : i32
      %dma_wait3A_349 = arith.constant 0 : i32
      %dma_wait3A_350 = arith.constant 0 : i32
      %dma_wait3A_351 = arith.constant 0 : i32
      %dma_wait3A_352 = arith.constant 0 : i32
      %dma_wait3A_353 = tpu.memref_slice %arg8[%dma_wait3A_350, %dma_wait3A_351, %dma_wait3A_352] : memref<2x128x64xf32, #tpu.memory_space<vmem>> -> memref<1x128x64xf32, #tpu.memory_space<vmem>>
      %dma_wait3A_354 = tpu.memref_squeeze %dma_wait3A_353 : memref<1x128x64xf32, #tpu.memory_space<vmem>> -> memref<128x64xf32, #tpu.memory_space<vmem>>
      %dma_wait3A_355 = arith.constant 0 : i32
      %dma_wait3A_356 = tpu.memref_slice %arg6[%select_n3A_332, %dma_wait3A_349, %select_n3A_348, %dma_wait3A_355] : memref<8x1x8x128xi32, #tpu.memory_space<vmem>> -> memref<1x1x1x128xi32, #tpu.memory_space<vmem>>
      %dma_wait3A_357 = tpu.memref_squeeze %dma_wait3A_356 : memref<1x1x1x128xi32, #tpu.memory_space<vmem>> -> memref<128xi32, #tpu.memory_space<vmem>>
      %dma_wait3A_358 = arith.constant 0 : i32
      %dma_wait3A_359 = arith.constant 0 : i32
      %dma_wait3A_360 = tpu.memref_slice %arg3[%dma_wait3A_358, %dma_wait3A_359] : memref<100000x64xf32, #tpu.memory_space<hbm>> -> memref<100000x64xf32, #tpu.memory_space<hbm>>
      tpu.wait_indirect_dma semaphore(%arg11 : memref<!tpu.dma_semaphore, #tpu.memory_space<semaphore_mem>>) src(%dma_wait3A_360 : memref<100000x64xf32, #tpu.memory_space<hbm>>) dst(%dma_wait3A_354 : memref<128x64xf32, #tpu.memory_space<vmem>>)
      %get3A = arith.index_cast %mul3A_217 : i32 to index
      %get3A_361 = arith.constant 0 : index
      %get3A_362 = tpu.vector_load %arg7[%get3A, %get3A_361] {strides = array<i32>} : memref<50x80xf32, #tpu.memory_space<vmem>>, vector<16xf32>,
      %get3A_363 = arith.index_cast %mul3A_217 : i32 to index
      %get3A_364 = arith.constant 16 : index
      %get3A_365 = tpu.vector_load %arg7[%get3A_363, %get3A_364] {strides = array<i32>} : memref<50x80xf32, #tpu.memory_space<vmem>>, vector<16xf32>,
      %get3A_366 = arith.index_cast %mul3A_217 : i32 to index
      %get3A_367 = arith.constant 32 : index
      %get3A_368 = tpu.vector_load %arg7[%get3A_366, %get3A_367] {strides = array<i32>} : memref<50x80xf32, #tpu.memory_space<vmem>>, vector<16xf32>,
      %get3A_369 = arith.index_cast %mul3A_217 : i32 to index
      %get3A_370 = arith.constant 48 : index
      %get3A_371 = tpu.vector_load %arg7[%get3A_369, %get3A_370] {strides = array<i32>} : memref<50x80xf32, #tpu.memory_space<vmem>>, vector<16xf32>,
      %parallel_loop3A = arith.constant 0 : i32
      %parallel_loop3A_372 = arith.constant 128 : i32
      %parallel_loop3A_373 = arith.constant 1 : i32
      scf.for %parallel_loop3A_523 = %parallel_loop3A to %parallel_loop3A_372 step %parallel_loop3A_373  : i32 {
        %parallel_loop3A_524 = arith.constant 0 : i32
        %parallel_loop3A_525 = arith.index_cast %parallel_loop3A_524 : i32 to index
        %parallel_loop3A_526 = arith.index_cast %parallel_loop3A_523 : i32 to index
        %parallel_loop3A_527 = arith.constant 0 : index
        %parallel_loop3A_528 = tpu.vector_load %arg8[%parallel_loop3A_525, %parallel_loop3A_526, %parallel_loop3A_527] {strides = array<i32>} : memref<2x128x64xf32, #tpu.memory_space<vmem>>, vector<16xf32>,
        %parallel_loop3A_529 = arith.addf %parallel_loop3A_528, %get3A_362 : vector<16xf32>
        %parallel_loop3A_530 = arith.index_cast %parallel_loop3A_523 : i32 to index
        %parallel_loop3A_531 = arith.constant 0 : index
        %parallel_loop3A_532 = tpu.vector_load %arg9[%parallel_loop3A_530, %parallel_loop3A_531] {strides = array<i32>} : memref<128x72xf32, #tpu.memory_space<vmem>>, vector<16xf32>,
        tpu.vector_store %arg9[%parallel_loop3A_530, %parallel_loop3A_531], %parallel_loop3A_529 {strides = array<i32>} : memref<128x72xf32, #tpu.memory_space<vmem>>, vector<16xf32>,
        %parallel_loop3A_533 = arith.constant 0 : i32
        %parallel_loop3A_534 = arith.index_cast %parallel_loop3A_533 : i32 to index
        %parallel_loop3A_535 = arith.index_cast %parallel_loop3A_523 : i32 to index
        %parallel_loop3A_536 = arith.constant 16 : index
        %parallel_loop3A_537 = tpu.vector_load %arg8[%parallel_loop3A_534, %parallel_loop3A_535, %parallel_loop3A_536] {strides = array<i32>} : memref<2x128x64xf32, #tpu.memory_space<vmem>>, vector<16xf32>,
        %parallel_loop3A_538 = arith.addf %parallel_loop3A_537, %get3A_365 : vector<16xf32>
        %parallel_loop3A_539 = arith.index_cast %parallel_loop3A_523 : i32 to index
        %parallel_loop3A_540 = arith.constant 16 : index
        %parallel_loop3A_541 = tpu.vector_load %arg9[%parallel_loop3A_539, %parallel_loop3A_540] {strides = array<i32>} : memref<128x72xf32, #tpu.memory_space<vmem>>, vector<16xf32>,
        tpu.vector_store %arg9[%parallel_loop3A_539, %parallel_loop3A_540], %parallel_loop3A_538 {strides = array<i32>} : memref<128x72xf32, #tpu.memory_space<vmem>>, vector<16xf32>,
        %parallel_loop3A_542 = arith.constant 0 : i32
        %parallel_loop3A_543 = arith.index_cast %parallel_loop3A_542 : i32 to index
        %parallel_loop3A_544 = arith.index_cast %parallel_loop3A_523 : i32 to index
        %parallel_loop3A_545 = arith.constant 32 : index
        %parallel_loop3A_546 = tpu.vector_load %arg8[%parallel_loop3A_543, %parallel_loop3A_544, %parallel_loop3A_545] {strides = array<i32>} : memref<2x128x64xf32, #tpu.memory_space<vmem>>, vector<16xf32>,
        %parallel_loop3A_547 = arith.addf %parallel_loop3A_546, %get3A_368 : vector<16xf32>
        %parallel_loop3A_548 = arith.index_cast %parallel_loop3A_523 : i32 to index
        %parallel_loop3A_549 = arith.constant 32 : index
        %parallel_loop3A_550 = tpu.vector_load %arg9[%parallel_loop3A_548, %parallel_loop3A_549] {strides = array<i32>} : memref<128x72xf32, #tpu.memory_space<vmem>>, vector<16xf32>,
        tpu.vector_store %arg9[%parallel_loop3A_548, %parallel_loop3A_549], %parallel_loop3A_547 {strides = array<i32>} : memref<128x72xf32, #tpu.memory_space<vmem>>, vector<16xf32>,
        %parallel_loop3A_551 = arith.constant 0 : i32
        %parallel_loop3A_552 = arith.index_cast %parallel_loop3A_551 : i32 to index
        %parallel_loop3A_553 = arith.index_cast %parallel_loop3A_523 : i32 to index
        %parallel_loop3A_554 = arith.constant 48 : index
        %parallel_loop3A_555 = tpu.vector_load %arg8[%parallel_loop3A_552, %parallel_loop3A_553, %parallel_loop3A_554] {strides = array<i32>} : memref<2x128x64xf32, #tpu.memory_space<vmem>>, vector<16xf32>,
        %parallel_loop3A_556 = arith.addf %parallel_loop3A_555, %get3A_371 : vector<16xf32>
        %parallel_loop3A_557 = arith.index_cast %parallel_loop3A_523 : i32 to index
        %parallel_loop3A_558 = arith.constant 48 : index
        %parallel_loop3A_559 = tpu.vector_load %arg9[%parallel_loop3A_557, %parallel_loop3A_558] {strides = array<i32>} : memref<128x72xf32, #tpu.memory_space<vmem>>, vector<16xf32>,
        tpu.vector_store %arg9[%parallel_loop3A_557, %parallel_loop3A_558], %parallel_loop3A_556 {strides = array<i32>} : memref<128x72xf32, #tpu.memory_space<vmem>>, vector<16xf32>,
      } {sc.loop_unroll_factor = 4 : i64, sc.parallel_access}
      %parallel_loop3A_374 = arith.constant 0 : i32
      %parallel_loop3A_375 = arith.constant 8 : i32
      %parallel_loop3A_376 = arith.constant 1 : i32
      scf.for %parallel_loop3A_523 = %parallel_loop3A_374 to %parallel_loop3A_375 step %parallel_loop3A_376  : i32 {
        %parallel_loop3A_524 = arith.constant 8 : i32
        %parallel_loop3A_525 = arith.muli %parallel_loop3A_523, %parallel_loop3A_524 : i32
        %parallel_loop3A_526 = arith.constant 0 : i32
        %parallel_loop3A_527 = arith.addi %parallel_loop3A_525, %parallel_loop3A_526 : i32
        %parallel_loop3A_528 = arith.constant 0 : i32
        %parallel_loop3A_529 = vector.broadcast %parallel_loop3A_528 : i32 to vector<16xi32>
        %parallel_loop3A_530 = vector.broadcast %parallel_loop3A_527 : i32 to vector<16xi32>
        %parallel_loop3A_531 = arith.addi %parallel_loop3A_529, %parallel_loop3A_530 : vector<16xi32>
        %parallel_loop3A_532 = tpu.vector_load_idx %arg9[%add3A_59, %parallel_loop3A_531] : memref<128x72xf32, #tpu.memory_space<vmem>>[vector<16xi32>, vector<16xi32>], vector<16xf32>,
        %parallel_loop3A_533 = tpu.vector_load_idx %arg9[%add3A_63, %parallel_loop3A_531] : memref<128x72xf32, #tpu.memory_space<vmem>>[vector<16xi32>, vector<16xi32>], vector<16xf32>,
        %parallel_loop3A_534 = tpu.vector_load_idx %arg9[%add3A_67, %parallel_loop3A_531] : memref<128x72xf32, #tpu.memory_space<vmem>>[vector<16xi32>, vector<16xi32>], vector<16xf32>,
        %parallel_loop3A_535 = tpu.vector_load_idx %arg9[%add3A_71, %parallel_loop3A_531] : memref<128x72xf32, #tpu.memory_space<vmem>>[vector<16xi32>, vector<16xi32>], vector<16xf32>,
        %parallel_loop3A_536 = tpu.vector_load_idx %arg9[%add3A_75, %parallel_loop3A_531] : memref<128x72xf32, #tpu.memory_space<vmem>>[vector<16xi32>, vector<16xi32>], vector<16xf32>,
        %parallel_loop3A_537 = tpu.vector_load_idx %arg9[%add3A_79, %parallel_loop3A_531] : memref<128x72xf32, #tpu.memory_space<vmem>>[vector<16xi32>, vector<16xi32>], vector<16xf32>,
        %parallel_loop3A_538 = tpu.vector_load_idx %arg9[%add3A_83, %parallel_loop3A_531] : memref<128x72xf32, #tpu.memory_space<vmem>>[vector<16xi32>, vector<16xi32>], vector<16xf32>,
        %parallel_loop3A_539 = tpu.vector_load_idx %arg9[%add3A_87, %parallel_loop3A_531] : memref<128x72xf32, #tpu.memory_space<vmem>>[vector<16xi32>, vector<16xi32>], vector<16xf32>,
        %parallel_loop3A_540 = arith.constant 0 : i32
        %parallel_loop3A_541 = arith.constant 0 : i32
        %parallel_loop3A_542 = arith.constant 0 : i32
        %parallel_loop3A_543 = arith.index_cast %parallel_loop3A_540 : i32 to index
        %parallel_loop3A_544 = arith.index_cast %parallel_loop3A_523 : i32 to index
        %parallel_loop3A_545 = arith.index_cast %parallel_loop3A_541 : i32 to index
        %parallel_loop3A_546 = arith.index_cast %parallel_loop3A_542 : i32 to index
        %parallel_loop3A_547 = arith.constant 0 : index
        %parallel_loop3A_548 = tpu.vector_load %arg10[%parallel_loop3A_543, %parallel_loop3A_544, %parallel_loop3A_545, %parallel_loop3A_546, %parallel_loop3A_547] {strides = array<i32>} : memref<2x8x1x8x128xf32, #tpu.memory_space<vmem>>, vector<16xf32>,
        tpu.vector_store %arg10[%parallel_loop3A_543, %parallel_loop3A_544, %parallel_loop3A_545, %parallel_loop3A_546, %parallel_loop3A_547], %parallel_loop3A_532 {strides = array<i32>} : memref<2x8x1x8x128xf32, #tpu.memory_space<vmem>>, vector<16xf32>,
        %parallel_loop3A_549 = arith.constant 0 : i32
        %parallel_loop3A_550 = arith.constant 0 : i32
        %parallel_loop3A_551 = arith.constant 0 : i32
        %parallel_loop3A_552 = arith.index_cast %parallel_loop3A_549 : i32 to index
        %parallel_loop3A_553 = arith.index_cast %parallel_loop3A_523 : i32 to index
        %parallel_loop3A_554 = arith.index_cast %parallel_loop3A_550 : i32 to index
        %parallel_loop3A_555 = arith.index_cast %parallel_loop3A_551 : i32 to index
        %parallel_loop3A_556 = arith.constant 16 : index
        %parallel_loop3A_557 = tpu.vector_load %arg10[%parallel_loop3A_552, %parallel_loop3A_553, %parallel_loop3A_554, %parallel_loop3A_555, %parallel_loop3A_556] {strides = array<i32>} : memref<2x8x1x8x128xf32, #tpu.memory_space<vmem>>, vector<16xf32>,
        tpu.vector_store %arg10[%parallel_loop3A_552, %parallel_loop3A_553, %parallel_loop3A_554, %parallel_loop3A_555, %parallel_loop3A_556], %parallel_loop3A_533 {strides = array<i32>} : memref<2x8x1x8x128xf32, #tpu.memory_space<vmem>>, vector<16xf32>,
        %parallel_loop3A_558 = arith.constant 0 : i32
        %parallel_loop3A_559 = arith.constant 0 : i32
        %parallel_loop3A_560 = arith.constant 0 : i32
        %parallel_loop3A_561 = arith.index_cast %parallel_loop3A_558 : i32 to index
        %parallel_loop3A_562 = arith.index_cast %parallel_loop3A_523 : i32 to index
        %parallel_loop3A_563 = arith.index_cast %parallel_loop3A_559 : i32 to index
        %parallel_loop3A_564 = arith.index_cast %parallel_loop3A_560 : i32 to index
        %parallel_loop3A_565 = arith.constant 32 : index
        %parallel_loop3A_566 = tpu.vector_load %arg10[%parallel_loop3A_561, %parallel_loop3A_562, %parallel_loop3A_563, %parallel_loop3A_564, %parallel_loop3A_565] {strides = array<i32>} : memref<2x8x1x8x128xf32, #tpu.memory_space<vmem>>, vector<16xf32>,
        tpu.vector_store %arg10[%parallel_loop3A_561, %parallel_loop3A_562, %parallel_loop3A_563, %parallel_loop3A_564, %parallel_loop3A_565], %parallel_loop3A_534 {strides = array<i32>} : memref<2x8x1x8x128xf32, #tpu.memory_space<vmem>>, vector<16xf32>,
        %parallel_loop3A_567 = arith.constant 0 : i32
        %parallel_loop3A_568 = arith.constant 0 : i32
        %parallel_loop3A_569 = arith.constant 0 : i32
        %parallel_loop3A_570 = arith.index_cast %parallel_loop3A_567 : i32 to index
        %parallel_loop3A_571 = arith.index_cast %parallel_loop3A_523 : i32 to index
        %parallel_loop3A_572 = arith.index_cast %parallel_loop3A_568 : i32 to index
        %parallel_loop3A_573 = arith.index_cast %parallel_loop3A_569 : i32 to index
        %parallel_loop3A_574 = arith.constant 48 : index
        %parallel_loop3A_575 = tpu.vector_load %arg10[%parallel_loop3A_570, %parallel_loop3A_571, %parallel_loop3A_572, %parallel_loop3A_573, %parallel_loop3A_574] {strides = array<i32>} : memref<2x8x1x8x128xf32, #tpu.memory_space<vmem>>, vector<16xf32>,
        tpu.vector_store %arg10[%parallel_loop3A_570, %parallel_loop3A_571, %parallel_loop3A_572, %parallel_loop3A_573, %parallel_loop3A_574], %parallel_loop3A_535 {strides = array<i32>} : memref<2x8x1x8x128xf32, #tpu.memory_space<vmem>>, vector<16xf32>,
        %parallel_loop3A_576 = arith.constant 0 : i32
        %parallel_loop3A_577 = arith.constant 0 : i32
        %parallel_loop3A_578 = arith.constant 0 : i32
        %parallel_loop3A_579 = arith.index_cast %parallel_loop3A_576 : i32 to index
        %parallel_loop3A_580 = arith.index_cast %parallel_loop3A_523 : i32 to index
        %parallel_loop3A_581 = arith.index_cast %parallel_loop3A_577 : i32 to index
        %parallel_loop3A_582 = arith.index_cast %parallel_loop3A_578 : i32 to index
        %parallel_loop3A_583 = arith.constant 64 : index
        %parallel_loop3A_584 = tpu.vector_load %arg10[%parallel_loop3A_579, %parallel_loop3A_580, %parallel_loop3A_581, %parallel_loop3A_582, %parallel_loop3A_583] {strides = array<i32>} : memref<2x8x1x8x128xf32, #tpu.memory_space<vmem>>, vector<16xf32>,
        tpu.vector_store %arg10[%parallel_loop3A_579, %parallel_loop3A_580, %parallel_loop3A_581, %parallel_loop3A_582, %parallel_loop3A_583], %parallel_loop3A_536 {strides = array<i32>} : memref<2x8x1x8x128xf32, #tpu.memory_space<vmem>>, vector<16xf32>,
        %parallel_loop3A_585 = arith.constant 0 : i32
        %parallel_loop3A_586 = arith.constant 0 : i32
        %parallel_loop3A_587 = arith.constant 0 : i32
        %parallel_loop3A_588 = arith.index_cast %parallel_loop3A_585 : i32 to index
        %parallel_loop3A_589 = arith.index_cast %parallel_loop3A_523 : i32 to index
        %parallel_loop3A_590 = arith.index_cast %parallel_loop3A_586 : i32 to index
        %parallel_loop3A_591 = arith.index_cast %parallel_loop3A_587 : i32 to index
        %parallel_loop3A_592 = arith.constant 80 : index
        %parallel_loop3A_593 = tpu.vector_load %arg10[%parallel_loop3A_588, %parallel_loop3A_589, %parallel_loop3A_590, %parallel_loop3A_591, %parallel_loop3A_592] {strides = array<i32>} : memref<2x8x1x8x128xf32, #tpu.memory_space<vmem>>, vector<16xf32>,
        tpu.vector_store %arg10[%parallel_loop3A_588, %parallel_loop3A_589, %parallel_loop3A_590, %parallel_loop3A_591, %parallel_loop3A_592], %parallel_loop3A_537 {strides = array<i32>} : memref<2x8x1x8x128xf32, #tpu.memory_space<vmem>>, vector<16xf32>,
        %parallel_loop3A_594 = arith.constant 0 : i32
        %parallel_loop3A_595 = arith.constant 0 : i32
        %parallel_loop3A_596 = arith.constant 0 : i32
        %parallel_loop3A_597 = arith.index_cast %parallel_loop3A_594 : i32 to index
        %parallel_loop3A_598 = arith.index_cast %parallel_loop3A_523 : i32 to index
        %parallel_loop3A_599 = arith.index_cast %parallel_loop3A_595 : i32 to index
        %parallel_loop3A_600 = arith.index_cast %parallel_loop3A_596 : i32 to index
        %parallel_loop3A_601 = arith.constant 96 : index
        %parallel_loop3A_602 = tpu.vector_load %arg10[%parallel_loop3A_597, %parallel_loop3A_598, %parallel_loop3A_599, %parallel_loop3A_600, %parallel_loop3A_601] {strides = array<i32>} : memref<2x8x1x8x128xf32, #tpu.memory_space<vmem>>, vector<16xf32>,
        tpu.vector_store %arg10[%parallel_loop3A_597, %parallel_loop3A_598, %parallel_loop3A_599, %parallel_loop3A_600, %parallel_loop3A_601], %parallel_loop3A_538 {strides = array<i32>} : memref<2x8x1x8x128xf32, #tpu.memory_space<vmem>>, vector<16xf32>,
        %parallel_loop3A_603 = arith.constant 0 : i32
        %parallel_loop3A_604 = arith.constant 0 : i32
        %parallel_loop3A_605 = arith.constant 0 : i32
        %parallel_loop3A_606 = arith.index_cast %parallel_loop3A_603 : i32 to index
        %parallel_loop3A_607 = arith.index_cast %parallel_loop3A_523 : i32 to index
        %parallel_loop3A_608 = arith.index_cast %parallel_loop3A_604 : i32 to index
        %parallel_loop3A_609 = arith.index_cast %parallel_loop3A_605 : i32 to index
        %parallel_loop3A_610 = arith.constant 112 : index
        %parallel_loop3A_611 = tpu.vector_load %arg10[%parallel_loop3A_606, %parallel_loop3A_607, %parallel_loop3A_608, %parallel_loop3A_609, %parallel_loop3A_610] {strides = array<i32>} : memref<2x8x1x8x128xf32, #tpu.memory_space<vmem>>, vector<16xf32>,
        tpu.vector_store %arg10[%parallel_loop3A_606, %parallel_loop3A_607, %parallel_loop3A_608, %parallel_loop3A_609, %parallel_loop3A_610], %parallel_loop3A_539 {strides = array<i32>} : memref<2x8x1x8x128xf32, #tpu.memory_space<vmem>>, vector<16xf32>,
        %parallel_loop3A_612 = arith.constant 8 : i32
        %parallel_loop3A_613 = arith.muli %parallel_loop3A_523, %parallel_loop3A_612 : i32
        %parallel_loop3A_614 = arith.constant 1 : i32
        %parallel_loop3A_615 = arith.addi %parallel_loop3A_613, %parallel_loop3A_614 : i32
        %parallel_loop3A_616 = arith.constant 0 : i32
        %parallel_loop3A_617 = vector.broadcast %parallel_loop3A_616 : i32 to vector<16xi32>
        %parallel_loop3A_618 = vector.broadcast %parallel_loop3A_615 : i32 to vector<16xi32>
        %parallel_loop3A_619 = arith.addi %parallel_loop3A_617, %parallel_loop3A_618 : vector<16xi32>
        %parallel_loop3A_620 = tpu.vector_load_idx %arg9[%add3A_59, %parallel_loop3A_619] : memref<128x72xf32, #tpu.memory_space<vmem>>[vector<16xi32>, vector<16xi32>], vector<16xf32>,
        %parallel_loop3A_621 = tpu.vector_load_idx %arg9[%add3A_63, %parallel_loop3A_619] : memref<128x72xf32, #tpu.memory_space<vmem>>[vector<16xi32>, vector<16xi32>], vector<16xf32>,
        %parallel_loop3A_622 = tpu.vector_load_idx %arg9[%add3A_67, %parallel_loop3A_619] : memref<128x72xf32, #tpu.memory_space<vmem>>[vector<16xi32>, vector<16xi32>], vector<16xf32>,
        %parallel_loop3A_623 = tpu.vector_load_idx %arg9[%add3A_71, %parallel_loop3A_619] : memref<128x72xf32, #tpu.memory_space<vmem>>[vector<16xi32>, vector<16xi32>], vector<16xf32>,
        %parallel_loop3A_624 = tpu.vector_load_idx %arg9[%add3A_75, %parallel_loop3A_619] : memref<128x72xf32, #tpu.memory_space<vmem>>[vector<16xi32>, vector<16xi32>], vector<16xf32>,
        %parallel_loop3A_625 = tpu.vector_load_idx %arg9[%add3A_79, %parallel_loop3A_619] : memref<128x72xf32, #tpu.memory_space<vmem>>[vector<16xi32>, vector<16xi32>], vector<16xf32>,
        %parallel_loop3A_626 = tpu.vector_load_idx %arg9[%add3A_83, %parallel_loop3A_619] : memref<128x72xf32, #tpu.memory_space<vmem>>[vector<16xi32>, vector<16xi32>], vector<16xf32>,
        %parallel_loop3A_627 = tpu.vector_load_idx %arg9[%add3A_87, %parallel_loop3A_619] : memref<128x72xf32, #tpu.memory_space<vmem>>[vector<16xi32>, vector<16xi32>], vector<16xf32>,
        %parallel_loop3A_628 = arith.constant 0 : i32
        %parallel_loop3A_629 = arith.constant 0 : i32
        %parallel_loop3A_630 = arith.constant 1 : i32
        %parallel_loop3A_631 = arith.index_cast %parallel_loop3A_628 : i32 to index
        %parallel_loop3A_632 = arith.index_cast %parallel_loop3A_523 : i32 to index
        %parallel_loop3A_633 = arith.index_cast %parallel_loop3A_629 : i32 to index
        %parallel_loop3A_634 = arith.index_cast %parallel_loop3A_630 : i32 to index
        %parallel_loop3A_635 = arith.constant 0 : index
        %parallel_loop3A_636 = tpu.vector_load %arg10[%parallel_loop3A_631, %parallel_loop3A_632, %parallel_loop3A_633, %parallel_loop3A_634, %parallel_loop3A_635] {strides = array<i32>} : memref<2x8x1x8x128xf32, #tpu.memory_space<vmem>>, vector<16xf32>,
        tpu.vector_store %arg10[%parallel_loop3A_631, %parallel_loop3A_632, %parallel_loop3A_633, %parallel_loop3A_634, %parallel_loop3A_635], %parallel_loop3A_620 {strides = array<i32>} : memref<2x8x1x8x128xf32, #tpu.memory_space<vmem>>, vector<16xf32>,
        %parallel_loop3A_637 = arith.constant 0 : i32
        %parallel_loop3A_638 = arith.constant 0 : i32
        %parallel_loop3A_639 = arith.constant 1 : i32
        %parallel_loop3A_640 = arith.index_cast %parallel_loop3A_637 : i32 to index
        %parallel_loop3A_641 = arith.index_cast %parallel_loop3A_523 : i32 to index
        %parallel_loop3A_642 = arith.index_cast %parallel_loop3A_638 : i32 to index
        %parallel_loop3A_643 = arith.index_cast %parallel_loop3A_639 : i32 to index
        %parallel_loop3A_644 = arith.constant 16 : index
        %parallel_loop3A_645 = tpu.vector_load %arg10[%parallel_loop3A_640, %parallel_loop3A_641, %parallel_loop3A_642, %parallel_loop3A_643, %parallel_loop3A_644] {strides = array<i32>} : memref<2x8x1x8x128xf32, #tpu.memory_space<vmem>>, vector<16xf32>,
        tpu.vector_store %arg10[%parallel_loop3A_640, %parallel_loop3A_641, %parallel_loop3A_642, %parallel_loop3A_643, %parallel_loop3A_644], %parallel_loop3A_621 {strides = array<i32>} : memref<2x8x1x8x128xf32, #tpu.memory_space<vmem>>, vector<16xf32>,
        %parallel_loop3A_646 = arith.constant 0 : i32
        %parallel_loop3A_647 = arith.constant 0 : i32
        %parallel_loop3A_648 = arith.constant 1 : i32
        %parallel_loop3A_649 = arith.index_cast %parallel_loop3A_646 : i32 to index
        %parallel_loop3A_650 = arith.index_cast %parallel_loop3A_523 : i32 to index
        %parallel_loop3A_651 = arith.index_cast %parallel_loop3A_647 : i32 to index
        %parallel_loop3A_652 = arith.index_cast %parallel_loop3A_648 : i32 to index
        %parallel_loop3A_653 = arith.constant 32 : index
        %parallel_loop3A_654 = tpu.vector_load %arg10[%parallel_loop3A_649, %parallel_loop3A_650, %parallel_loop3A_651, %parallel_loop3A_652, %parallel_loop3A_653] {strides = array<i32>} : memref<2x8x1x8x128xf32, #tpu.memory_space<vmem>>, vector<16xf32>,
        tpu.vector_store %arg10[%parallel_loop3A_649, %parallel_loop3A_650, %parallel_loop3A_651, %parallel_loop3A_652, %parallel_loop3A_653], %parallel_loop3A_622 {strides = array<i32>} : memref<2x8x1x8x128xf32, #tpu.memory_space<vmem>>, vector<16xf32>,
        %parallel_loop3A_655 = arith.constant 0 : i32
        %parallel_loop3A_656 = arith.constant 0 : i32
        %parallel_loop3A_657 = arith.constant 1 : i32
        %parallel_loop3A_658 = arith.index_cast %parallel_loop3A_655 : i32 to index
        %parallel_loop3A_659 = arith.index_cast %parallel_loop3A_523 : i32 to index
        %parallel_loop3A_660 = arith.index_cast %parallel_loop3A_656 : i32 to index
        %parallel_loop3A_661 = arith.index_cast %parallel_loop3A_657 : i32 to index
        %parallel_loop3A_662 = arith.constant 48 : index
        %parallel_loop3A_663 = tpu.vector_load %arg10[%parallel_loop3A_658, %parallel_loop3A_659, %parallel_loop3A_660, %parallel_loop3A_661, %parallel_loop3A_662] {strides = array<i32>} : memref<2x8x1x8x128xf32, #tpu.memory_space<vmem>>, vector<16xf32>,
        tpu.vector_store %arg10[%parallel_loop3A_658, %parallel_loop3A_659, %parallel_loop3A_660, %parallel_loop3A_661, %parallel_loop3A_662], %parallel_loop3A_623 {strides = array<i32>} : memref<2x8x1x8x128xf32, #tpu.memory_space<vmem>>, vector<16xf32>,
        %parallel_loop3A_664 = arith.constant 0 : i32
        %parallel_loop3A_665 = arith.constant 0 : i32
        %parallel_loop3A_666 = arith.constant 1 : i32
        %parallel_loop3A_667 = arith.index_cast %parallel_loop3A_664 : i32 to index
        %parallel_loop3A_668 = arith.index_cast %parallel_loop3A_523 : i32 to index
        %parallel_loop3A_669 = arith.index_cast %parallel_loop3A_665 : i32 to index
        %parallel_loop3A_670 = arith.index_cast %parallel_loop3A_666 : i32 to index
        %parallel_loop3A_671 = arith.constant 64 : index
        %parallel_loop3A_672 = tpu.vector_load %arg10[%parallel_loop3A_667, %parallel_loop3A_668, %parallel_loop3A_669, %parallel_loop3A_670, %parallel_loop3A_671] {strides = array<i32>} : memref<2x8x1x8x128xf32, #tpu.memory_space<vmem>>, vector<16xf32>,
        tpu.vector_store %arg10[%parallel_loop3A_667, %parallel_loop3A_668, %parallel_loop3A_669, %parallel_loop3A_670, %parallel_loop3A_671], %parallel_loop3A_624 {strides = array<i32>} : memref<2x8x1x8x128xf32, #tpu.memory_space<vmem>>, vector<16xf32>,
        %parallel_loop3A_673 = arith.constant 0 : i32
        %parallel_loop3A_674 = arith.constant 0 : i32
        %parallel_loop3A_675 = arith.constant 1 : i32
        %parallel_loop3A_676 = arith.index_cast %parallel_loop3A_673 : i32 to index
        %parallel_loop3A_677 = arith.index_cast %parallel_loop3A_523 : i32 to index
        %parallel_loop3A_678 = arith.index_cast %parallel_loop3A_674 : i32 to index
        %parallel_loop3A_679 = arith.index_cast %parallel_loop3A_675 : i32 to index
        %parallel_loop3A_680 = arith.constant 80 : index
        %parallel_loop3A_681 = tpu.vector_load %arg10[%parallel_loop3A_676, %parallel_loop3A_677, %parallel_loop3A_678, %parallel_loop3A_679, %parallel_loop3A_680] {strides = array<i32>} : memref<2x8x1x8x128xf32, #tpu.memory_space<vmem>>, vector<16xf32>,
        tpu.vector_store %arg10[%parallel_loop3A_676, %parallel_loop3A_677, %parallel_loop3A_678, %parallel_loop3A_679, %parallel_loop3A_680], %parallel_loop3A_625 {strides = array<i32>} : memref<2x8x1x8x128xf32, #tpu.memory_space<vmem>>, vector<16xf32>,
        %parallel_loop3A_682 = arith.constant 0 : i32
        %parallel_loop3A_683 = arith.constant 0 : i32
        %parallel_loop3A_684 = arith.constant 1 : i32
        %parallel_loop3A_685 = arith.index_cast %parallel_loop3A_682 : i32 to index
        %parallel_loop3A_686 = arith.index_cast %parallel_loop3A_523 : i32 to index
        %parallel_loop3A_687 = arith.index_cast %parallel_loop3A_683 : i32 to index
        %parallel_loop3A_688 = arith.index_cast %parallel_loop3A_684 : i32 to index
        %parallel_loop3A_689 = arith.constant 96 : index
        %parallel_loop3A_690 = tpu.vector_load %arg10[%parallel_loop3A_685, %parallel_loop3A_686, %parallel_loop3A_687, %parallel_loop3A_688, %parallel_loop3A_689] {strides = array<i32>} : memref<2x8x1x8x128xf32, #tpu.memory_space<vmem>>, vector<16xf32>,
        tpu.vector_store %arg10[%parallel_loop3A_685, %parallel_loop3A_686, %parallel_loop3A_687, %parallel_loop3A_688, %parallel_loop3A_689], %parallel_loop3A_626 {strides = array<i32>} : memref<2x8x1x8x128xf32, #tpu.memory_space<vmem>>, vector<16xf32>,
        %parallel_loop3A_691 = arith.constant 0 : i32
        %parallel_loop3A_692 = arith.constant 0 : i32
        %parallel_loop3A_693 = arith.constant 1 : i32
        %parallel_loop3A_694 = arith.index_cast %parallel_loop3A_691 : i32 to index
        %parallel_loop3A_695 = arith.index_cast %parallel_loop3A_523 : i32 to index
        %parallel_loop3A_696 = arith.index_cast %parallel_loop3A_692 : i32 to index
        %parallel_loop3A_697 = arith.index_cast %parallel_loop3A_693 : i32 to index
        %parallel_loop3A_698 = arith.constant 112 : index
        %parallel_loop3A_699 = tpu.vector_load %arg10[%parallel_loop3A_694, %parallel_loop3A_695, %parallel_loop3A_696, %parallel_loop3A_697, %parallel_loop3A_698] {strides = array<i32>} : memref<2x8x1x8x128xf32, #tpu.memory_space<vmem>>, vector<16xf32>,
        tpu.vector_store %arg10[%parallel_loop3A_694, %parallel_loop3A_695, %parallel_loop3A_696, %parallel_loop3A_697, %parallel_loop3A_698], %parallel_loop3A_627 {strides = array<i32>} : memref<2x8x1x8x128xf32, #tpu.memory_space<vmem>>, vector<16xf32>,
        %parallel_loop3A_700 = arith.constant 8 : i32
        %parallel_loop3A_701 = arith.muli %parallel_loop3A_523, %parallel_loop3A_700 : i32
        %parallel_loop3A_702 = arith.constant 2 : i32
        %parallel_loop3A_703 = arith.addi %parallel_loop3A_701, %parallel_loop3A_702 : i32
        %parallel_loop3A_704 = arith.constant 0 : i32
        %parallel_loop3A_705 = vector.broadcast %parallel_loop3A_704 : i32 to vector<16xi32>
        %parallel_loop3A_706 = vector.broadcast %parallel_loop3A_703 : i32 to vector<16xi32>
        %parallel_loop3A_707 = arith.addi %parallel_loop3A_705, %parallel_loop3A_706 : vector<16xi32>
        %parallel_loop3A_708 = tpu.vector_load_idx %arg9[%add3A_59, %parallel_loop3A_707] : memref<128x72xf32, #tpu.memory_space<vmem>>[vector<16xi32>, vector<16xi32>], vector<16xf32>,
        %parallel_loop3A_709 = tpu.vector_load_idx %arg9[%add3A_63, %parallel_loop3A_707] : memref<128x72xf32, #tpu.memory_space<vmem>>[vector<16xi32>, vector<16xi32>], vector<16xf32>,
        %parallel_loop3A_710 = tpu.vector_load_idx %arg9[%add3A_67, %parallel_loop3A_707] : memref<128x72xf32, #tpu.memory_space<vmem>>[vector<16xi32>, vector<16xi32>], vector<16xf32>,
        %parallel_loop3A_711 = tpu.vector_load_idx %arg9[%add3A_71, %parallel_loop3A_707] : memref<128x72xf32, #tpu.memory_space<vmem>>[vector<16xi32>, vector<16xi32>], vector<16xf32>,
        %parallel_loop3A_712 = tpu.vector_load_idx %arg9[%add3A_75, %parallel_loop3A_707] : memref<128x72xf32, #tpu.memory_space<vmem>>[vector<16xi32>, vector<16xi32>], vector<16xf32>,
        %parallel_loop3A_713 = tpu.vector_load_idx %arg9[%add3A_79, %parallel_loop3A_707] : memref<128x72xf32, #tpu.memory_space<vmem>>[vector<16xi32>, vector<16xi32>], vector<16xf32>,
        %parallel_loop3A_714 = tpu.vector_load_idx %arg9[%add3A_83, %parallel_loop3A_707] : memref<128x72xf32, #tpu.memory_space<vmem>>[vector<16xi32>, vector<16xi32>], vector<16xf32>,
        %parallel_loop3A_715 = tpu.vector_load_idx %arg9[%add3A_87, %parallel_loop3A_707] : memref<128x72xf32, #tpu.memory_space<vmem>>[vector<16xi32>, vector<16xi32>], vector<16xf32>,
        %parallel_loop3A_716 = arith.constant 0 : i32
        %parallel_loop3A_717 = arith.constant 0 : i32
        %parallel_loop3A_718 = arith.constant 2 : i32
        %parallel_loop3A_719 = arith.index_cast %parallel_loop3A_716 : i32 to index
        %parallel_loop3A_720 = arith.index_cast %parallel_loop3A_523 : i32 to index
        %parallel_loop3A_721 = arith.index_cast %parallel_loop3A_717 : i32 to index
        %parallel_loop3A_722 = arith.index_cast %parallel_loop3A_718 : i32 to index
        %parallel_loop3A_723 = arith.constant 0 : index
        %parallel_loop3A_724 = tpu.vector_load %arg10[%parallel_loop3A_719, %parallel_loop3A_720, %parallel_loop3A_721, %parallel_loop3A_722, %parallel_loop3A_723] {strides = array<i32>} : memref<2x8x1x8x128xf32, #tpu.memory_space<vmem>>, vector<16xf32>,
        tpu.vector_store %arg10[%parallel_loop3A_719, %parallel_loop3A_720, %parallel_loop3A_721, %parallel_loop3A_722, %parallel_loop3A_723], %parallel_loop3A_708 {strides = array<i32>} : memref<2x8x1x8x128xf32, #tpu.memory_space<vmem>>, vector<16xf32>,
        %parallel_loop3A_725 = arith.constant 0 : i32
        %parallel_loop3A_726 = arith.constant 0 : i32
        %parallel_loop3A_727 = arith.constant 2 : i32
        %parallel_loop3A_728 = arith.index_cast %parallel_loop3A_725 : i32 to index
        %parallel_loop3A_729 = arith.index_cast %parallel_loop3A_523 : i32 to index
        %parallel_loop3A_730 = arith.index_cast %parallel_loop3A_726 : i32 to index
        %parallel_loop3A_731 = arith.index_cast %parallel_loop3A_727 : i32 to index
        %parallel_loop3A_732 = arith.constant 16 : index
        %parallel_loop3A_733 = tpu.vector_load %arg10[%parallel_loop3A_728, %parallel_loop3A_729, %parallel_loop3A_730, %parallel_loop3A_731, %parallel_loop3A_732] {strides = array<i32>} : memref<2x8x1x8x128xf32, #tpu.memory_space<vmem>>, vector<16xf32>,
        tpu.vector_store %arg10[%parallel_loop3A_728, %parallel_loop3A_729, %parallel_loop3A_730, %parallel_loop3A_731, %parallel_loop3A_732], %parallel_loop3A_709 {strides = array<i32>} : memref<2x8x1x8x128xf32, #tpu.memory_space<vmem>>, vector<16xf32>,
        %parallel_loop3A_734 = arith.constant 0 : i32
        %parallel_loop3A_735 = arith.constant 0 : i32
        %parallel_loop3A_736 = arith.constant 2 : i32
        %parallel_loop3A_737 = arith.index_cast %parallel_loop3A_734 : i32 to index
        %parallel_loop3A_738 = arith.index_cast %parallel_loop3A_523 : i32 to index
        %parallel_loop3A_739 = arith.index_cast %parallel_loop3A_735 : i32 to index
        %parallel_loop3A_740 = arith.index_cast %parallel_loop3A_736 : i32 to index
        %parallel_loop3A_741 = arith.constant 32 : index
        %parallel_loop3A_742 = tpu.vector_load %arg10[%parallel_loop3A_737, %parallel_loop3A_738, %parallel_loop3A_739, %parallel_loop3A_740, %parallel_loop3A_741] {strides = array<i32>} : memref<2x8x1x8x128xf32, #tpu.memory_space<vmem>>, vector<16xf32>,
        tpu.vector_store %arg10[%parallel_loop3A_737, %parallel_loop3A_738, %parallel_loop3A_739, %parallel_loop3A_740, %parallel_loop3A_741], %parallel_loop3A_710 {strides = array<i32>} : memref<2x8x1x8x128xf32, #tpu.memory_space<vmem>>, vector<16xf32>,
        %parallel_loop3A_743 = arith.constant 0 : i32
        %parallel_loop3A_744 = arith.constant 0 : i32
        %parallel_loop3A_745 = arith.constant 2 : i32
        %parallel_loop3A_746 = arith.index_cast %parallel_loop3A_743 : i32 to index
        %parallel_loop3A_747 = arith.index_cast %parallel_loop3A_523 : i32 to index
        %parallel_loop3A_748 = arith.index_cast %parallel_loop3A_744 : i32 to index
        %parallel_loop3A_749 = arith.index_cast %parallel_loop3A_745 : i32 to index
        %parallel_loop3A_750 = arith.constant 48 : index
        %parallel_loop3A_751 = tpu.vector_load %arg10[%parallel_loop3A_746, %parallel_loop3A_747, %parallel_loop3A_748, %parallel_loop3A_749, %parallel_loop3A_750] {strides = array<i32>} : memref<2x8x1x8x128xf32, #tpu.memory_space<vmem>>, vector<16xf32>,
        tpu.vector_store %arg10[%parallel_loop3A_746, %parallel_loop3A_747, %parallel_loop3A_748, %parallel_loop3A_749, %parallel_loop3A_750], %parallel_loop3A_711 {strides = array<i32>} : memref<2x8x1x8x128xf32, #tpu.memory_space<vmem>>, vector<16xf32>,
        %parallel_loop3A_752 = arith.constant 0 : i32
        %parallel_loop3A_753 = arith.constant 0 : i32
        %parallel_loop3A_754 = arith.constant 2 : i32
        %parallel_loop3A_755 = arith.index_cast %parallel_loop3A_752 : i32 to index
        %parallel_loop3A_756 = arith.index_cast %parallel_loop3A_523 : i32 to index
        %parallel_loop3A_757 = arith.index_cast %parallel_loop3A_753 : i32 to index
        %parallel_loop3A_758 = arith.index_cast %parallel_loop3A_754 : i32 to index
        %parallel_loop3A_759 = arith.constant 64 : index
        %parallel_loop3A_760 = tpu.vector_load %arg10[%parallel_loop3A_755, %parallel_loop3A_756, %parallel_loop3A_757, %parallel_loop3A_758, %parallel_loop3A_759] {strides = array<i32>} : memref<2x8x1x8x128xf32, #tpu.memory_space<vmem>>, vector<16xf32>,
        tpu.vector_store %arg10[%parallel_loop3A_755, %parallel_loop3A_756, %parallel_loop3A_757, %parallel_loop3A_758, %parallel_loop3A_759], %parallel_loop3A_712 {strides = array<i32>} : memref<2x8x1x8x128xf32, #tpu.memory_space<vmem>>, vector<16xf32>,
        %parallel_loop3A_761 = arith.constant 0 : i32
        %parallel_loop3A_762 = arith.constant 0 : i32
        %parallel_loop3A_763 = arith.constant 2 : i32
        %parallel_loop3A_764 = arith.index_cast %parallel_loop3A_761 : i32 to index
        %parallel_loop3A_765 = arith.index_cast %parallel_loop3A_523 : i32 to index
        %parallel_loop3A_766 = arith.index_cast %parallel_loop3A_762 : i32 to index
        %parallel_loop3A_767 = arith.index_cast %parallel_loop3A_763 : i32 to index
        %parallel_loop3A_768 = arith.constant 80 : index
        %parallel_loop3A_769 = tpu.vector_load %arg10[%parallel_loop3A_764, %parallel_loop3A_765, %parallel_loop3A_766, %parallel_loop3A_767, %parallel_loop3A_768] {strides = array<i32>} : memref<2x8x1x8x128xf32, #tpu.memory_space<vmem>>, vector<16xf32>,
        tpu.vector_store %arg10[%parallel_loop3A_764, %parallel_loop3A_765, %parallel_loop3A_766, %parallel_loop3A_767, %parallel_loop3A_768], %parallel_loop3A_713 {strides = array<i32>} : memref<2x8x1x8x128xf32, #tpu.memory_space<vmem>>, vector<16xf32>,
        %parallel_loop3A_770 = arith.constant 0 : i32
        %parallel_loop3A_771 = arith.constant 0 : i32
        %parallel_loop3A_772 = arith.constant 2 : i32
        %parallel_loop3A_773 = arith.index_cast %parallel_loop3A_770 : i32 to index
        %parallel_loop3A_774 = arith.index_cast %parallel_loop3A_523 : i32 to index
        %parallel_loop3A_775 = arith.index_cast %parallel_loop3A_771 : i32 to index
        %parallel_loop3A_776 = arith.index_cast %parallel_loop3A_772 : i32 to index
        %parallel_loop3A_777 = arith.constant 96 : index
        %parallel_loop3A_778 = tpu.vector_load %arg10[%parallel_loop3A_773, %parallel_loop3A_774, %parallel_loop3A_775, %parallel_loop3A_776, %parallel_loop3A_777] {strides = array<i32>} : memref<2x8x1x8x128xf32, #tpu.memory_space<vmem>>, vector<16xf32>,
        tpu.vector_store %arg10[%parallel_loop3A_773, %parallel_loop3A_774, %parallel_loop3A_775, %parallel_loop3A_776, %parallel_loop3A_777], %parallel_loop3A_714 {strides = array<i32>} : memref<2x8x1x8x128xf32, #tpu.memory_space<vmem>>, vector<16xf32>,
        %parallel_loop3A_779 = arith.constant 0 : i32
        %parallel_loop3A_780 = arith.constant 0 : i32
        %parallel_loop3A_781 = arith.constant 2 : i32
        %parallel_loop3A_782 = arith.index_cast %parallel_loop3A_779 : i32 to index
        %parallel_loop3A_783 = arith.index_cast %parallel_loop3A_523 : i32 to index
        %parallel_loop3A_784 = arith.index_cast %parallel_loop3A_780 : i32 to index
        %parallel_loop3A_785 = arith.index_cast %parallel_loop3A_781 : i32 to index
        %parallel_loop3A_786 = arith.constant 112 : index
        %parallel_loop3A_787 = tpu.vector_load %arg10[%parallel_loop3A_782, %parallel_loop3A_783, %parallel_loop3A_784, %parallel_loop3A_785, %parallel_loop3A_786] {strides = array<i32>} : memref<2x8x1x8x128xf32, #tpu.memory_space<vmem>>, vector<16xf32>,
        tpu.vector_store %arg10[%parallel_loop3A_782, %parallel_loop3A_783, %parallel_loop3A_784, %parallel_loop3A_785, %parallel_loop3A_786], %parallel_loop3A_715 {strides = array<i32>} : memref<2x8x1x8x128xf32, #tpu.memory_space<vmem>>, vector<16xf32>,
        %parallel_loop3A_788 = arith.constant 8 : i32
        %parallel_loop3A_789 = arith.muli %parallel_loop3A_523, %parallel_loop3A_788 : i32
        %parallel_loop3A_790 = arith.constant 3 : i32
        %parallel_loop3A_791 = arith.addi %parallel_loop3A_789, %parallel_loop3A_790 : i32
        %parallel_loop3A_792 = arith.constant 0 : i32
        %parallel_loop3A_793 = vector.broadcast %parallel_loop3A_792 : i32 to vector<16xi32>
        %parallel_loop3A_794 = vector.broadcast %parallel_loop3A_791 : i32 to vector<16xi32>
        %parallel_loop3A_795 = arith.addi %parallel_loop3A_793, %parallel_loop3A_794 : vector<16xi32>
        %parallel_loop3A_796 = tpu.vector_load_idx %arg9[%add3A_59, %parallel_loop3A_795] : memref<128x72xf32, #tpu.memory_space<vmem>>[vector<16xi32>, vector<16xi32>], vector<16xf32>,
        %parallel_loop3A_797 = tpu.vector_load_idx %arg9[%add3A_63, %parallel_loop3A_795] : memref<128x72xf32, #tpu.memory_space<vmem>>[vector<16xi32>, vector<16xi32>], vector<16xf32>,
        %parallel_loop3A_798 = tpu.vector_load_idx %arg9[%add3A_67, %parallel_loop3A_795] : memref<128x72xf32, #tpu.memory_space<vmem>>[vector<16xi32>, vector<16xi32>], vector<16xf32>,
        %parallel_loop3A_799 = tpu.vector_load_idx %arg9[%add3A_71, %parallel_loop3A_795] : memref<128x72xf32, #tpu.memory_space<vmem>>[vector<16xi32>, vector<16xi32>], vector<16xf32>,
        %parallel_loop3A_800 = tpu.vector_load_idx %arg9[%add3A_75, %parallel_loop3A_795] : memref<128x72xf32, #tpu.memory_space<vmem>>[vector<16xi32>, vector<16xi32>], vector<16xf32>,
        %parallel_loop3A_801 = tpu.vector_load_idx %arg9[%add3A_79, %parallel_loop3A_795] : memref<128x72xf32, #tpu.memory_space<vmem>>[vector<16xi32>, vector<16xi32>], vector<16xf32>,
        %parallel_loop3A_802 = tpu.vector_load_idx %arg9[%add3A_83, %parallel_loop3A_795] : memref<128x72xf32, #tpu.memory_space<vmem>>[vector<16xi32>, vector<16xi32>], vector<16xf32>,
        %parallel_loop3A_803 = tpu.vector_load_idx %arg9[%add3A_87, %parallel_loop3A_795] : memref<128x72xf32, #tpu.memory_space<vmem>>[vector<16xi32>, vector<16xi32>], vector<16xf32>,
        %parallel_loop3A_804 = arith.constant 0 : i32
        %parallel_loop3A_805 = arith.constant 0 : i32
        %parallel_loop3A_806 = arith.constant 3 : i32
        %parallel_loop3A_807 = arith.index_cast %parallel_loop3A_804 : i32 to index
        %parallel_loop3A_808 = arith.index_cast %parallel_loop3A_523 : i32 to index
        %parallel_loop3A_809 = arith.index_cast %parallel_loop3A_805 : i32 to index
        %parallel_loop3A_810 = arith.index_cast %parallel_loop3A_806 : i32 to index
        %parallel_loop3A_811 = arith.constant 0 : index
        %parallel_loop3A_812 = tpu.vector_load %arg10[%parallel_loop3A_807, %parallel_loop3A_808, %parallel_loop3A_809, %parallel_loop3A_810, %parallel_loop3A_811] {strides = array<i32>} : memref<2x8x1x8x128xf32, #tpu.memory_space<vmem>>, vector<16xf32>,
        tpu.vector_store %arg10[%parallel_loop3A_807, %parallel_loop3A_808, %parallel_loop3A_809, %parallel_loop3A_810, %parallel_loop3A_811], %parallel_loop3A_796 {strides = array<i32>} : memref<2x8x1x8x128xf32, #tpu.memory_space<vmem>>, vector<16xf32>,
        %parallel_loop3A_813 = arith.constant 0 : i32
        %parallel_loop3A_814 = arith.constant 0 : i32
        %parallel_loop3A_815 = arith.constant 3 : i32
        %parallel_loop3A_816 = arith.index_cast %parallel_loop3A_813 : i32 to index
        %parallel_loop3A_817 = arith.index_cast %parallel_loop3A_523 : i32 to index
        %parallel_loop3A_818 = arith.index_cast %parallel_loop3A_814 : i32 to index
        %parallel_loop3A_819 = arith.index_cast %parallel_loop3A_815 : i32 to index
        %parallel_loop3A_820 = arith.constant 16 : index
        %parallel_loop3A_821 = tpu.vector_load %arg10[%parallel_loop3A_816, %parallel_loop3A_817, %parallel_loop3A_818, %parallel_loop3A_819, %parallel_loop3A_820] {strides = array<i32>} : memref<2x8x1x8x128xf32, #tpu.memory_space<vmem>>, vector<16xf32>,
        tpu.vector_store %arg10[%parallel_loop3A_816, %parallel_loop3A_817, %parallel_loop3A_818, %parallel_loop3A_819, %parallel_loop3A_820], %parallel_loop3A_797 {strides = array<i32>} : memref<2x8x1x8x128xf32, #tpu.memory_space<vmem>>, vector<16xf32>,
        %parallel_loop3A_822 = arith.constant 0 : i32
        %parallel_loop3A_823 = arith.constant 0 : i32
        %parallel_loop3A_824 = arith.constant 3 : i32
        %parallel_loop3A_825 = arith.index_cast %parallel_loop3A_822 : i32 to index
        %parallel_loop3A_826 = arith.index_cast %parallel_loop3A_523 : i32 to index
        %parallel_loop3A_827 = arith.index_cast %parallel_loop3A_823 : i32 to index
        %parallel_loop3A_828 = arith.index_cast %parallel_loop3A_824 : i32 to index
        %parallel_loop3A_829 = arith.constant 32 : index
        %parallel_loop3A_830 = tpu.vector_load %arg10[%parallel_loop3A_825, %parallel_loop3A_826, %parallel_loop3A_827, %parallel_loop3A_828, %parallel_loop3A_829] {strides = array<i32>} : memref<2x8x1x8x128xf32, #tpu.memory_space<vmem>>, vector<16xf32>,
        tpu.vector_store %arg10[%parallel_loop3A_825, %parallel_loop3A_826, %parallel_loop3A_827, %parallel_loop3A_828, %parallel_loop3A_829], %parallel_loop3A_798 {strides = array<i32>} : memref<2x8x1x8x128xf32, #tpu.memory_space<vmem>>, vector<16xf32>,
        %parallel_loop3A_831 = arith.constant 0 : i32
        %parallel_loop3A_832 = arith.constant 0 : i32
        %parallel_loop3A_833 = arith.constant 3 : i32
        %parallel_loop3A_834 = arith.index_cast %parallel_loop3A_831 : i32 to index
        %parallel_loop3A_835 = arith.index_cast %parallel_loop3A_523 : i32 to index
        %parallel_loop3A_836 = arith.index_cast %parallel_loop3A_832 : i32 to index
        %parallel_loop3A_837 = arith.index_cast %parallel_loop3A_833 : i32 to index
        %parallel_loop3A_838 = arith.constant 48 : index
        %parallel_loop3A_839 = tpu.vector_load %arg10[%parallel_loop3A_834, %parallel_loop3A_835, %parallel_loop3A_836, %parallel_loop3A_837, %parallel_loop3A_838] {strides = array<i32>} : memref<2x8x1x8x128xf32, #tpu.memory_space<vmem>>, vector<16xf32>,
        tpu.vector_store %arg10[%parallel_loop3A_834, %parallel_loop3A_835, %parallel_loop3A_836, %parallel_loop3A_837, %parallel_loop3A_838], %parallel_loop3A_799 {strides = array<i32>} : memref<2x8x1x8x128xf32, #tpu.memory_space<vmem>>, vector<16xf32>,
        %parallel_loop3A_840 = arith.constant 0 : i32
        %parallel_loop3A_841 = arith.constant 0 : i32
        %parallel_loop3A_842 = arith.constant 3 : i32
        %parallel_loop3A_843 = arith.index_cast %parallel_loop3A_840 : i32 to index
        %parallel_loop3A_844 = arith.index_cast %parallel_loop3A_523 : i32 to index
        %parallel_loop3A_845 = arith.index_cast %parallel_loop3A_841 : i32 to index
        %parallel_loop3A_846 = arith.index_cast %parallel_loop3A_842 : i32 to index
        %parallel_loop3A_847 = arith.constant 64 : index
        %parallel_loop3A_848 = tpu.vector_load %arg10[%parallel_loop3A_843, %parallel_loop3A_844, %parallel_loop3A_845, %parallel_loop3A_846, %parallel_loop3A_847] {strides = array<i32>} : memref<2x8x1x8x128xf32, #tpu.memory_space<vmem>>, vector<16xf32>,
        tpu.vector_store %arg10[%parallel_loop3A_843, %parallel_loop3A_844, %parallel_loop3A_845, %parallel_loop3A_846, %parallel_loop3A_847], %parallel_loop3A_800 {strides = array<i32>} : memref<2x8x1x8x128xf32, #tpu.memory_space<vmem>>, vector<16xf32>,
        %parallel_loop3A_849 = arith.constant 0 : i32
        %parallel_loop3A_850 = arith.constant 0 : i32
        %parallel_loop3A_851 = arith.constant 3 : i32
        %parallel_loop3A_852 = arith.index_cast %parallel_loop3A_849 : i32 to index
        %parallel_loop3A_853 = arith.index_cast %parallel_loop3A_523 : i32 to index
        %parallel_loop3A_854 = arith.index_cast %parallel_loop3A_850 : i32 to index
        %parallel_loop3A_855 = arith.index_cast %parallel_loop3A_851 : i32 to index
        %parallel_loop3A_856 = arith.constant 80 : index
        %parallel_loop3A_857 = tpu.vector_load %arg10[%parallel_loop3A_852, %parallel_loop3A_853, %parallel_loop3A_854, %parallel_loop3A_855, %parallel_loop3A_856] {strides = array<i32>} : memref<2x8x1x8x128xf32, #tpu.memory_space<vmem>>, vector<16xf32>,
        tpu.vector_store %arg10[%parallel_loop3A_852, %parallel_loop3A_853, %parallel_loop3A_854, %parallel_loop3A_855, %parallel_loop3A_856], %parallel_loop3A_801 {strides = array<i32>} : memref<2x8x1x8x128xf32, #tpu.memory_space<vmem>>, vector<16xf32>,
        %parallel_loop3A_858 = arith.constant 0 : i32
        %parallel_loop3A_859 = arith.constant 0 : i32
        %parallel_loop3A_860 = arith.constant 3 : i32
        %parallel_loop3A_861 = arith.index_cast %parallel_loop3A_858 : i32 to index
        %parallel_loop3A_862 = arith.index_cast %parallel_loop3A_523 : i32 to index
        %parallel_loop3A_863 = arith.index_cast %parallel_loop3A_859 : i32 to index
        %parallel_loop3A_864 = arith.index_cast %parallel_loop3A_860 : i32 to index
        %parallel_loop3A_865 = arith.constant 96 : index
        %parallel_loop3A_866 = tpu.vector_load %arg10[%parallel_loop3A_861, %parallel_loop3A_862, %parallel_loop3A_863, %parallel_loop3A_864, %parallel_loop3A_865] {strides = array<i32>} : memref<2x8x1x8x128xf32, #tpu.memory_space<vmem>>, vector<16xf32>,
        tpu.vector_store %arg10[%parallel_loop3A_861, %parallel_loop3A_862, %parallel_loop3A_863, %parallel_loop3A_864, %parallel_loop3A_865], %parallel_loop3A_802 {strides = array<i32>} : memref<2x8x1x8x128xf32, #tpu.memory_space<vmem>>, vector<16xf32>,
        %parallel_loop3A_867 = arith.constant 0 : i32
        %parallel_loop3A_868 = arith.constant 0 : i32
        %parallel_loop3A_869 = arith.constant 3 : i32
        %parallel_loop3A_870 = arith.index_cast %parallel_loop3A_867 : i32 to index
        %parallel_loop3A_871 = arith.index_cast %parallel_loop3A_523 : i32 to index
        %parallel_loop3A_872 = arith.index_cast %parallel_loop3A_868 : i32 to index
        %parallel_loop3A_873 = arith.index_cast %parallel_loop3A_869 : i32 to index
        %parallel_loop3A_874 = arith.constant 112 : index
        %parallel_loop3A_875 = tpu.vector_load %arg10[%parallel_loop3A_870, %parallel_loop3A_871, %parallel_loop3A_872, %parallel_loop3A_873, %parallel_loop3A_874] {strides = array<i32>} : memref<2x8x1x8x128xf32, #tpu.memory_space<vmem>>, vector<16xf32>,
        tpu.vector_store %arg10[%parallel_loop3A_870, %parallel_loop3A_871, %parallel_loop3A_872, %parallel_loop3A_873, %parallel_loop3A_874], %parallel_loop3A_803 {strides = array<i32>} : memref<2x8x1x8x128xf32, #tpu.memory_space<vmem>>, vector<16xf32>,
        %parallel_loop3A_876 = arith.constant 8 : i32
        %parallel_loop3A_877 = arith.muli %parallel_loop3A_523, %parallel_loop3A_876 : i32
        %parallel_loop3A_878 = arith.constant 4 : i32
        %parallel_loop3A_879 = arith.addi %parallel_loop3A_877, %parallel_loop3A_878 : i32
        %parallel_loop3A_880 = arith.constant 0 : i32
        %parallel_loop3A_881 = vector.broadcast %parallel_loop3A_880 : i32 to vector<16xi32>
        %parallel_loop3A_882 = vector.broadcast %parallel_loop3A_879 : i32 to vector<16xi32>
        %parallel_loop3A_883 = arith.addi %parallel_loop3A_881, %parallel_loop3A_882 : vector<16xi32>
        %parallel_loop3A_884 = tpu.vector_load_idx %arg9[%add3A_59, %parallel_loop3A_883] : memref<128x72xf32, #tpu.memory_space<vmem>>[vector<16xi32>, vector<16xi32>], vector<16xf32>,
        %parallel_loop3A_885 = tpu.vector_load_idx %arg9[%add3A_63, %parallel_loop3A_883] : memref<128x72xf32, #tpu.memory_space<vmem>>[vector<16xi32>, vector<16xi32>], vector<16xf32>,
        %parallel_loop3A_886 = tpu.vector_load_idx %arg9[%add3A_67, %parallel_loop3A_883] : memref<128x72xf32, #tpu.memory_space<vmem>>[vector<16xi32>, vector<16xi32>], vector<16xf32>,
        %parallel_loop3A_887 = tpu.vector_load_idx %arg9[%add3A_71, %parallel_loop3A_883] : memref<128x72xf32, #tpu.memory_space<vmem>>[vector<16xi32>, vector<16xi32>], vector<16xf32>,
        %parallel_loop3A_888 = tpu.vector_load_idx %arg9[%add3A_75, %parallel_loop3A_883] : memref<128x72xf32, #tpu.memory_space<vmem>>[vector<16xi32>, vector<16xi32>], vector<16xf32>,
        %parallel_loop3A_889 = tpu.vector_load_idx %arg9[%add3A_79, %parallel_loop3A_883] : memref<128x72xf32, #tpu.memory_space<vmem>>[vector<16xi32>, vector<16xi32>], vector<16xf32>,
        %parallel_loop3A_890 = tpu.vector_load_idx %arg9[%add3A_83, %parallel_loop3A_883] : memref<128x72xf32, #tpu.memory_space<vmem>>[vector<16xi32>, vector<16xi32>], vector<16xf32>,
        %parallel_loop3A_891 = tpu.vector_load_idx %arg9[%add3A_87, %parallel_loop3A_883] : memref<128x72xf32, #tpu.memory_space<vmem>>[vector<16xi32>, vector<16xi32>], vector<16xf32>,
        %parallel_loop3A_892 = arith.constant 0 : i32
        %parallel_loop3A_893 = arith.constant 0 : i32
        %parallel_loop3A_894 = arith.constant 4 : i32
        %parallel_loop3A_895 = arith.index_cast %parallel_loop3A_892 : i32 to index
        %parallel_loop3A_896 = arith.index_cast %parallel_loop3A_523 : i32 to index
        %parallel_loop3A_897 = arith.index_cast %parallel_loop3A_893 : i32 to index
        %parallel_loop3A_898 = arith.index_cast %parallel_loop3A_894 : i32 to index
        %parallel_loop3A_899 = arith.constant 0 : index
        %parallel_loop3A_900 = tpu.vector_load %arg10[%parallel_loop3A_895, %parallel_loop3A_896, %parallel_loop3A_897, %parallel_loop3A_898, %parallel_loop3A_899] {strides = array<i32>} : memref<2x8x1x8x128xf32, #tpu.memory_space<vmem>>, vector<16xf32>,
        tpu.vector_store %arg10[%parallel_loop3A_895, %parallel_loop3A_896, %parallel_loop3A_897, %parallel_loop3A_898, %parallel_loop3A_899], %parallel_loop3A_884 {strides = array<i32>} : memref<2x8x1x8x128xf32, #tpu.memory_space<vmem>>, vector<16xf32>,
        %parallel_loop3A_901 = arith.constant 0 : i32
        %parallel_loop3A_902 = arith.constant 0 : i32
        %parallel_loop3A_903 = arith.constant 4 : i32
        %parallel_loop3A_904 = arith.index_cast %parallel_loop3A_901 : i32 to index
        %parallel_loop3A_905 = arith.index_cast %parallel_loop3A_523 : i32 to index
        %parallel_loop3A_906 = arith.index_cast %parallel_loop3A_902 : i32 to index
        %parallel_loop3A_907 = arith.index_cast %parallel_loop3A_903 : i32 to index
        %parallel_loop3A_908 = arith.constant 16 : index
        %parallel_loop3A_909 = tpu.vector_load %arg10[%parallel_loop3A_904, %parallel_loop3A_905, %parallel_loop3A_906, %parallel_loop3A_907, %parallel_loop3A_908] {strides = array<i32>} : memref<2x8x1x8x128xf32, #tpu.memory_space<vmem>>, vector<16xf32>,
        tpu.vector_store %arg10[%parallel_loop3A_904, %parallel_loop3A_905, %parallel_loop3A_906, %parallel_loop3A_907, %parallel_loop3A_908], %parallel_loop3A_885 {strides = array<i32>} : memref<2x8x1x8x128xf32, #tpu.memory_space<vmem>>, vector<16xf32>,
        %parallel_loop3A_910 = arith.constant 0 : i32
        %parallel_loop3A_911 = arith.constant 0 : i32
        %parallel_loop3A_912 = arith.constant 4 : i32
        %parallel_loop3A_913 = arith.index_cast %parallel_loop3A_910 : i32 to index
        %parallel_loop3A_914 = arith.index_cast %parallel_loop3A_523 : i32 to index
        %parallel_loop3A_915 = arith.index_cast %parallel_loop3A_911 : i32 to index
        %parallel_loop3A_916 = arith.index_cast %parallel_loop3A_912 : i32 to index
        %parallel_loop3A_917 = arith.constant 32 : index
        %parallel_loop3A_918 = tpu.vector_load %arg10[%parallel_loop3A_913, %parallel_loop3A_914, %parallel_loop3A_915, %parallel_loop3A_916, %parallel_loop3A_917] {strides = array<i32>} : memref<2x8x1x8x128xf32, #tpu.memory_space<vmem>>, vector<16xf32>,
        tpu.vector_store %arg10[%parallel_loop3A_913, %parallel_loop3A_914, %parallel_loop3A_915, %parallel_loop3A_916, %parallel_loop3A_917], %parallel_loop3A_886 {strides = array<i32>} : memref<2x8x1x8x128xf32, #tpu.memory_space<vmem>>, vector<16xf32>,
        %parallel_loop3A_919 = arith.constant 0 : i32
        %parallel_loop3A_920 = arith.constant 0 : i32
        %parallel_loop3A_921 = arith.constant 4 : i32
        %parallel_loop3A_922 = arith.index_cast %parallel_loop3A_919 : i32 to index
        %parallel_loop3A_923 = arith.index_cast %parallel_loop3A_523 : i32 to index
        %parallel_loop3A_924 = arith.index_cast %parallel_loop3A_920 : i32 to index
        %parallel_loop3A_925 = arith.index_cast %parallel_loop3A_921 : i32 to index
        %parallel_loop3A_926 = arith.constant 48 : index
        %parallel_loop3A_927 = tpu.vector_load %arg10[%parallel_loop3A_922, %parallel_loop3A_923, %parallel_loop3A_924, %parallel_loop3A_925, %parallel_loop3A_926] {strides = array<i32>} : memref<2x8x1x8x128xf32, #tpu.memory_space<vmem>>, vector<16xf32>,
        tpu.vector_store %arg10[%parallel_loop3A_922, %parallel_loop3A_923, %parallel_loop3A_924, %parallel_loop3A_925, %parallel_loop3A_926], %parallel_loop3A_887 {strides = array<i32>} : memref<2x8x1x8x128xf32, #tpu.memory_space<vmem>>, vector<16xf32>,
        %parallel_loop3A_928 = arith.constant 0 : i32
        %parallel_loop3A_929 = arith.constant 0 : i32
        %parallel_loop3A_930 = arith.constant 4 : i32
        %parallel_loop3A_931 = arith.index_cast %parallel_loop3A_928 : i32 to index
        %parallel_loop3A_932 = arith.index_cast %parallel_loop3A_523 : i32 to index
        %parallel_loop3A_933 = arith.index_cast %parallel_loop3A_929 : i32 to index
        %parallel_loop3A_934 = arith.index_cast %parallel_loop3A_930 : i32 to index
        %parallel_loop3A_935 = arith.constant 64 : index
        %parallel_loop3A_936 = tpu.vector_load %arg10[%parallel_loop3A_931, %parallel_loop3A_932, %parallel_loop3A_933, %parallel_loop3A_934, %parallel_loop3A_935] {strides = array<i32>} : memref<2x8x1x8x128xf32, #tpu.memory_space<vmem>>, vector<16xf32>,
        tpu.vector_store %arg10[%parallel_loop3A_931, %parallel_loop3A_932, %parallel_loop3A_933, %parallel_loop3A_934, %parallel_loop3A_935], %parallel_loop3A_888 {strides = array<i32>} : memref<2x8x1x8x128xf32, #tpu.memory_space<vmem>>, vector<16xf32>,
        %parallel_loop3A_937 = arith.constant 0 : i32
        %parallel_loop3A_938 = arith.constant 0 : i32
        %parallel_loop3A_939 = arith.constant 4 : i32
        %parallel_loop3A_940 = arith.index_cast %parallel_loop3A_937 : i32 to index
        %parallel_loop3A_941 = arith.index_cast %parallel_loop3A_523 : i32 to index
        %parallel_loop3A_942 = arith.index_cast %parallel_loop3A_938 : i32 to index
        %parallel_loop3A_943 = arith.index_cast %parallel_loop3A_939 : i32 to index
        %parallel_loop3A_944 = arith.constant 80 : index
        %parallel_loop3A_945 = tpu.vector_load %arg10[%parallel_loop3A_940, %parallel_loop3A_941, %parallel_loop3A_942, %parallel_loop3A_943, %parallel_loop3A_944] {strides = array<i32>} : memref<2x8x1x8x128xf32, #tpu.memory_space<vmem>>, vector<16xf32>,
        tpu.vector_store %arg10[%parallel_loop3A_940, %parallel_loop3A_941, %parallel_loop3A_942, %parallel_loop3A_943, %parallel_loop3A_944], %parallel_loop3A_889 {strides = array<i32>} : memref<2x8x1x8x128xf32, #tpu.memory_space<vmem>>, vector<16xf32>,
        %parallel_loop3A_946 = arith.constant 0 : i32
        %parallel_loop3A_947 = arith.constant 0 : i32
        %parallel_loop3A_948 = arith.constant 4 : i32
        %parallel_loop3A_949 = arith.index_cast %parallel_loop3A_946 : i32 to index
        %parallel_loop3A_950 = arith.index_cast %parallel_loop3A_523 : i32 to index
        %parallel_loop3A_951 = arith.index_cast %parallel_loop3A_947 : i32 to index
        %parallel_loop3A_952 = arith.index_cast %parallel_loop3A_948 : i32 to index
        %parallel_loop3A_953 = arith.constant 96 : index
        %parallel_loop3A_954 = tpu.vector_load %arg10[%parallel_loop3A_949, %parallel_loop3A_950, %parallel_loop3A_951, %parallel_loop3A_952, %parallel_loop3A_953] {strides = array<i32>} : memref<2x8x1x8x128xf32, #tpu.memory_space<vmem>>, vector<16xf32>,
        tpu.vector_store %arg10[%parallel_loop3A_949, %parallel_loop3A_950, %parallel_loop3A_951, %parallel_loop3A_952, %parallel_loop3A_953], %parallel_loop3A_890 {strides = array<i32>} : memref<2x8x1x8x128xf32, #tpu.memory_space<vmem>>, vector<16xf32>,
        %parallel_loop3A_955 = arith.constant 0 : i32
        %parallel_loop3A_956 = arith.constant 0 : i32
        %parallel_loop3A_957 = arith.constant 4 : i32
        %parallel_loop3A_958 = arith.index_cast %parallel_loop3A_955 : i32 to index
        %parallel_loop3A_959 = arith.index_cast %parallel_loop3A_523 : i32 to index
        %parallel_loop3A_960 = arith.index_cast %parallel_loop3A_956 : i32 to index
        %parallel_loop3A_961 = arith.index_cast %parallel_loop3A_957 : i32 to index
        %parallel_loop3A_962 = arith.constant 112 : index
        %parallel_loop3A_963 = tpu.vector_load %arg10[%parallel_loop3A_958, %parallel_loop3A_959, %parallel_loop3A_960, %parallel_loop3A_961, %parallel_loop3A_962] {strides = array<i32>} : memref<2x8x1x8x128xf32, #tpu.memory_space<vmem>>, vector<16xf32>,
        tpu.vector_store %arg10[%parallel_loop3A_958, %parallel_loop3A_959, %parallel_loop3A_960, %parallel_loop3A_961, %parallel_loop3A_962], %parallel_loop3A_891 {strides = array<i32>} : memref<2x8x1x8x128xf32, #tpu.memory_space<vmem>>, vector<16xf32>,
        %parallel_loop3A_964 = arith.constant 8 : i32
        %parallel_loop3A_965 = arith.muli %parallel_loop3A_523, %parallel_loop3A_964 : i32
        %parallel_loop3A_966 = arith.constant 5 : i32
        %parallel_loop3A_967 = arith.addi %parallel_loop3A_965, %parallel_loop3A_966 : i32
        %parallel_loop3A_968 = arith.constant 0 : i32
        %parallel_loop3A_969 = vector.broadcast %parallel_loop3A_968 : i32 to vector<16xi32>
        %parallel_loop3A_970 = vector.broadcast %parallel_loop3A_967 : i32 to vector<16xi32>
        %parallel_loop3A_971 = arith.addi %parallel_loop3A_969, %parallel_loop3A_970 : vector<16xi32>
        %parallel_loop3A_972 = tpu.vector_load_idx %arg9[%add3A_59, %parallel_loop3A_971] : memref<128x72xf32, #tpu.memory_space<vmem>>[vector<16xi32>, vector<16xi32>], vector<16xf32>,
        %parallel_loop3A_973 = tpu.vector_load_idx %arg9[%add3A_63, %parallel_loop3A_971] : memref<128x72xf32, #tpu.memory_space<vmem>>[vector<16xi32>, vector<16xi32>], vector<16xf32>,
        %parallel_loop3A_974 = tpu.vector_load_idx %arg9[%add3A_67, %parallel_loop3A_971] : memref<128x72xf32, #tpu.memory_space<vmem>>[vector<16xi32>, vector<16xi32>], vector<16xf32>,
        %parallel_loop3A_975 = tpu.vector_load_idx %arg9[%add3A_71, %parallel_loop3A_971] : memref<128x72xf32, #tpu.memory_space<vmem>>[vector<16xi32>, vector<16xi32>], vector<16xf32>,
        %parallel_loop3A_976 = tpu.vector_load_idx %arg9[%add3A_75, %parallel_loop3A_971] : memref<128x72xf32, #tpu.memory_space<vmem>>[vector<16xi32>, vector<16xi32>], vector<16xf32>,
        %parallel_loop3A_977 = tpu.vector_load_idx %arg9[%add3A_79, %parallel_loop3A_971] : memref<128x72xf32, #tpu.memory_space<vmem>>[vector<16xi32>, vector<16xi32>], vector<16xf32>,
        %parallel_loop3A_978 = tpu.vector_load_idx %arg9[%add3A_83, %parallel_loop3A_971] : memref<128x72xf32, #tpu.memory_space<vmem>>[vector<16xi32>, vector<16xi32>], vector<16xf32>,
        %parallel_loop3A_979 = tpu.vector_load_idx %arg9[%add3A_87, %parallel_loop3A_971] : memref<128x72xf32, #tpu.memory_space<vmem>>[vector<16xi32>, vector<16xi32>], vector<16xf32>,
        %parallel_loop3A_980 = arith.constant 0 : i32
        %parallel_loop3A_981 = arith.constant 0 : i32
        %parallel_loop3A_982 = arith.constant 5 : i32
        %parallel_loop3A_983 = arith.index_cast %parallel_loop3A_980 : i32 to index
        %parallel_loop3A_984 = arith.index_cast %parallel_loop3A_523 : i32 to index
        %parallel_loop3A_985 = arith.index_cast %parallel_loop3A_981 : i32 to index
        %parallel_loop3A_986 = arith.index_cast %parallel_loop3A_982 : i32 to index
        %parallel_loop3A_987 = arith.constant 0 : index
        %parallel_loop3A_988 = tpu.vector_load %arg10[%parallel_loop3A_983, %parallel_loop3A_984, %parallel_loop3A_985, %parallel_loop3A_986, %parallel_loop3A_987] {strides = array<i32>} : memref<2x8x1x8x128xf32, #tpu.memory_space<vmem>>, vector<16xf32>,
        tpu.vector_store %arg10[%parallel_loop3A_983, %parallel_loop3A_984, %parallel_loop3A_985, %parallel_loop3A_986, %parallel_loop3A_987], %parallel_loop3A_972 {strides = array<i32>} : memref<2x8x1x8x128xf32, #tpu.memory_space<vmem>>, vector<16xf32>,
        %parallel_loop3A_989 = arith.constant 0 : i32
        %parallel_loop3A_990 = arith.constant 0 : i32
        %parallel_loop3A_991 = arith.constant 5 : i32
        %parallel_loop3A_992 = arith.index_cast %parallel_loop3A_989 : i32 to index
        %parallel_loop3A_993 = arith.index_cast %parallel_loop3A_523 : i32 to index
        %parallel_loop3A_994 = arith.index_cast %parallel_loop3A_990 : i32 to index
        %parallel_loop3A_995 = arith.index_cast %parallel_loop3A_991 : i32 to index
        %parallel_loop3A_996 = arith.constant 16 : index
        %parallel_loop3A_997 = tpu.vector_load %arg10[%parallel_loop3A_992, %parallel_loop3A_993, %parallel_loop3A_994, %parallel_loop3A_995, %parallel_loop3A_996] {strides = array<i32>} : memref<2x8x1x8x128xf32, #tpu.memory_space<vmem>>, vector<16xf32>,
        tpu.vector_store %arg10[%parallel_loop3A_992, %parallel_loop3A_993, %parallel_loop3A_994, %parallel_loop3A_995, %parallel_loop3A_996], %parallel_loop3A_973 {strides = array<i32>} : memref<2x8x1x8x128xf32, #tpu.memory_space<vmem>>, vector<16xf32>,
        %parallel_loop3A_998 = arith.constant 0 : i32
        %parallel_loop3A_999 = arith.constant 0 : i32
        %parallel_loop3A_1000 = arith.constant 5 : i32
        %parallel_loop3A_1001 = arith.index_cast %parallel_loop3A_998 : i32 to index
        %parallel_loop3A_1002 = arith.index_cast %parallel_loop3A_523 : i32 to index
        %parallel_loop3A_1003 = arith.index_cast %parallel_loop3A_999 : i32 to index
        %parallel_loop3A_1004 = arith.index_cast %parallel_loop3A_1000 : i32 to index
        %parallel_loop3A_1005 = arith.constant 32 : index
        %parallel_loop3A_1006 = tpu.vector_load %arg10[%parallel_loop3A_1001, %parallel_loop3A_1002, %parallel_loop3A_1003, %parallel_loop3A_1004, %parallel_loop3A_1005] {strides = array<i32>} : memref<2x8x1x8x128xf32, #tpu.memory_space<vmem>>, vector<16xf32>,
        tpu.vector_store %arg10[%parallel_loop3A_1001, %parallel_loop3A_1002, %parallel_loop3A_1003, %parallel_loop3A_1004, %parallel_loop3A_1005], %parallel_loop3A_974 {strides = array<i32>} : memref<2x8x1x8x128xf32, #tpu.memory_space<vmem>>, vector<16xf32>,
        %parallel_loop3A_1007 = arith.constant 0 : i32
        %parallel_loop3A_1008 = arith.constant 0 : i32
        %parallel_loop3A_1009 = arith.constant 5 : i32
        %parallel_loop3A_1010 = arith.index_cast %parallel_loop3A_1007 : i32 to index
        %parallel_loop3A_1011 = arith.index_cast %parallel_loop3A_523 : i32 to index
        %parallel_loop3A_1012 = arith.index_cast %parallel_loop3A_1008 : i32 to index
        %parallel_loop3A_1013 = arith.index_cast %parallel_loop3A_1009 : i32 to index
        %parallel_loop3A_1014 = arith.constant 48 : index
        %parallel_loop3A_1015 = tpu.vector_load %arg10[%parallel_loop3A_1010, %parallel_loop3A_1011, %parallel_loop3A_1012, %parallel_loop3A_1013, %parallel_loop3A_1014] {strides = array<i32>} : memref<2x8x1x8x128xf32, #tpu.memory_space<vmem>>, vector<16xf32>,
        tpu.vector_store %arg10[%parallel_loop3A_1010, %parallel_loop3A_1011, %parallel_loop3A_1012, %parallel_loop3A_1013, %parallel_loop3A_1014], %parallel_loop3A_975 {strides = array<i32>} : memref<2x8x1x8x128xf32, #tpu.memory_space<vmem>>, vector<16xf32>,
        %parallel_loop3A_1016 = arith.constant 0 : i32
        %parallel_loop3A_1017 = arith.constant 0 : i32
        %parallel_loop3A_1018 = arith.constant 5 : i32
        %parallel_loop3A_1019 = arith.index_cast %parallel_loop3A_1016 : i32 to index
        %parallel_loop3A_1020 = arith.index_cast %parallel_loop3A_523 : i32 to index
        %parallel_loop3A_1021 = arith.index_cast %parallel_loop3A_1017 : i32 to index
        %parallel_loop3A_1022 = arith.index_cast %parallel_loop3A_1018 : i32 to index
        %parallel_loop3A_1023 = arith.constant 64 : index
        %parallel_loop3A_1024 = tpu.vector_load %arg10[%parallel_loop3A_1019, %parallel_loop3A_1020, %parallel_loop3A_1021, %parallel_loop3A_1022, %parallel_loop3A_1023] {strides = array<i32>} : memref<2x8x1x8x128xf32, #tpu.memory_space<vmem>>, vector<16xf32>,
        tpu.vector_store %arg10[%parallel_loop3A_1019, %parallel_loop3A_1020, %parallel_loop3A_1021, %parallel_loop3A_1022, %parallel_loop3A_1023], %parallel_loop3A_976 {strides = array<i32>} : memref<2x8x1x8x128xf32, #tpu.memory_space<vmem>>, vector<16xf32>,
        %parallel_loop3A_1025 = arith.constant 0 : i32
        %parallel_loop3A_1026 = arith.constant 0 : i32
        %parallel_loop3A_1027 = arith.constant 5 : i32
        %parallel_loop3A_1028 = arith.index_cast %parallel_loop3A_1025 : i32 to index
        %parallel_loop3A_1029 = arith.index_cast %parallel_loop3A_523 : i32 to index
        %parallel_loop3A_1030 = arith.index_cast %parallel_loop3A_1026 : i32 to index
        %parallel_loop3A_1031 = arith.index_cast %parallel_loop3A_1027 : i32 to index
        %parallel_loop3A_1032 = arith.constant 80 : index
        %parallel_loop3A_1033 = tpu.vector_load %arg10[%parallel_loop3A_1028, %parallel_loop3A_1029, %parallel_loop3A_1030, %parallel_loop3A_1031, %parallel_loop3A_1032] {strides = array<i32>} : memref<2x8x1x8x128xf32, #tpu.memory_space<vmem>>, vector<16xf32>,
        tpu.vector_store %arg10[%parallel_loop3A_1028, %parallel_loop3A_1029, %parallel_loop3A_1030, %parallel_loop3A_1031, %parallel_loop3A_1032], %parallel_loop3A_977 {strides = array<i32>} : memref<2x8x1x8x128xf32, #tpu.memory_space<vmem>>, vector<16xf32>,
        %parallel_loop3A_1034 = arith.constant 0 : i32
        %parallel_loop3A_1035 = arith.constant 0 : i32
        %parallel_loop3A_1036 = arith.constant 5 : i32
        %parallel_loop3A_1037 = arith.index_cast %parallel_loop3A_1034 : i32 to index
        %parallel_loop3A_1038 = arith.index_cast %parallel_loop3A_523 : i32 to index
        %parallel_loop3A_1039 = arith.index_cast %parallel_loop3A_1035 : i32 to index
        %parallel_loop3A_1040 = arith.index_cast %parallel_loop3A_1036 : i32 to index
        %parallel_loop3A_1041 = arith.constant 96 : index
        %parallel_loop3A_1042 = tpu.vector_load %arg10[%parallel_loop3A_1037, %parallel_loop3A_1038, %parallel_loop3A_1039, %parallel_loop3A_1040, %parallel_loop3A_1041] {strides = array<i32>} : memref<2x8x1x8x128xf32, #tpu.memory_space<vmem>>, vector<16xf32>,
        tpu.vector_store %arg10[%parallel_loop3A_1037, %parallel_loop3A_1038, %parallel_loop3A_1039, %parallel_loop3A_1040, %parallel_loop3A_1041], %parallel_loop3A_978 {strides = array<i32>} : memref<2x8x1x8x128xf32, #tpu.memory_space<vmem>>, vector<16xf32>,
        %parallel_loop3A_1043 = arith.constant 0 : i32
        %parallel_loop3A_1044 = arith.constant 0 : i32
        %parallel_loop3A_1045 = arith.constant 5 : i32
        %parallel_loop3A_1046 = arith.index_cast %parallel_loop3A_1043 : i32 to index
        %parallel_loop3A_1047 = arith.index_cast %parallel_loop3A_523 : i32 to index
        %parallel_loop3A_1048 = arith.index_cast %parallel_loop3A_1044 : i32 to index
        %parallel_loop3A_1049 = arith.index_cast %parallel_loop3A_1045 : i32 to index
        %parallel_loop3A_1050 = arith.constant 112 : index
        %parallel_loop3A_1051 = tpu.vector_load %arg10[%parallel_loop3A_1046, %parallel_loop3A_1047, %parallel_loop3A_1048, %parallel_loop3A_1049, %parallel_loop3A_1050] {strides = array<i32>} : memref<2x8x1x8x128xf32, #tpu.memory_space<vmem>>, vector<16xf32>,
        tpu.vector_store %arg10[%parallel_loop3A_1046, %parallel_loop3A_1047, %parallel_loop3A_1048, %parallel_loop3A_1049, %parallel_loop3A_1050], %parallel_loop3A_979 {strides = array<i32>} : memref<2x8x1x8x128xf32, #tpu.memory_space<vmem>>, vector<16xf32>,
        %parallel_loop3A_1052 = arith.constant 8 : i32
        %parallel_loop3A_1053 = arith.muli %parallel_loop3A_523, %parallel_loop3A_1052 : i32
        %parallel_loop3A_1054 = arith.constant 6 : i32
        %parallel_loop3A_1055 = arith.addi %parallel_loop3A_1053, %parallel_loop3A_1054 : i32
        %parallel_loop3A_1056 = arith.constant 0 : i32
        %parallel_loop3A_1057 = vector.broadcast %parallel_loop3A_1056 : i32 to vector<16xi32>
        %parallel_loop3A_1058 = vector.broadcast %parallel_loop3A_1055 : i32 to vector<16xi32>
        %parallel_loop3A_1059 = arith.addi %parallel_loop3A_1057, %parallel_loop3A_1058 : vector<16xi32>
        %parallel_loop3A_1060 = tpu.vector_load_idx %arg9[%add3A_59, %parallel_loop3A_1059] : memref<128x72xf32, #tpu.memory_space<vmem>>[vector<16xi32>, vector<16xi32>], vector<16xf32>,
        %parallel_loop3A_1061 = tpu.vector_load_idx %arg9[%add3A_63, %parallel_loop3A_1059] : memref<128x72xf32, #tpu.memory_space<vmem>>[vector<16xi32>, vector<16xi32>], vector<16xf32>,
        %parallel_loop3A_1062 = tpu.vector_load_idx %arg9[%add3A_67, %parallel_loop3A_1059] : memref<128x72xf32, #tpu.memory_space<vmem>>[vector<16xi32>, vector<16xi32>], vector<16xf32>,
        %parallel_loop3A_1063 = tpu.vector_load_idx %arg9[%add3A_71, %parallel_loop3A_1059] : memref<128x72xf32, #tpu.memory_space<vmem>>[vector<16xi32>, vector<16xi32>], vector<16xf32>,
        %parallel_loop3A_1064 = tpu.vector_load_idx %arg9[%add3A_75, %parallel_loop3A_1059] : memref<128x72xf32, #tpu.memory_space<vmem>>[vector<16xi32>, vector<16xi32>], vector<16xf32>,
        %parallel_loop3A_1065 = tpu.vector_load_idx %arg9[%add3A_79, %parallel_loop3A_1059] : memref<128x72xf32, #tpu.memory_space<vmem>>[vector<16xi32>, vector<16xi32>], vector<16xf32>,
        %parallel_loop3A_1066 = tpu.vector_load_idx %arg9[%add3A_83, %parallel_loop3A_1059] : memref<128x72xf32, #tpu.memory_space<vmem>>[vector<16xi32>, vector<16xi32>], vector<16xf32>,
        %parallel_loop3A_1067 = tpu.vector_load_idx %arg9[%add3A_87, %parallel_loop3A_1059] : memref<128x72xf32, #tpu.memory_space<vmem>>[vector<16xi32>, vector<16xi32>], vector<16xf32>,
        %parallel_loop3A_1068 = arith.constant 0 : i32
        %parallel_loop3A_1069 = arith.constant 0 : i32
        %parallel_loop3A_1070 = arith.constant 6 : i32
        %parallel_loop3A_1071 = arith.index_cast %parallel_loop3A_1068 : i32 to index
        %parallel_loop3A_1072 = arith.index_cast %parallel_loop3A_523 : i32 to index
        %parallel_loop3A_1073 = arith.index_cast %parallel_loop3A_1069 : i32 to index
        %parallel_loop3A_1074 = arith.index_cast %parallel_loop3A_1070 : i32 to index
        %parallel_loop3A_1075 = arith.constant 0 : index
        %parallel_loop3A_1076 = tpu.vector_load %arg10[%parallel_loop3A_1071, %parallel_loop3A_1072, %parallel_loop3A_1073, %parallel_loop3A_1074, %parallel_loop3A_1075] {strides = array<i32>} : memref<2x8x1x8x128xf32, #tpu.memory_space<vmem>>, vector<16xf32>,
        tpu.vector_store %arg10[%parallel_loop3A_1071, %parallel_loop3A_1072, %parallel_loop3A_1073, %parallel_loop3A_1074, %parallel_loop3A_1075], %parallel_loop3A_1060 {strides = array<i32>} : memref<2x8x1x8x128xf32, #tpu.memory_space<vmem>>, vector<16xf32>,
        %parallel_loop3A_1077 = arith.constant 0 : i32
        %parallel_loop3A_1078 = arith.constant 0 : i32
        %parallel_loop3A_1079 = arith.constant 6 : i32
        %parallel_loop3A_1080 = arith.index_cast %parallel_loop3A_1077 : i32 to index
        %parallel_loop3A_1081 = arith.index_cast %parallel_loop3A_523 : i32 to index
        %parallel_loop3A_1082 = arith.index_cast %parallel_loop3A_1078 : i32 to index
        %parallel_loop3A_1083 = arith.index_cast %parallel_loop3A_1079 : i32 to index
        %parallel_loop3A_1084 = arith.constant 16 : index
        %parallel_loop3A_1085 = tpu.vector_load %arg10[%parallel_loop3A_1080, %parallel_loop3A_1081, %parallel_loop3A_1082, %parallel_loop3A_1083, %parallel_loop3A_1084] {strides = array<i32>} : memref<2x8x1x8x128xf32, #tpu.memory_space<vmem>>, vector<16xf32>,
        tpu.vector_store %arg10[%parallel_loop3A_1080, %parallel_loop3A_1081, %parallel_loop3A_1082, %parallel_loop3A_1083, %parallel_loop3A_1084], %parallel_loop3A_1061 {strides = array<i32>} : memref<2x8x1x8x128xf32, #tpu.memory_space<vmem>>, vector<16xf32>,
        %parallel_loop3A_1086 = arith.constant 0 : i32
        %parallel_loop3A_1087 = arith.constant 0 : i32
        %parallel_loop3A_1088 = arith.constant 6 : i32
        %parallel_loop3A_1089 = arith.index_cast %parallel_loop3A_1086 : i32 to index
        %parallel_loop3A_1090 = arith.index_cast %parallel_loop3A_523 : i32 to index
        %parallel_loop3A_1091 = arith.index_cast %parallel_loop3A_1087 : i32 to index
        %parallel_loop3A_1092 = arith.index_cast %parallel_loop3A_1088 : i32 to index
        %parallel_loop3A_1093 = arith.constant 32 : index
        %parallel_loop3A_1094 = tpu.vector_load %arg10[%parallel_loop3A_1089, %parallel_loop3A_1090, %parallel_loop3A_1091, %parallel_loop3A_1092, %parallel_loop3A_1093] {strides = array<i32>} : memref<2x8x1x8x128xf32, #tpu.memory_space<vmem>>, vector<16xf32>,
        tpu.vector_store %arg10[%parallel_loop3A_1089, %parallel_loop3A_1090, %parallel_loop3A_1091, %parallel_loop3A_1092, %parallel_loop3A_1093], %parallel_loop3A_1062 {strides = array<i32>} : memref<2x8x1x8x128xf32, #tpu.memory_space<vmem>>, vector<16xf32>,
        %parallel_loop3A_1095 = arith.constant 0 : i32
        %parallel_loop3A_1096 = arith.constant 0 : i32
        %parallel_loop3A_1097 = arith.constant 6 : i32
        %parallel_loop3A_1098 = arith.index_cast %parallel_loop3A_1095 : i32 to index
        %parallel_loop3A_1099 = arith.index_cast %parallel_loop3A_523 : i32 to index
        %parallel_loop3A_1100 = arith.index_cast %parallel_loop3A_1096 : i32 to index
        %parallel_loop3A_1101 = arith.index_cast %parallel_loop3A_1097 : i32 to index
        %parallel_loop3A_1102 = arith.constant 48 : index
        %parallel_loop3A_1103 = tpu.vector_load %arg10[%parallel_loop3A_1098, %parallel_loop3A_1099, %parallel_loop3A_1100, %parallel_loop3A_1101, %parallel_loop3A_1102] {strides = array<i32>} : memref<2x8x1x8x128xf32, #tpu.memory_space<vmem>>, vector<16xf32>,
        tpu.vector_store %arg10[%parallel_loop3A_1098, %parallel_loop3A_1099, %parallel_loop3A_1100, %parallel_loop3A_1101, %parallel_loop3A_1102], %parallel_loop3A_1063 {strides = array<i32>} : memref<2x8x1x8x128xf32, #tpu.memory_space<vmem>>, vector<16xf32>,
        %parallel_loop3A_1104 = arith.constant 0 : i32
        %parallel_loop3A_1105 = arith.constant 0 : i32
        %parallel_loop3A_1106 = arith.constant 6 : i32
        %parallel_loop3A_1107 = arith.index_cast %parallel_loop3A_1104 : i32 to index
        %parallel_loop3A_1108 = arith.index_cast %parallel_loop3A_523 : i32 to index
        %parallel_loop3A_1109 = arith.index_cast %parallel_loop3A_1105 : i32 to index
        %parallel_loop3A_1110 = arith.index_cast %parallel_loop3A_1106 : i32 to index
        %parallel_loop3A_1111 = arith.constant 64 : index
        %parallel_loop3A_1112 = tpu.vector_load %arg10[%parallel_loop3A_1107, %parallel_loop3A_1108, %parallel_loop3A_1109, %parallel_loop3A_1110, %parallel_loop3A_1111] {strides = array<i32>} : memref<2x8x1x8x128xf32, #tpu.memory_space<vmem>>, vector<16xf32>,
        tpu.vector_store %arg10[%parallel_loop3A_1107, %parallel_loop3A_1108, %parallel_loop3A_1109, %parallel_loop3A_1110, %parallel_loop3A_1111], %parallel_loop3A_1064 {strides = array<i32>} : memref<2x8x1x8x128xf32, #tpu.memory_space<vmem>>, vector<16xf32>,
        %parallel_loop3A_1113 = arith.constant 0 : i32
        %parallel_loop3A_1114 = arith.constant 0 : i32
        %parallel_loop3A_1115 = arith.constant 6 : i32
        %parallel_loop3A_1116 = arith.index_cast %parallel_loop3A_1113 : i32 to index
        %parallel_loop3A_1117 = arith.index_cast %parallel_loop3A_523 : i32 to index
        %parallel_loop3A_1118 = arith.index_cast %parallel_loop3A_1114 : i32 to index
        %parallel_loop3A_1119 = arith.index_cast %parallel_loop3A_1115 : i32 to index
        %parallel_loop3A_1120 = arith.constant 80 : index
        %parallel_loop3A_1121 = tpu.vector_load %arg10[%parallel_loop3A_1116, %parallel_loop3A_1117, %parallel_loop3A_1118, %parallel_loop3A_1119, %parallel_loop3A_1120] {strides = array<i32>} : memref<2x8x1x8x128xf32, #tpu.memory_space<vmem>>, vector<16xf32>,
        tpu.vector_store %arg10[%parallel_loop3A_1116, %parallel_loop3A_1117, %parallel_loop3A_1118, %parallel_loop3A_1119, %parallel_loop3A_1120], %parallel_loop3A_1065 {strides = array<i32>} : memref<2x8x1x8x128xf32, #tpu.memory_space<vmem>>, vector<16xf32>,
        %parallel_loop3A_1122 = arith.constant 0 : i32
        %parallel_loop3A_1123 = arith.constant 0 : i32
        %parallel_loop3A_1124 = arith.constant 6 : i32
        %parallel_loop3A_1125 = arith.index_cast %parallel_loop3A_1122 : i32 to index
        %parallel_loop3A_1126 = arith.index_cast %parallel_loop3A_523 : i32 to index
        %parallel_loop3A_1127 = arith.index_cast %parallel_loop3A_1123 : i32 to index
        %parallel_loop3A_1128 = arith.index_cast %parallel_loop3A_1124 : i32 to index
        %parallel_loop3A_1129 = arith.constant 96 : index
        %parallel_loop3A_1130 = tpu.vector_load %arg10[%parallel_loop3A_1125, %parallel_loop3A_1126, %parallel_loop3A_1127, %parallel_loop3A_1128, %parallel_loop3A_1129] {strides = array<i32>} : memref<2x8x1x8x128xf32, #tpu.memory_space<vmem>>, vector<16xf32>,
        tpu.vector_store %arg10[%parallel_loop3A_1125, %parallel_loop3A_1126, %parallel_loop3A_1127, %parallel_loop3A_1128, %parallel_loop3A_1129], %parallel_loop3A_1066 {strides = array<i32>} : memref<2x8x1x8x128xf32, #tpu.memory_space<vmem>>, vector<16xf32>,
        %parallel_loop3A_1131 = arith.constant 0 : i32
        %parallel_loop3A_1132 = arith.constant 0 : i32
        %parallel_loop3A_1133 = arith.constant 6 : i32
        %parallel_loop3A_1134 = arith.index_cast %parallel_loop3A_1131 : i32 to index
        %parallel_loop3A_1135 = arith.index_cast %parallel_loop3A_523 : i32 to index
        %parallel_loop3A_1136 = arith.index_cast %parallel_loop3A_1132 : i32 to index
        %parallel_loop3A_1137 = arith.index_cast %parallel_loop3A_1133 : i32 to index
        %parallel_loop3A_1138 = arith.constant 112 : index
        %parallel_loop3A_1139 = tpu.vector_load %arg10[%parallel_loop3A_1134, %parallel_loop3A_1135, %parallel_loop3A_1136, %parallel_loop3A_1137, %parallel_loop3A_1138] {strides = array<i32>} : memref<2x8x1x8x128xf32, #tpu.memory_space<vmem>>, vector<16xf32>,
        tpu.vector_store %arg10[%parallel_loop3A_1134, %parallel_loop3A_1135, %parallel_loop3A_1136, %parallel_loop3A_1137, %parallel_loop3A_1138], %parallel_loop3A_1067 {strides = array<i32>} : memref<2x8x1x8x128xf32, #tpu.memory_space<vmem>>, vector<16xf32>,
        %parallel_loop3A_1140 = arith.constant 8 : i32
        %parallel_loop3A_1141 = arith.muli %parallel_loop3A_523, %parallel_loop3A_1140 : i32
        %parallel_loop3A_1142 = arith.constant 7 : i32
        %parallel_loop3A_1143 = arith.addi %parallel_loop3A_1141, %parallel_loop3A_1142 : i32
        %parallel_loop3A_1144 = arith.constant 0 : i32
        %parallel_loop3A_1145 = vector.broadcast %parallel_loop3A_1144 : i32 to vector<16xi32>
        %parallel_loop3A_1146 = vector.broadcast %parallel_loop3A_1143 : i32 to vector<16xi32>
        %parallel_loop3A_1147 = arith.addi %parallel_loop3A_1145, %parallel_loop3A_1146 : vector<16xi32>
        %parallel_loop3A_1148 = tpu.vector_load_idx %arg9[%add3A_59, %parallel_loop3A_1147] : memref<128x72xf32, #tpu.memory_space<vmem>>[vector<16xi32>, vector<16xi32>], vector<16xf32>,
        %parallel_loop3A_1149 = tpu.vector_load_idx %arg9[%add3A_63, %parallel_loop3A_1147] : memref<128x72xf32, #tpu.memory_space<vmem>>[vector<16xi32>, vector<16xi32>], vector<16xf32>,
        %parallel_loop3A_1150 = tpu.vector_load_idx %arg9[%add3A_67, %parallel_loop3A_1147] : memref<128x72xf32, #tpu.memory_space<vmem>>[vector<16xi32>, vector<16xi32>], vector<16xf32>,
        %parallel_loop3A_1151 = tpu.vector_load_idx %arg9[%add3A_71, %parallel_loop3A_1147] : memref<128x72xf32, #tpu.memory_space<vmem>>[vector<16xi32>, vector<16xi32>], vector<16xf32>,
        %parallel_loop3A_1152 = tpu.vector_load_idx %arg9[%add3A_75, %parallel_loop3A_1147] : memref<128x72xf32, #tpu.memory_space<vmem>>[vector<16xi32>, vector<16xi32>], vector<16xf32>,
        %parallel_loop3A_1153 = tpu.vector_load_idx %arg9[%add3A_79, %parallel_loop3A_1147] : memref<128x72xf32, #tpu.memory_space<vmem>>[vector<16xi32>, vector<16xi32>], vector<16xf32>,
        %parallel_loop3A_1154 = tpu.vector_load_idx %arg9[%add3A_83, %parallel_loop3A_1147] : memref<128x72xf32, #tpu.memory_space<vmem>>[vector<16xi32>, vector<16xi32>], vector<16xf32>,
        %parallel_loop3A_1155 = tpu.vector_load_idx %arg9[%add3A_87, %parallel_loop3A_1147] : memref<128x72xf32, #tpu.memory_space<vmem>>[vector<16xi32>, vector<16xi32>], vector<16xf32>,
        %parallel_loop3A_1156 = arith.constant 0 : i32
        %parallel_loop3A_1157 = arith.constant 0 : i32
        %parallel_loop3A_1158 = arith.constant 7 : i32
        %parallel_loop3A_1159 = arith.index_cast %parallel_loop3A_1156 : i32 to index
        %parallel_loop3A_1160 = arith.index_cast %parallel_loop3A_523 : i32 to index
        %parallel_loop3A_1161 = arith.index_cast %parallel_loop3A_1157 : i32 to index
        %parallel_loop3A_1162 = arith.index_cast %parallel_loop3A_1158 : i32 to index
        %parallel_loop3A_1163 = arith.constant 0 : index
        %parallel_loop3A_1164 = tpu.vector_load %arg10[%parallel_loop3A_1159, %parallel_loop3A_1160, %parallel_loop3A_1161, %parallel_loop3A_1162, %parallel_loop3A_1163] {strides = array<i32>} : memref<2x8x1x8x128xf32, #tpu.memory_space<vmem>>, vector<16xf32>,
        tpu.vector_store %arg10[%parallel_loop3A_1159, %parallel_loop3A_1160, %parallel_loop3A_1161, %parallel_loop3A_1162, %parallel_loop3A_1163], %parallel_loop3A_1148 {strides = array<i32>} : memref<2x8x1x8x128xf32, #tpu.memory_space<vmem>>, vector<16xf32>,
        %parallel_loop3A_1165 = arith.constant 0 : i32
        %parallel_loop3A_1166 = arith.constant 0 : i32
        %parallel_loop3A_1167 = arith.constant 7 : i32
        %parallel_loop3A_1168 = arith.index_cast %parallel_loop3A_1165 : i32 to index
        %parallel_loop3A_1169 = arith.index_cast %parallel_loop3A_523 : i32 to index
        %parallel_loop3A_1170 = arith.index_cast %parallel_loop3A_1166 : i32 to index
        %parallel_loop3A_1171 = arith.index_cast %parallel_loop3A_1167 : i32 to index
        %parallel_loop3A_1172 = arith.constant 16 : index
        %parallel_loop3A_1173 = tpu.vector_load %arg10[%parallel_loop3A_1168, %parallel_loop3A_1169, %parallel_loop3A_1170, %parallel_loop3A_1171, %parallel_loop3A_1172] {strides = array<i32>} : memref<2x8x1x8x128xf32, #tpu.memory_space<vmem>>, vector<16xf32>,
        tpu.vector_store %arg10[%parallel_loop3A_1168, %parallel_loop3A_1169, %parallel_loop3A_1170, %parallel_loop3A_1171, %parallel_loop3A_1172], %parallel_loop3A_1149 {strides = array<i32>} : memref<2x8x1x8x128xf32, #tpu.memory_space<vmem>>, vector<16xf32>,
        %parallel_loop3A_1174 = arith.constant 0 : i32
        %parallel_loop3A_1175 = arith.constant 0 : i32
        %parallel_loop3A_1176 = arith.constant 7 : i32
        %parallel_loop3A_1177 = arith.index_cast %parallel_loop3A_1174 : i32 to index
        %parallel_loop3A_1178 = arith.index_cast %parallel_loop3A_523 : i32 to index
        %parallel_loop3A_1179 = arith.index_cast %parallel_loop3A_1175 : i32 to index
        %parallel_loop3A_1180 = arith.index_cast %parallel_loop3A_1176 : i32 to index
        %parallel_loop3A_1181 = arith.constant 32 : index
        %parallel_loop3A_1182 = tpu.vector_load %arg10[%parallel_loop3A_1177, %parallel_loop3A_1178, %parallel_loop3A_1179, %parallel_loop3A_1180, %parallel_loop3A_1181] {strides = array<i32>} : memref<2x8x1x8x128xf32, #tpu.memory_space<vmem>>, vector<16xf32>,
        tpu.vector_store %arg10[%parallel_loop3A_1177, %parallel_loop3A_1178, %parallel_loop3A_1179, %parallel_loop3A_1180, %parallel_loop3A_1181], %parallel_loop3A_1150 {strides = array<i32>} : memref<2x8x1x8x128xf32, #tpu.memory_space<vmem>>, vector<16xf32>,
        %parallel_loop3A_1183 = arith.constant 0 : i32
        %parallel_loop3A_1184 = arith.constant 0 : i32
        %parallel_loop3A_1185 = arith.constant 7 : i32
        %parallel_loop3A_1186 = arith.index_cast %parallel_loop3A_1183 : i32 to index
        %parallel_loop3A_1187 = arith.index_cast %parallel_loop3A_523 : i32 to index
        %parallel_loop3A_1188 = arith.index_cast %parallel_loop3A_1184 : i32 to index
        %parallel_loop3A_1189 = arith.index_cast %parallel_loop3A_1185 : i32 to index
        %parallel_loop3A_1190 = arith.constant 48 : index
        %parallel_loop3A_1191 = tpu.vector_load %arg10[%parallel_loop3A_1186, %parallel_loop3A_1187, %parallel_loop3A_1188, %parallel_loop3A_1189, %parallel_loop3A_1190] {strides = array<i32>} : memref<2x8x1x8x128xf32, #tpu.memory_space<vmem>>, vector<16xf32>,
        tpu.vector_store %arg10[%parallel_loop3A_1186, %parallel_loop3A_1187, %parallel_loop3A_1188, %parallel_loop3A_1189, %parallel_loop3A_1190], %parallel_loop3A_1151 {strides = array<i32>} : memref<2x8x1x8x128xf32, #tpu.memory_space<vmem>>, vector<16xf32>,
        %parallel_loop3A_1192 = arith.constant 0 : i32
        %parallel_loop3A_1193 = arith.constant 0 : i32
        %parallel_loop3A_1194 = arith.constant 7 : i32
        %parallel_loop3A_1195 = arith.index_cast %parallel_loop3A_1192 : i32 to index
        %parallel_loop3A_1196 = arith.index_cast %parallel_loop3A_523 : i32 to index
        %parallel_loop3A_1197 = arith.index_cast %parallel_loop3A_1193 : i32 to index
        %parallel_loop3A_1198 = arith.index_cast %parallel_loop3A_1194 : i32 to index
        %parallel_loop3A_1199 = arith.constant 64 : index
        %parallel_loop3A_1200 = tpu.vector_load %arg10[%parallel_loop3A_1195, %parallel_loop3A_1196, %parallel_loop3A_1197, %parallel_loop3A_1198, %parallel_loop3A_1199] {strides = array<i32>} : memref<2x8x1x8x128xf32, #tpu.memory_space<vmem>>, vector<16xf32>,
        tpu.vector_store %arg10[%parallel_loop3A_1195, %parallel_loop3A_1196, %parallel_loop3A_1197, %parallel_loop3A_1198, %parallel_loop3A_1199], %parallel_loop3A_1152 {strides = array<i32>} : memref<2x8x1x8x128xf32, #tpu.memory_space<vmem>>, vector<16xf32>,
        %parallel_loop3A_1201 = arith.constant 0 : i32
        %parallel_loop3A_1202 = arith.constant 0 : i32
        %parallel_loop3A_1203 = arith.constant 7 : i32
        %parallel_loop3A_1204 = arith.index_cast %parallel_loop3A_1201 : i32 to index
        %parallel_loop3A_1205 = arith.index_cast %parallel_loop3A_523 : i32 to index
        %parallel_loop3A_1206 = arith.index_cast %parallel_loop3A_1202 : i32 to index
        %parallel_loop3A_1207 = arith.index_cast %parallel_loop3A_1203 : i32 to index
        %parallel_loop3A_1208 = arith.constant 80 : index
        %parallel_loop3A_1209 = tpu.vector_load %arg10[%parallel_loop3A_1204, %parallel_loop3A_1205, %parallel_loop3A_1206, %parallel_loop3A_1207, %parallel_loop3A_1208] {strides = array<i32>} : memref<2x8x1x8x128xf32, #tpu.memory_space<vmem>>, vector<16xf32>,
        tpu.vector_store %arg10[%parallel_loop3A_1204, %parallel_loop3A_1205, %parallel_loop3A_1206, %parallel_loop3A_1207, %parallel_loop3A_1208], %parallel_loop3A_1153 {strides = array<i32>} : memref<2x8x1x8x128xf32, #tpu.memory_space<vmem>>, vector<16xf32>,
        %parallel_loop3A_1210 = arith.constant 0 : i32
        %parallel_loop3A_1211 = arith.constant 0 : i32
        %parallel_loop3A_1212 = arith.constant 7 : i32
        %parallel_loop3A_1213 = arith.index_cast %parallel_loop3A_1210 : i32 to index
        %parallel_loop3A_1214 = arith.index_cast %parallel_loop3A_523 : i32 to index
        %parallel_loop3A_1215 = arith.index_cast %parallel_loop3A_1211 : i32 to index
        %parallel_loop3A_1216 = arith.index_cast %parallel_loop3A_1212 : i32 to index
        %parallel_loop3A_1217 = arith.constant 96 : index
        %parallel_loop3A_1218 = tpu.vector_load %arg10[%parallel_loop3A_1213, %parallel_loop3A_1214, %parallel_loop3A_1215, %parallel_loop3A_1216, %parallel_loop3A_1217] {strides = array<i32>} : memref<2x8x1x8x128xf32, #tpu.memory_space<vmem>>, vector<16xf32>,
        tpu.vector_store %arg10[%parallel_loop3A_1213, %parallel_loop3A_1214, %parallel_loop3A_1215, %parallel_loop3A_1216, %parallel_loop3A_1217], %parallel_loop3A_1154 {strides = array<i32>} : memref<2x8x1x8x128xf32, #tpu.memory_space<vmem>>, vector<16xf32>,
        %parallel_loop3A_1219 = arith.constant 0 : i32
        %parallel_loop3A_1220 = arith.constant 0 : i32
        %parallel_loop3A_1221 = arith.constant 7 : i32
        %parallel_loop3A_1222 = arith.index_cast %parallel_loop3A_1219 : i32 to index
        %parallel_loop3A_1223 = arith.index_cast %parallel_loop3A_523 : i32 to index
        %parallel_loop3A_1224 = arith.index_cast %parallel_loop3A_1220 : i32 to index
        %parallel_loop3A_1225 = arith.index_cast %parallel_loop3A_1221 : i32 to index
        %parallel_loop3A_1226 = arith.constant 112 : index
        %parallel_loop3A_1227 = tpu.vector_load %arg10[%parallel_loop3A_1222, %parallel_loop3A_1223, %parallel_loop3A_1224, %parallel_loop3A_1225, %parallel_loop3A_1226] {strides = array<i32>} : memref<2x8x1x8x128xf32, #tpu.memory_space<vmem>>, vector<16xf32>,
        tpu.vector_store %arg10[%parallel_loop3A_1222, %parallel_loop3A_1223, %parallel_loop3A_1224, %parallel_loop3A_1225, %parallel_loop3A_1226], %parallel_loop3A_1155 {strides = array<i32>} : memref<2x8x1x8x128xf32, #tpu.memory_space<vmem>>, vector<16xf32>,
      } {sc.loop_unroll_factor = 1 : i64, sc.parallel_access}
      %add3A_377 = arith.addi %mul3A_32, %mul3A_217 : i32
      %dma_start3A_378 = arith.constant 0 : i32
      %dma_start3A_379 = arith.constant 0 : i32
      %dma_start3A_380 = arith.constant 0 : i32
      %dma_start3A_381 = arith.constant 0 : i32
      %dma_start3A_382 = arith.constant 0 : i32
      %dma_start3A_383 = tpu.memref_slice %arg10[%dma_start3A_378, %dma_start3A_379, %dma_start3A_380, %dma_start3A_381, %dma_start3A_382] : memref<2x8x1x8x128xf32, #tpu.memory_space<vmem>> -> memref<1x8x1x8x128xf32, #tpu.memory_space<vmem>>
      %dma_start3A_384 = tpu.memref_squeeze %dma_start3A_383 : memref<1x8x1x8x128xf32, #tpu.memory_space<vmem>> -> memref<8x1x8x128xf32, #tpu.memory_space<vmem>>
      %dma_start3A_385 = arith.constant 0 : i32
      %dma_start3A_386 = arith.constant 0 : i32
      %dma_start3A_387 = arith.constant 0 : i32
      %dma_start3A_388 = tpu.memref_slice %arg5[%add3A_377, %dma_start3A_385, %select_n3A_9, %dma_start3A_386, %dma_start3A_387] : memref<200x8x8x8x128xf32, #tpu.memory_space<hbm>> -> memref<1x8x1x8x128xf32, #tpu.memory_space<hbm>>
      %dma_start3A_389 = tpu.memref_squeeze %dma_start3A_388 : memref<1x8x1x8x128xf32, #tpu.memory_space<hbm>> -> memref<8x1x8x128xf32, #tpu.memory_space<hbm>>
      %dma_start3A_390 = arith.constant 0 : i32
      %dma_start3A_391 = arith.constant 0 : i32
      %dma_start3A_392 = arith.constant 0 : i32
      %dma_start3A_393 = tpu.memref_slice %arg5[%add3A_377, %dma_start3A_390, %select_n3A_9, %dma_start3A_391, %dma_start3A_392] : memref<200x8x8x8x128xf32, #tpu.memory_space<hbm>> -> memref<1x8x1x8x128xf32, #tpu.memory_space<hbm>>
      %dma_start3A_394 = tpu.memref_squeeze %dma_start3A_393 : memref<1x8x1x8x128xf32, #tpu.memory_space<hbm>> -> memref<8x1x8x128xf32, #tpu.memory_space<hbm>>
      %dma_start3A_395 = arith.constant 0 : i32
      %dma_start3A_396 = arith.constant 0 : i32
      %dma_start3A_397 = arith.constant 0 : i32
      %dma_start3A_398 = arith.constant 0 : i32
      %dma_start3A_399 = tpu.memref_slice %arg10[%dma_start3A_378, %dma_start3A_395, %dma_start3A_396, %dma_start3A_397, %dma_start3A_398] : memref<2x8x1x8x128xf32, #tpu.memory_space<vmem>> -> memref<1x8x1x8x128xf32, #tpu.memory_space<vmem>>
      %dma_start3A_400 = tpu.memref_squeeze %dma_start3A_399 : memref<1x8x1x8x128xf32, #tpu.memory_space<vmem>> -> memref<8x1x8x128xf32, #tpu.memory_space<vmem>>
      tpu.enqueue_dma source(%dma_start3A_400 : memref<8x1x8x128xf32, #tpu.memory_space<vmem>>) target(%dma_start3A_394 : memref<8x1x8x128xf32, #tpu.memory_space<hbm>>) target_semaphore(%arg13 : memref<!tpu.dma_semaphore, #tpu.memory_space<semaphore_mem>>)
      %lt3A_401 = arith.constant 24 : i32
      %lt3A_402 = arith.cmpi slt, %scan3A_214, %lt3A_401 : i32
      %convert_element_type3A_403 = arith.extui %lt3A_402 : i1 to i32
      %cond3A_404 = arith.constant 0 : i32
      %cond3A_405 = arith.cmpi ne, %convert_element_type3A_403, %cond3A_404 : i32
      scf.if %cond3A_405 {
        %dma_wait3A_523 = arith.constant 0 : i32
        %dma_wait3A_524 = arith.constant 0 : i32
        %dma_wait3A_525 = arith.constant 0 : i32
        %dma_wait3A_526 = arith.constant 0 : i32
        %dma_wait3A_527 = arith.constant 0 : i32
        %dma_wait3A_528 = arith.constant 0 : i32
        %dma_wait3A_529 = tpu.memref_slice %arg10[%dma_wait3A_523, %dma_wait3A_525, %dma_wait3A_526, %dma_wait3A_527, %dma_wait3A_528] : memref<2x8x1x8x128xf32, #tpu.memory_space<vmem>> -> memref<1x8x1x8x128xf32, #tpu.memory_space<vmem>>
        %dma_wait3A_530 = tpu.memref_squeeze %dma_wait3A_529 : memref<1x8x1x8x128xf32, #tpu.memory_space<vmem>> -> memref<8x1x8x128xf32, #tpu.memory_space<vmem>>
        %dma_wait3A_531 = arith.constant 0 : i32
        %dma_wait3A_532 = arith.constant 0 : i32
        %dma_wait3A_533 = arith.constant 0 : i32
        %dma_wait3A_534 = arith.constant 0 : i32
        %dma_wait3A_535 = tpu.memref_slice %arg5[%dma_wait3A_524, %dma_wait3A_531, %dma_wait3A_532, %dma_wait3A_533, %dma_wait3A_534] : memref<200x8x8x8x128xf32, #tpu.memory_space<hbm>> -> memref<1x8x1x8x128xf32, #tpu.memory_space<hbm>>
        %dma_wait3A_536 = tpu.memref_squeeze %dma_wait3A_535 : memref<1x8x1x8x128xf32, #tpu.memory_space<hbm>> -> memref<8x1x8x128xf32, #tpu.memory_space<hbm>>
        %dma_wait3A_537 = arith.constant 0 : i32
        %dma_wait3A_538 = arith.constant 0 : i32
        %dma_wait3A_539 = arith.constant 0 : i32
        %dma_wait3A_540 = arith.constant 0 : i32
        %dma_wait3A_541 = tpu.memref_slice %arg5[%dma_wait3A_524, %dma_wait3A_537, %dma_wait3A_538, %dma_wait3A_539, %dma_wait3A_540] : memref<200x8x8x8x128xf32, #tpu.memory_space<hbm>> -> memref<1x8x1x8x128xf32, #tpu.memory_space<hbm>>
        %dma_wait3A_542 = tpu.memref_squeeze %dma_wait3A_541 : memref<1x8x1x8x128xf32, #tpu.memory_space<hbm>> -> memref<8x1x8x128xf32, #tpu.memory_space<hbm>>
        %dma_wait3A_543 = arith.constant 0 : i32
        %dma_wait3A_544 = arith.constant 0 : i32
        %dma_wait3A_545 = arith.constant 0 : i32
        %dma_wait3A_546 = arith.constant 0 : i32
        %dma_wait3A_547 = tpu.memref_slice %arg10[%dma_wait3A_523, %dma_wait3A_543, %dma_wait3A_544, %dma_wait3A_545, %dma_wait3A_546] : memref<2x8x1x8x128xf32, #tpu.memory_space<vmem>> -> memref<1x8x1x8x128xf32, #tpu.memory_space<vmem>>
        %dma_wait3A_548 = tpu.memref_squeeze %dma_wait3A_547 : memref<1x8x1x8x128xf32, #tpu.memory_space<vmem>> -> memref<8x1x8x128xf32, #tpu.memory_space<vmem>>
        tpu.wait_dma2 semaphore(%arg13 : memref<!tpu.dma_semaphore, #tpu.memory_space<semaphore_mem>>) src(%dma_wait3A_548 : memref<8x1x8x128xf32, #tpu.memory_space<vmem>>) dst(%dma_wait3A_542 : memref<8x1x8x128xf32, #tpu.memory_space<hbm>>)
        %add3A_549 = arith.constant 2 : i32
        %add3A_550 = arith.addi %mul3A_217, %add3A_549 : i32
        %jit3A_551 = arith.constant 8 : i32
        %eq3A_552 = arith.constant 0 : i32
        %eq3A_553 = arith.cmpi eq, %jit3A_551, %eq3A_552 : i32
        %jit3A_554 = arith.constant 1 : i32
        %select_n3A_555 = arith.select %eq3A_553, %jit3A_554, %jit3A_551 : i32
        %rem3A_556 = arith.remsi %mul3A_32, %select_n3A_555 : i32
        %ne3A_557 = arith.constant 0 : i32
        %ne3A_558 = arith.cmpi ne, %rem3A_556, %ne3A_557 : i32
        %lt3A_559 = arith.constant 0 : i32
        %lt3A_560 = arith.cmpi slt, %rem3A_556, %lt3A_559 : i32
        %lt3A_561 = arith.constant 0 : i32
        %lt3A_562 = arith.cmpi slt, %select_n3A_555, %lt3A_561 : i32
        %ne3A_563 = arith.xori %lt3A_560, %lt3A_562 : i1
        %and3A_564 = arith.andi %ne3A_563, %ne3A_558 : i1
        %add3A_565 = arith.addi %rem3A_556, %select_n3A_555 : i32
        %select_n3A_566 = arith.select %and3A_564, %add3A_565, %rem3A_556 : i32
        %add3A_567 = arith.addi %add3A_550, %select_n3A_566 : i32
        %jit3A_568 = arith.constant 8 : i32
        %div3A_569 = arith.divsi %add3A_567, %jit3A_568 : i32
        %sign3A_570 = arith.constant 0 : i32
        %sign3A_571 = arith.cmpi sgt, %add3A_567, %sign3A_570 : i32
        %sign3A_572 = arith.extui %sign3A_571 : i1 to i32
        %sign3A_573 = arith.constant 0 : i32
        %sign3A_574 = arith.cmpi slt, %add3A_567, %sign3A_573 : i32
        %sign3A_575 = arith.extui %sign3A_574 : i1 to i32
        %sign3A_576 = arith.subi %sign3A_572, %sign3A_575 : i32
        %sign3A_577 = arith.constant 0 : i32
        %sign3A_578 = arith.cmpi sgt, %jit3A_568, %sign3A_577 : i32
        %sign3A_579 = arith.extui %sign3A_578 : i1 to i32
        %sign3A_580 = arith.constant 0 : i32
        %sign3A_581 = arith.cmpi slt, %jit3A_568, %sign3A_580 : i32
        %sign3A_582 = arith.extui %sign3A_581 : i1 to i32
        %sign3A_583 = arith.subi %sign3A_579, %sign3A_582 : i32
        %ne3A_584 = arith.cmpi ne, %sign3A_576, %sign3A_583 : i32
        %rem3A_585 = arith.remsi %add3A_567, %jit3A_568 : i32
        %ne3A_586 = arith.constant 0 : i32
        %ne3A_587 = arith.cmpi ne, %rem3A_585, %ne3A_586 : i32
        %and3A_588 = arith.andi %ne3A_584, %ne3A_587 : i1
        %sub3A_589 = arith.constant 1 : i32
        %sub3A_590 = arith.subi %div3A_569, %sub3A_589 : i32
        %select_n3A_591 = arith.select %and3A_588, %sub3A_590, %div3A_569 : i32
        %jit3A_592 = arith.constant 8 : i32
        %eq3A_593 = arith.constant 0 : i32
        %eq3A_594 = arith.cmpi eq, %jit3A_592, %eq3A_593 : i32
        %jit3A_595 = arith.constant 1 : i32
        %select_n3A_596 = arith.select %eq3A_594, %jit3A_595, %jit3A_592 : i32
        %rem3A_597 = arith.remsi %add3A_567, %select_n3A_596 : i32
        %ne3A_598 = arith.constant 0 : i32
        %ne3A_599 = arith.cmpi ne, %rem3A_597, %ne3A_598 : i32
        %lt3A_600 = arith.constant 0 : i32
        %lt3A_601 = arith.cmpi slt, %rem3A_597, %lt3A_600 : i32
        %lt3A_602 = arith.constant 0 : i32
        %lt3A_603 = arith.cmpi slt, %select_n3A_596, %lt3A_602 : i32
        %ne3A_604 = arith.xori %lt3A_601, %lt3A_603 : i1
        %and3A_605 = arith.andi %ne3A_604, %ne3A_599 : i1
        %add3A_606 = arith.addi %rem3A_597, %select_n3A_596 : i32
        %select_n3A_607 = arith.select %and3A_605, %add3A_606, %rem3A_597 : i32
        %dma_start3A_608 = arith.constant 0 : i32
        %dma_start3A_609 = arith.constant 0 : i32
        %dma_start3A_610 = arith.constant 0 : i32
        %dma_start3A_611 = arith.constant 0 : i32
        %dma_start3A_612 = tpu.memref_slice %arg8[%dma_start3A_609, %dma_start3A_610, %dma_start3A_611] : memref<2x128x64xf32, #tpu.memory_space<vmem>> -> memref<1x128x64xf32, #tpu.memory_space<vmem>>
        %dma_start3A_613 = tpu.memref_squeeze %dma_start3A_612 : memref<1x128x64xf32, #tpu.memory_space<vmem>> -> memref<128x64xf32, #tpu.memory_space<vmem>>
        %dma_start3A_614 = arith.constant 0 : i32
        %dma_start3A_615 = tpu.memref_slice %arg6[%select_n3A_591, %dma_start3A_608, %select_n3A_607, %dma_start3A_614] : memref<8x1x8x128xi32, #tpu.memory_space<vmem>> -> memref<1x1x1x128xi32, #tpu.memory_space<vmem>>
        %dma_start3A_616 = tpu.memref_squeeze %dma_start3A_615 : memref<1x1x1x128xi32, #tpu.memory_space<vmem>> -> memref<128xi32, #tpu.memory_space<vmem>>
        %dma_start3A_617 = arith.constant 0 : i32
        %dma_start3A_618 = arith.constant 0 : i32
        %dma_start3A_619 = tpu.memref_slice %arg3[%dma_start3A_617, %dma_start3A_618] : memref<100000x64xf32, #tpu.memory_space<hbm>> -> memref<100000x64xf32, #tpu.memory_space<hbm>>
        tpu.enqueue_indirect_dma source(%dma_start3A_619 : memref<100000x64xf32, #tpu.memory_space<hbm>>) target(%dma_start3A_613 : memref<128x64xf32, #tpu.memory_space<vmem>>) offsets(%dma_start3A_616 : memref<128xi32, #tpu.memory_space<vmem>>) semaphore(%arg11 : memref<!tpu.dma_semaphore, #tpu.memory_space<semaphore_mem>>)
      } else {
      }
      %jit3A_406 = arith.constant 8 : i32
      %eq3A_407 = arith.constant 0 : i32
      %eq3A_408 = arith.cmpi eq, %jit3A_406, %eq3A_407 : i32
      %jit3A_409 = arith.constant 1 : i32
      %select_n3A_410 = arith.select %eq3A_408, %jit3A_409, %jit3A_406 : i32
      %rem3A_411 = arith.remsi %mul3A_32, %select_n3A_410 : i32
      %ne3A_412 = arith.constant 0 : i32
      %ne3A_413 = arith.cmpi ne, %rem3A_411, %ne3A_412 : i32
      %lt3A_414 = arith.constant 0 : i32
      %lt3A_415 = arith.cmpi slt, %rem3A_411, %lt3A_414 : i32
      %lt3A_416 = arith.constant 0 : i32
      %lt3A_417 = arith.cmpi slt, %select_n3A_410, %lt3A_416 : i32
      %ne3A_418 = arith.xori %lt3A_415, %lt3A_417 : i1
      %and3A_419 = arith.andi %ne3A_418, %ne3A_413 : i1
      %add3A_420 = arith.addi %rem3A_411, %select_n3A_410 : i32
      %select_n3A_421 = arith.select %and3A_419, %add3A_420, %rem3A_411 : i32
      %add3A_422 = arith.constant 0 : i32
      %add3A_423 = arith.addi %add3A_422, %select_n3A_421 : i32
      %jit3A_424 = arith.constant 8 : i32
      %div3A_425 = arith.divsi %add3A_423, %jit3A_424 : i32
      %sign3A_426 = arith.constant 0 : i32
      %sign3A_427 = arith.cmpi sgt, %add3A_423, %sign3A_426 : i32
      %sign3A_428 = arith.extui %sign3A_427 : i1 to i32
      %sign3A_429 = arith.constant 0 : i32
      %sign3A_430 = arith.cmpi slt, %add3A_423, %sign3A_429 : i32
      %sign3A_431 = arith.extui %sign3A_430 : i1 to i32
      %sign3A_432 = arith.subi %sign3A_428, %sign3A_431 : i32
      %sign3A_433 = arith.constant 0 : i32
      %sign3A_434 = arith.cmpi sgt, %jit3A_424, %sign3A_433 : i32
      %sign3A_435 = arith.extui %sign3A_434 : i1 to i32
      %sign3A_436 = arith.constant 0 : i32
      %sign3A_437 = arith.cmpi slt, %jit3A_424, %sign3A_436 : i32
      %sign3A_438 = arith.extui %sign3A_437 : i1 to i32
      %sign3A_439 = arith.subi %sign3A_435, %sign3A_438 : i32
      %ne3A_440 = arith.cmpi ne, %sign3A_432, %sign3A_439 : i32
      %rem3A_441 = arith.remsi %add3A_423, %jit3A_424 : i32
      %ne3A_442 = arith.constant 0 : i32
      %ne3A_443 = arith.cmpi ne, %rem3A_441, %ne3A_442 : i32
      %and3A_444 = arith.andi %ne3A_440, %ne3A_443 : i1
      %sub3A_445 = arith.constant 1 : i32
      %sub3A_446 = arith.subi %div3A_425, %sub3A_445 : i32
      %select_n3A_447 = arith.select %and3A_444, %sub3A_446, %div3A_425 : i32
      %jit3A_448 = arith.constant 8 : i32
      %eq3A_449 = arith.constant 0 : i32
      %eq3A_450 = arith.cmpi eq, %jit3A_448, %eq3A_449 : i32
      %jit3A_451 = arith.constant 1 : i32
      %select_n3A_452 = arith.select %eq3A_450, %jit3A_451, %jit3A_448 : i32
      %rem3A_453 = arith.remsi %add3A_423, %select_n3A_452 : i32
      %ne3A_454 = arith.constant 0 : i32
      %ne3A_455 = arith.cmpi ne, %rem3A_453, %ne3A_454 : i32
      %lt3A_456 = arith.constant 0 : i32
      %lt3A_457 = arith.cmpi slt, %rem3A_453, %lt3A_456 : i32
      %lt3A_458 = arith.constant 0 : i32
      %lt3A_459 = arith.cmpi slt, %select_n3A_452, %lt3A_458 : i32
      %ne3A_460 = arith.xori %lt3A_457, %lt3A_459 : i1
      %and3A_461 = arith.andi %ne3A_460, %ne3A_455 : i1
      %add3A_462 = arith.addi %rem3A_453, %select_n3A_452 : i32
      %select_n3A_463 = arith.select %and3A_461, %add3A_462, %rem3A_453 : i32
      %dma_wait3A_464 = arith.constant 0 : i32
      %dma_wait3A_465 = arith.constant 1 : i32
      %dma_wait3A_466 = arith.constant 0 : i32
      %dma_wait3A_467 = arith.constant 0 : i32
      %dma_wait3A_468 = tpu.memref_slice %arg8[%dma_wait3A_465, %dma_wait3A_466, %dma_wait3A_467] : memref<2x128x64xf32, #tpu.memory_space<vmem>> -> memref<1x128x64xf32, #tpu.memory_space<vmem>>
      %dma_wait3A_469 = tpu.memref_squeeze %dma_wait3A_468 : memref<1x128x64xf32, #tpu.memory_space<vmem>> -> memref<128x64xf32, #tpu.memory_space<vmem>>
      %dma_wait3A_470 = arith.constant 0 : i32
      %dma_wait3A_471 = tpu.memref_slice %arg6[%select_n3A_447, %dma_wait3A_464, %select_n3A_463, %dma_wait3A_470] : memref<8x1x8x128xi32, #tpu.memory_space<vmem>> -> memref<1x1x1x128xi32, #tpu.memory_space<vmem>>
      %dma_wait3A_472 = tpu.memref_squeeze %dma_wait3A_471 : memref<1x1x1x128xi32, #tpu.memory_space<vmem>> -> memref<128xi32, #tpu.memory_space<vmem>>
      %dma_wait3A_473 = arith.constant 0 : i32
      %dma_wait3A_474 = arith.constant 0 : i32
      %dma_wait3A_475 = tpu.memref_slice %arg3[%dma_wait3A_473, %dma_wait3A_474] : memref<100000x64xf32, #tpu.memory_space<hbm>> -> memref<100000x64xf32, #tpu.memory_space<hbm>>
      tpu.wait_indirect_dma semaphore(%arg12 : memref<!tpu.dma_semaphore, #tpu.memory_space<semaphore_mem>>) src(%dma_wait3A_475 : memref<100000x64xf32, #tpu.memory_space<hbm>>) dst(%dma_wait3A_469 : memref<128x64xf32, #tpu.memory_space<vmem>>)
      %add3A_476 = arith.constant 1 : i32
      %add3A_477 = arith.addi %mul3A_217, %add3A_476 : i32
      %get3A_478 = arith.index_cast %add3A_477 : i32 to index
      %get3A_479 = arith.constant 0 : index
      %get3A_480 = tpu.vector_load %arg7[%get3A_478, %get3A_479] {strides = array<i32>} : memref<50x80xf32, #tpu.memory_space<vmem>>, vector<16xf32>,
      %get3A_481 = arith.index_cast %add3A_477 : i32 to index
      %get3A_482 = arith.constant 16 : index
      %get3A_483 = tpu.vector_load %arg7[%get3A_481, %get3A_482] {strides = array<i32>} : memref<50x80xf32, #tpu.memory_space<vmem>>, vector<16xf32>,
      %get3A_484 = arith.index_cast %add3A_477 : i32 to index
      %get3A_485 = arith.constant 32 : index
      %get3A_486 = tpu.vector_load %arg7[%get3A_484, %get3A_485] {strides = array<i32>} : memref<50x80xf32, #tpu.memory_space<vmem>>, vector<16xf32>,
      %get3A_487 = arith.index_cast %add3A_477 : i32 to index
      %get3A_488 = arith.constant 48 : index
      %get3A_489 = tpu.vector_load %arg7[%get3A_487, %get3A_488] {strides = array<i32>} : memref<50x80xf32, #tpu.memory_space<vmem>>, vector<16xf32>,
      %parallel_loop3A_490 = arith.constant 0 : i32
      %parallel_loop3A_491 = arith.constant 128 : i32
      %parallel_loop3A_492 = arith.constant 1 : i32
      scf.for %parallel_loop3A_523 = %parallel_loop3A_490 to %parallel_loop3A_491 step %parallel_loop3A_492  : i32 {
        %parallel_loop3A_524 = arith.constant 1 : i32
        %parallel_loop3A_525 = arith.index_cast %parallel_loop3A_524 : i32 to index
        %parallel_loop3A_526 = arith.index_cast %parallel_loop3A_523 : i32 to index
        %parallel_loop3A_527 = arith.constant 0 : index
        %parallel_loop3A_528 = tpu.vector_load %arg8[%parallel_loop3A_525, %parallel_loop3A_526, %parallel_loop3A_527] {strides = array<i32>} : memref<2x128x64xf32, #tpu.memory_space<vmem>>, vector<16xf32>,
        %parallel_loop3A_529 = arith.addf %parallel_loop3A_528, %get3A_480 : vector<16xf32>
        %parallel_loop3A_530 = arith.index_cast %parallel_loop3A_523 : i32 to index
        %parallel_loop3A_531 = arith.constant 0 : index
        %parallel_loop3A_532 = tpu.vector_load %arg9[%parallel_loop3A_530, %parallel_loop3A_531] {strides = array<i32>} : memref<128x72xf32, #tpu.memory_space<vmem>>, vector<16xf32>,
        tpu.vector_store %arg9[%parallel_loop3A_530, %parallel_loop3A_531], %parallel_loop3A_529 {strides = array<i32>} : memref<128x72xf32, #tpu.memory_space<vmem>>, vector<16xf32>,
        %parallel_loop3A_533 = arith.constant 1 : i32
        %parallel_loop3A_534 = arith.index_cast %parallel_loop3A_533 : i32 to index
        %parallel_loop3A_535 = arith.index_cast %parallel_loop3A_523 : i32 to index
        %parallel_loop3A_536 = arith.constant 16 : index
        %parallel_loop3A_537 = tpu.vector_load %arg8[%parallel_loop3A_534, %parallel_loop3A_535, %parallel_loop3A_536] {strides = array<i32>} : memref<2x128x64xf32, #tpu.memory_space<vmem>>, vector<16xf32>,
        %parallel_loop3A_538 = arith.addf %parallel_loop3A_537, %get3A_483 : vector<16xf32>
        %parallel_loop3A_539 = arith.index_cast %parallel_loop3A_523 : i32 to index
        %parallel_loop3A_540 = arith.constant 16 : index
        %parallel_loop3A_541 = tpu.vector_load %arg9[%parallel_loop3A_539, %parallel_loop3A_540] {strides = array<i32>} : memref<128x72xf32, #tpu.memory_space<vmem>>, vector<16xf32>,
        tpu.vector_store %arg9[%parallel_loop3A_539, %parallel_loop3A_540], %parallel_loop3A_538 {strides = array<i32>} : memref<128x72xf32, #tpu.memory_space<vmem>>, vector<16xf32>,
        %parallel_loop3A_542 = arith.constant 1 : i32
        %parallel_loop3A_543 = arith.index_cast %parallel_loop3A_542 : i32 to index
        %parallel_loop3A_544 = arith.index_cast %parallel_loop3A_523 : i32 to index
        %parallel_loop3A_545 = arith.constant 32 : index
        %parallel_loop3A_546 = tpu.vector_load %arg8[%parallel_loop3A_543, %parallel_loop3A_544, %parallel_loop3A_545] {strides = array<i32>} : memref<2x128x64xf32, #tpu.memory_space<vmem>>, vector<16xf32>,
        %parallel_loop3A_547 = arith.addf %parallel_loop3A_546, %get3A_486 : vector<16xf32>
        %parallel_loop3A_548 = arith.index_cast %parallel_loop3A_523 : i32 to index
        %parallel_loop3A_549 = arith.constant 32 : index
        %parallel_loop3A_550 = tpu.vector_load %arg9[%parallel_loop3A_548, %parallel_loop3A_549] {strides = array<i32>} : memref<128x72xf32, #tpu.memory_space<vmem>>, vector<16xf32>,
        tpu.vector_store %arg9[%parallel_loop3A_548, %parallel_loop3A_549], %parallel_loop3A_547 {strides = array<i32>} : memref<128x72xf32, #tpu.memory_space<vmem>>, vector<16xf32>,
        %parallel_loop3A_551 = arith.constant 1 : i32
        %parallel_loop3A_552 = arith.index_cast %parallel_loop3A_551 : i32 to index
        %parallel_loop3A_553 = arith.index_cast %parallel_loop3A_523 : i32 to index
        %parallel_loop3A_554 = arith.constant 48 : index
        %parallel_loop3A_555 = tpu.vector_load %arg8[%parallel_loop3A_552, %parallel_loop3A_553, %parallel_loop3A_554] {strides = array<i32>} : memref<2x128x64xf32, #tpu.memory_space<vmem>>, vector<16xf32>,
        %parallel_loop3A_556 = arith.addf %parallel_loop3A_555, %get3A_489 : vector<16xf32>
        %parallel_loop3A_557 = arith.index_cast %parallel_loop3A_523 : i32 to index
        %parallel_loop3A_558 = arith.constant 48 : index
        %parallel_loop3A_559 = tpu.vector_load %arg9[%parallel_loop3A_557, %parallel_loop3A_558] {strides = array<i32>} : memref<128x72xf32, #tpu.memory_space<vmem>>, vector<16xf32>,
        tpu.vector_store %arg9[%parallel_loop3A_557, %parallel_loop3A_558], %parallel_loop3A_556 {strides = array<i32>} : memref<128x72xf32, #tpu.memory_space<vmem>>, vector<16xf32>,
      } {sc.loop_unroll_factor = 4 : i64, sc.parallel_access}
      %parallel_loop3A_493 = arith.constant 0 : i32
      %parallel_loop3A_494 = arith.constant 8 : i32
      %parallel_loop3A_495 = arith.constant 1 : i32
      scf.for %parallel_loop3A_523 = %parallel_loop3A_493 to %parallel_loop3A_494 step %parallel_loop3A_495  : i32 {
        %parallel_loop3A_524 = arith.constant 8 : i32
        %parallel_loop3A_525 = arith.muli %parallel_loop3A_523, %parallel_loop3A_524 : i32
        %parallel_loop3A_526 = arith.constant 0 : i32
        %parallel_loop3A_527 = arith.addi %parallel_loop3A_525, %parallel_loop3A_526 : i32
        %parallel_loop3A_528 = arith.constant 0 : i32
        %parallel_loop3A_529 = vector.broadcast %parallel_loop3A_528 : i32 to vector<16xi32>
        %parallel_loop3A_530 = vector.broadcast %parallel_loop3A_527 : i32 to vector<16xi32>
        %parallel_loop3A_531 = arith.addi %parallel_loop3A_529, %parallel_loop3A_530 : vector<16xi32>
        %parallel_loop3A_532 = tpu.vector_load_idx %arg9[%add3A_59, %parallel_loop3A_531] : memref<128x72xf32, #tpu.memory_space<vmem>>[vector<16xi32>, vector<16xi32>], vector<16xf32>,
        %parallel_loop3A_533 = tpu.vector_load_idx %arg9[%add3A_63, %parallel_loop3A_531] : memref<128x72xf32, #tpu.memory_space<vmem>>[vector<16xi32>, vector<16xi32>], vector<16xf32>,
        %parallel_loop3A_534 = tpu.vector_load_idx %arg9[%add3A_67, %parallel_loop3A_531] : memref<128x72xf32, #tpu.memory_space<vmem>>[vector<16xi32>, vector<16xi32>], vector<16xf32>,
        %parallel_loop3A_535 = tpu.vector_load_idx %arg9[%add3A_71, %parallel_loop3A_531] : memref<128x72xf32, #tpu.memory_space<vmem>>[vector<16xi32>, vector<16xi32>], vector<16xf32>,
        %parallel_loop3A_536 = tpu.vector_load_idx %arg9[%add3A_75, %parallel_loop3A_531] : memref<128x72xf32, #tpu.memory_space<vmem>>[vector<16xi32>, vector<16xi32>], vector<16xf32>,
        %parallel_loop3A_537 = tpu.vector_load_idx %arg9[%add3A_79, %parallel_loop3A_531] : memref<128x72xf32, #tpu.memory_space<vmem>>[vector<16xi32>, vector<16xi32>], vector<16xf32>,
        %parallel_loop3A_538 = tpu.vector_load_idx %arg9[%add3A_83, %parallel_loop3A_531] : memref<128x72xf32, #tpu.memory_space<vmem>>[vector<16xi32>, vector<16xi32>], vector<16xf32>,
        %parallel_loop3A_539 = tpu.vector_load_idx %arg9[%add3A_87, %parallel_loop3A_531] : memref<128x72xf32, #tpu.memory_space<vmem>>[vector<16xi32>, vector<16xi32>], vector<16xf32>,
        %parallel_loop3A_540 = arith.constant 1 : i32
        %parallel_loop3A_541 = arith.constant 0 : i32
        %parallel_loop3A_542 = arith.constant 0 : i32
        %parallel_loop3A_543 = arith.index_cast %parallel_loop3A_540 : i32 to index
        %parallel_loop3A_544 = arith.index_cast %parallel_loop3A_523 : i32 to index
        %parallel_loop3A_545 = arith.index_cast %parallel_loop3A_541 : i32 to index
        %parallel_loop3A_546 = arith.index_cast %parallel_loop3A_542 : i32 to index
        %parallel_loop3A_547 = arith.constant 0 : index
        %parallel_loop3A_548 = tpu.vector_load %arg10[%parallel_loop3A_543, %parallel_loop3A_544, %parallel_loop3A_545, %parallel_loop3A_546, %parallel_loop3A_547] {strides = array<i32>} : memref<2x8x1x8x128xf32, #tpu.memory_space<vmem>>, vector<16xf32>,
        tpu.vector_store %arg10[%parallel_loop3A_543, %parallel_loop3A_544, %parallel_loop3A_545, %parallel_loop3A_546, %parallel_loop3A_547], %parallel_loop3A_532 {strides = array<i32>} : memref<2x8x1x8x128xf32, #tpu.memory_space<vmem>>, vector<16xf32>,
        %parallel_loop3A_549 = arith.constant 1 : i32
        %parallel_loop3A_550 = arith.constant 0 : i32
        %parallel_loop3A_551 = arith.constant 0 : i32
        %parallel_loop3A_552 = arith.index_cast %parallel_loop3A_549 : i32 to index
        %parallel_loop3A_553 = arith.index_cast %parallel_loop3A_523 : i32 to index
        %parallel_loop3A_554 = arith.index_cast %parallel_loop3A_550 : i32 to index
        %parallel_loop3A_555 = arith.index_cast %parallel_loop3A_551 : i32 to index
        %parallel_loop3A_556 = arith.constant 16 : index
        %parallel_loop3A_557 = tpu.vector_load %arg10[%parallel_loop3A_552, %parallel_loop3A_553, %parallel_loop3A_554, %parallel_loop3A_555, %parallel_loop3A_556] {strides = array<i32>} : memref<2x8x1x8x128xf32, #tpu.memory_space<vmem>>, vector<16xf32>,
        tpu.vector_store %arg10[%parallel_loop3A_552, %parallel_loop3A_553, %parallel_loop3A_554, %parallel_loop3A_555, %parallel_loop3A_556], %parallel_loop3A_533 {strides = array<i32>} : memref<2x8x1x8x128xf32, #tpu.memory_space<vmem>>, vector<16xf32>,
        %parallel_loop3A_558 = arith.constant 1 : i32
        %parallel_loop3A_559 = arith.constant 0 : i32
        %parallel_loop3A_560 = arith.constant 0 : i32
        %parallel_loop3A_561 = arith.index_cast %parallel_loop3A_558 : i32 to index
        %parallel_loop3A_562 = arith.index_cast %parallel_loop3A_523 : i32 to index
        %parallel_loop3A_563 = arith.index_cast %parallel_loop3A_559 : i32 to index
        %parallel_loop3A_564 = arith.index_cast %parallel_loop3A_560 : i32 to index
        %parallel_loop3A_565 = arith.constant 32 : index
        %parallel_loop3A_566 = tpu.vector_load %arg10[%parallel_loop3A_561, %parallel_loop3A_562, %parallel_loop3A_563, %parallel_loop3A_564, %parallel_loop3A_565] {strides = array<i32>} : memref<2x8x1x8x128xf32, #tpu.memory_space<vmem>>, vector<16xf32>,
        tpu.vector_store %arg10[%parallel_loop3A_561, %parallel_loop3A_562, %parallel_loop3A_563, %parallel_loop3A_564, %parallel_loop3A_565], %parallel_loop3A_534 {strides = array<i32>} : memref<2x8x1x8x128xf32, #tpu.memory_space<vmem>>, vector<16xf32>,
        %parallel_loop3A_567 = arith.constant 1 : i32
        %parallel_loop3A_568 = arith.constant 0 : i32
        %parallel_loop3A_569 = arith.constant 0 : i32
        %parallel_loop3A_570 = arith.index_cast %parallel_loop3A_567 : i32 to index
        %parallel_loop3A_571 = arith.index_cast %parallel_loop3A_523 : i32 to index
        %parallel_loop3A_572 = arith.index_cast %parallel_loop3A_568 : i32 to index
        %parallel_loop3A_573 = arith.index_cast %parallel_loop3A_569 : i32 to index
        %parallel_loop3A_574 = arith.constant 48 : index
        %parallel_loop3A_575 = tpu.vector_load %arg10[%parallel_loop3A_570, %parallel_loop3A_571, %parallel_loop3A_572, %parallel_loop3A_573, %parallel_loop3A_574] {strides = array<i32>} : memref<2x8x1x8x128xf32, #tpu.memory_space<vmem>>, vector<16xf32>,
        tpu.vector_store %arg10[%parallel_loop3A_570, %parallel_loop3A_571, %parallel_loop3A_572, %parallel_loop3A_573, %parallel_loop3A_574], %parallel_loop3A_535 {strides = array<i32>} : memref<2x8x1x8x128xf32, #tpu.memory_space<vmem>>, vector<16xf32>,
        %parallel_loop3A_576 = arith.constant 1 : i32
        %parallel_loop3A_577 = arith.constant 0 : i32
        %parallel_loop3A_578 = arith.constant 0 : i32
        %parallel_loop3A_579 = arith.index_cast %parallel_loop3A_576 : i32 to index
        %parallel_loop3A_580 = arith.index_cast %parallel_loop3A_523 : i32 to index
        %parallel_loop3A_581 = arith.index_cast %parallel_loop3A_577 : i32 to index
        %parallel_loop3A_582 = arith.index_cast %parallel_loop3A_578 : i32 to index
        %parallel_loop3A_583 = arith.constant 64 : index
        %parallel_loop3A_584 = tpu.vector_load %arg10[%parallel_loop3A_579, %parallel_loop3A_580, %parallel_loop3A_581, %parallel_loop3A_582, %parallel_loop3A_583] {strides = array<i32>} : memref<2x8x1x8x128xf32, #tpu.memory_space<vmem>>, vector<16xf32>,
        tpu.vector_store %arg10[%parallel_loop3A_579, %parallel_loop3A_580, %parallel_loop3A_581, %parallel_loop3A_582, %parallel_loop3A_583], %parallel_loop3A_536 {strides = array<i32>} : memref<2x8x1x8x128xf32, #tpu.memory_space<vmem>>, vector<16xf32>,
        %parallel_loop3A_585 = arith.constant 1 : i32
        %parallel_loop3A_586 = arith.constant 0 : i32
        %parallel_loop3A_587 = arith.constant 0 : i32
        %parallel_loop3A_588 = arith.index_cast %parallel_loop3A_585 : i32 to index
        %parallel_loop3A_589 = arith.index_cast %parallel_loop3A_523 : i32 to index
        %parallel_loop3A_590 = arith.index_cast %parallel_loop3A_586 : i32 to index
        %parallel_loop3A_591 = arith.index_cast %parallel_loop3A_587 : i32 to index
        %parallel_loop3A_592 = arith.constant 80 : index
        %parallel_loop3A_593 = tpu.vector_load %arg10[%parallel_loop3A_588, %parallel_loop3A_589, %parallel_loop3A_590, %parallel_loop3A_591, %parallel_loop3A_592] {strides = array<i32>} : memref<2x8x1x8x128xf32, #tpu.memory_space<vmem>>, vector<16xf32>,
        tpu.vector_store %arg10[%parallel_loop3A_588, %parallel_loop3A_589, %parallel_loop3A_590, %parallel_loop3A_591, %parallel_loop3A_592], %parallel_loop3A_537 {strides = array<i32>} : memref<2x8x1x8x128xf32, #tpu.memory_space<vmem>>, vector<16xf32>,
        %parallel_loop3A_594 = arith.constant 1 : i32
        %parallel_loop3A_595 = arith.constant 0 : i32
        %parallel_loop3A_596 = arith.constant 0 : i32
        %parallel_loop3A_597 = arith.index_cast %parallel_loop3A_594 : i32 to index
        %parallel_loop3A_598 = arith.index_cast %parallel_loop3A_523 : i32 to index
        %parallel_loop3A_599 = arith.index_cast %parallel_loop3A_595 : i32 to index
        %parallel_loop3A_600 = arith.index_cast %parallel_loop3A_596 : i32 to index
        %parallel_loop3A_601 = arith.constant 96 : index
        %parallel_loop3A_602 = tpu.vector_load %arg10[%parallel_loop3A_597, %parallel_loop3A_598, %parallel_loop3A_599, %parallel_loop3A_600, %parallel_loop3A_601] {strides = array<i32>} : memref<2x8x1x8x128xf32, #tpu.memory_space<vmem>>, vector<16xf32>,
        tpu.vector_store %arg10[%parallel_loop3A_597, %parallel_loop3A_598, %parallel_loop3A_599, %parallel_loop3A_600, %parallel_loop3A_601], %parallel_loop3A_538 {strides = array<i32>} : memref<2x8x1x8x128xf32, #tpu.memory_space<vmem>>, vector<16xf32>,
        %parallel_loop3A_603 = arith.constant 1 : i32
        %parallel_loop3A_604 = arith.constant 0 : i32
        %parallel_loop3A_605 = arith.constant 0 : i32
        %parallel_loop3A_606 = arith.index_cast %parallel_loop3A_603 : i32 to index
        %parallel_loop3A_607 = arith.index_cast %parallel_loop3A_523 : i32 to index
        %parallel_loop3A_608 = arith.index_cast %parallel_loop3A_604 : i32 to index
        %parallel_loop3A_609 = arith.index_cast %parallel_loop3A_605 : i32 to index
        %parallel_loop3A_610 = arith.constant 112 : index
        %parallel_loop3A_611 = tpu.vector_load %arg10[%parallel_loop3A_606, %parallel_loop3A_607, %parallel_loop3A_608, %parallel_loop3A_609, %parallel_loop3A_610] {strides = array<i32>} : memref<2x8x1x8x128xf32, #tpu.memory_space<vmem>>, vector<16xf32>,
        tpu.vector_store %arg10[%parallel_loop3A_606, %parallel_loop3A_607, %parallel_loop3A_608, %parallel_loop3A_609, %parallel_loop3A_610], %parallel_loop3A_539 {strides = array<i32>} : memref<2x8x1x8x128xf32, #tpu.memory_space<vmem>>, vector<16xf32>,
        %parallel_loop3A_612 = arith.constant 8 : i32
        %parallel_loop3A_613 = arith.muli %parallel_loop3A_523, %parallel_loop3A_612 : i32
        %parallel_loop3A_614 = arith.constant 1 : i32
        %parallel_loop3A_615 = arith.addi %parallel_loop3A_613, %parallel_loop3A_614 : i32
        %parallel_loop3A_616 = arith.constant 0 : i32
        %parallel_loop3A_617 = vector.broadcast %parallel_loop3A_616 : i32 to vector<16xi32>
        %parallel_loop3A_618 = vector.broadcast %parallel_loop3A_615 : i32 to vector<16xi32>
        %parallel_loop3A_619 = arith.addi %parallel_loop3A_617, %parallel_loop3A_618 : vector<16xi32>
        %parallel_loop3A_620 = tpu.vector_load_idx %arg9[%add3A_59, %parallel_loop3A_619] : memref<128x72xf32, #tpu.memory_space<vmem>>[vector<16xi32>, vector<16xi32>], vector<16xf32>,
        %parallel_loop3A_621 = tpu.vector_load_idx %arg9[%add3A_63, %parallel_loop3A_619] : memref<128x72xf32, #tpu.memory_space<vmem>>[vector<16xi32>, vector<16xi32>], vector<16xf32>,
        %parallel_loop3A_622 = tpu.vector_load_idx %arg9[%add3A_67, %parallel_loop3A_619] : memref<128x72xf32, #tpu.memory_space<vmem>>[vector<16xi32>, vector<16xi32>], vector<16xf32>,
        %parallel_loop3A_623 = tpu.vector_load_idx %arg9[%add3A_71, %parallel_loop3A_619] : memref<128x72xf32, #tpu.memory_space<vmem>>[vector<16xi32>, vector<16xi32>], vector<16xf32>,
        %parallel_loop3A_624 = tpu.vector_load_idx %arg9[%add3A_75, %parallel_loop3A_619] : memref<128x72xf32, #tpu.memory_space<vmem>>[vector<16xi32>, vector<16xi32>], vector<16xf32>,
        %parallel_loop3A_625 = tpu.vector_load_idx %arg9[%add3A_79, %parallel_loop3A_619] : memref<128x72xf32, #tpu.memory_space<vmem>>[vector<16xi32>, vector<16xi32>], vector<16xf32>,
        %parallel_loop3A_626 = tpu.vector_load_idx %arg9[%add3A_83, %parallel_loop3A_619] : memref<128x72xf32, #tpu.memory_space<vmem>>[vector<16xi32>, vector<16xi32>], vector<16xf32>,
        %parallel_loop3A_627 = tpu.vector_load_idx %arg9[%add3A_87, %parallel_loop3A_619] : memref<128x72xf32, #tpu.memory_space<vmem>>[vector<16xi32>, vector<16xi32>], vector<16xf32>,
        %parallel_loop3A_628 = arith.constant 1 : i32
        %parallel_loop3A_629 = arith.constant 0 : i32
        %parallel_loop3A_630 = arith.constant 1 : i32
        %parallel_loop3A_631 = arith.index_cast %parallel_loop3A_628 : i32 to index
        %parallel_loop3A_632 = arith.index_cast %parallel_loop3A_523 : i32 to index
        %parallel_loop3A_633 = arith.index_cast %parallel_loop3A_629 : i32 to index
        %parallel_loop3A_634 = arith.index_cast %parallel_loop3A_630 : i32 to index
        %parallel_loop3A_635 = arith.constant 0 : index
        %parallel_loop3A_636 = tpu.vector_load %arg10[%parallel_loop3A_631, %parallel_loop3A_632, %parallel_loop3A_633, %parallel_loop3A_634, %parallel_loop3A_635] {strides = array<i32>} : memref<2x8x1x8x128xf32, #tpu.memory_space<vmem>>, vector<16xf32>,
        tpu.vector_store %arg10[%parallel_loop3A_631, %parallel_loop3A_632, %parallel_loop3A_633, %parallel_loop3A_634, %parallel_loop3A_635], %parallel_loop3A_620 {strides = array<i32>} : memref<2x8x1x8x128xf32, #tpu.memory_space<vmem>>, vector<16xf32>,
        %parallel_loop3A_637 = arith.constant 1 : i32
        %parallel_loop3A_638 = arith.constant 0 : i32
        %parallel_loop3A_639 = arith.constant 1 : i32
        %parallel_loop3A_640 = arith.index_cast %parallel_loop3A_637 : i32 to index
        %parallel_loop3A_641 = arith.index_cast %parallel_loop3A_523 : i32 to index
        %parallel_loop3A_642 = arith.index_cast %parallel_loop3A_638 : i32 to index
        %parallel_loop3A_643 = arith.index_cast %parallel_loop3A_639 : i32 to index
        %parallel_loop3A_644 = arith.constant 16 : index
        %parallel_loop3A_645 = tpu.vector_load %arg10[%parallel_loop3A_640, %parallel_loop3A_641, %parallel_loop3A_642, %parallel_loop3A_643, %parallel_loop3A_644] {strides = array<i32>} : memref<2x8x1x8x128xf32, #tpu.memory_space<vmem>>, vector<16xf32>,
        tpu.vector_store %arg10[%parallel_loop3A_640, %parallel_loop3A_641, %parallel_loop3A_642, %parallel_loop3A_643, %parallel_loop3A_644], %parallel_loop3A_621 {strides = array<i32>} : memref<2x8x1x8x128xf32, #tpu.memory_space<vmem>>, vector<16xf32>,
        %parallel_loop3A_646 = arith.constant 1 : i32
        %parallel_loop3A_647 = arith.constant 0 : i32
        %parallel_loop3A_648 = arith.constant 1 : i32
        %parallel_loop3A_649 = arith.index_cast %parallel_loop3A_646 : i32 to index
        %parallel_loop3A_650 = arith.index_cast %parallel_loop3A_523 : i32 to index
        %parallel_loop3A_651 = arith.index_cast %parallel_loop3A_647 : i32 to index
        %parallel_loop3A_652 = arith.index_cast %parallel_loop3A_648 : i32 to index
        %parallel_loop3A_653 = arith.constant 32 : index
        %parallel_loop3A_654 = tpu.vector_load %arg10[%parallel_loop3A_649, %parallel_loop3A_650, %parallel_loop3A_651, %parallel_loop3A_652, %parallel_loop3A_653] {strides = array<i32>} : memref<2x8x1x8x128xf32, #tpu.memory_space<vmem>>, vector<16xf32>,
        tpu.vector_store %arg10[%parallel_loop3A_649, %parallel_loop3A_650, %parallel_loop3A_651, %parallel_loop3A_652, %parallel_loop3A_653], %parallel_loop3A_622 {strides = array<i32>} : memref<2x8x1x8x128xf32, #tpu.memory_space<vmem>>, vector<16xf32>,
        %parallel_loop3A_655 = arith.constant 1 : i32
        %parallel_loop3A_656 = arith.constant 0 : i32
        %parallel_loop3A_657 = arith.constant 1 : i32
        %parallel_loop3A_658 = arith.index_cast %parallel_loop3A_655 : i32 to index
        %parallel_loop3A_659 = arith.index_cast %parallel_loop3A_523 : i32 to index
        %parallel_loop3A_660 = arith.index_cast %parallel_loop3A_656 : i32 to index
        %parallel_loop3A_661 = arith.index_cast %parallel_loop3A_657 : i32 to index
        %parallel_loop3A_662 = arith.constant 48 : index
        %parallel_loop3A_663 = tpu.vector_load %arg10[%parallel_loop3A_658, %parallel_loop3A_659, %parallel_loop3A_660, %parallel_loop3A_661, %parallel_loop3A_662] {strides = array<i32>} : memref<2x8x1x8x128xf32, #tpu.memory_space<vmem>>, vector<16xf32>,
        tpu.vector_store %arg10[%parallel_loop3A_658, %parallel_loop3A_659, %parallel_loop3A_660, %parallel_loop3A_661, %parallel_loop3A_662], %parallel_loop3A_623 {strides = array<i32>} : memref<2x8x1x8x128xf32, #tpu.memory_space<vmem>>, vector<16xf32>,
        %parallel_loop3A_664 = arith.constant 1 : i32
        %parallel_loop3A_665 = arith.constant 0 : i32
        %parallel_loop3A_666 = arith.constant 1 : i32
        %parallel_loop3A_667 = arith.index_cast %parallel_loop3A_664 : i32 to index
        %parallel_loop3A_668 = arith.index_cast %parallel_loop3A_523 : i32 to index
        %parallel_loop3A_669 = arith.index_cast %parallel_loop3A_665 : i32 to index
        %parallel_loop3A_670 = arith.index_cast %parallel_loop3A_666 : i32 to index
        %parallel_loop3A_671 = arith.constant 64 : index
        %parallel_loop3A_672 = tpu.vector_load %arg10[%parallel_loop3A_667, %parallel_loop3A_668, %parallel_loop3A_669, %parallel_loop3A_670, %parallel_loop3A_671] {strides = array<i32>} : memref<2x8x1x8x128xf32, #tpu.memory_space<vmem>>, vector<16xf32>,
        tpu.vector_store %arg10[%parallel_loop3A_667, %parallel_loop3A_668, %parallel_loop3A_669, %parallel_loop3A_670, %parallel_loop3A_671], %parallel_loop3A_624 {strides = array<i32>} : memref<2x8x1x8x128xf32, #tpu.memory_space<vmem>>, vector<16xf32>,
        %parallel_loop3A_673 = arith.constant 1 : i32
        %parallel_loop3A_674 = arith.constant 0 : i32
        %parallel_loop3A_675 = arith.constant 1 : i32
        %parallel_loop3A_676 = arith.index_cast %parallel_loop3A_673 : i32 to index
        %parallel_loop3A_677 = arith.index_cast %parallel_loop3A_523 : i32 to index
        %parallel_loop3A_678 = arith.index_cast %parallel_loop3A_674 : i32 to index
        %parallel_loop3A_679 = arith.index_cast %parallel_loop3A_675 : i32 to index
        %parallel_loop3A_680 = arith.constant 80 : index
        %parallel_loop3A_681 = tpu.vector_load %arg10[%parallel_loop3A_676, %parallel_loop3A_677, %parallel_loop3A_678, %parallel_loop3A_679, %parallel_loop3A_680] {strides = array<i32>} : memref<2x8x1x8x128xf32, #tpu.memory_space<vmem>>, vector<16xf32>,
        tpu.vector_store %arg10[%parallel_loop3A_676, %parallel_loop3A_677, %parallel_loop3A_678, %parallel_loop3A_679, %parallel_loop3A_680], %parallel_loop3A_625 {strides = array<i32>} : memref<2x8x1x8x128xf32, #tpu.memory_space<vmem>>, vector<16xf32>,
        %parallel_loop3A_682 = arith.constant 1 : i32
        %parallel_loop3A_683 = arith.constant 0 : i32
        %parallel_loop3A_684 = arith.constant 1 : i32
        %parallel_loop3A_685 = arith.index_cast %parallel_loop3A_682 : i32 to index
        %parallel_loop3A_686 = arith.index_cast %parallel_loop3A_523 : i32 to index
        %parallel_loop3A_687 = arith.index_cast %parallel_loop3A_683 : i32 to index
        %parallel_loop3A_688 = arith.index_cast %parallel_loop3A_684 : i32 to index
        %parallel_loop3A_689 = arith.constant 96 : index
        %parallel_loop3A_690 = tpu.vector_load %arg10[%parallel_loop3A_685, %parallel_loop3A_686, %parallel_loop3A_687, %parallel_loop3A_688, %parallel_loop3A_689] {strides = array<i32>} : memref<2x8x1x8x128xf32, #tpu.memory_space<vmem>>, vector<16xf32>,
        tpu.vector_store %arg10[%parallel_loop3A_685, %parallel_loop3A_686, %parallel_loop3A_687, %parallel_loop3A_688, %parallel_loop3A_689], %parallel_loop3A_626 {strides = array<i32>} : memref<2x8x1x8x128xf32, #tpu.memory_space<vmem>>, vector<16xf32>,
        %parallel_loop3A_691 = arith.constant 1 : i32
        %parallel_loop3A_692 = arith.constant 0 : i32
        %parallel_loop3A_693 = arith.constant 1 : i32
        %parallel_loop3A_694 = arith.index_cast %parallel_loop3A_691 : i32 to index
        %parallel_loop3A_695 = arith.index_cast %parallel_loop3A_523 : i32 to index
        %parallel_loop3A_696 = arith.index_cast %parallel_loop3A_692 : i32 to index
        %parallel_loop3A_697 = arith.index_cast %parallel_loop3A_693 : i32 to index
        %parallel_loop3A_698 = arith.constant 112 : index
        %parallel_loop3A_699 = tpu.vector_load %arg10[%parallel_loop3A_694, %parallel_loop3A_695, %parallel_loop3A_696, %parallel_loop3A_697, %parallel_loop3A_698] {strides = array<i32>} : memref<2x8x1x8x128xf32, #tpu.memory_space<vmem>>, vector<16xf32>,
        tpu.vector_store %arg10[%parallel_loop3A_694, %parallel_loop3A_695, %parallel_loop3A_696, %parallel_loop3A_697, %parallel_loop3A_698], %parallel_loop3A_627 {strides = array<i32>} : memref<2x8x1x8x128xf32, #tpu.memory_space<vmem>>, vector<16xf32>,
        %parallel_loop3A_700 = arith.constant 8 : i32
        %parallel_loop3A_701 = arith.muli %parallel_loop3A_523, %parallel_loop3A_700 : i32
        %parallel_loop3A_702 = arith.constant 2 : i32
        %parallel_loop3A_703 = arith.addi %parallel_loop3A_701, %parallel_loop3A_702 : i32
        %parallel_loop3A_704 = arith.constant 0 : i32
        %parallel_loop3A_705 = vector.broadcast %parallel_loop3A_704 : i32 to vector<16xi32>
        %parallel_loop3A_706 = vector.broadcast %parallel_loop3A_703 : i32 to vector<16xi32>
        %parallel_loop3A_707 = arith.addi %parallel_loop3A_705, %parallel_loop3A_706 : vector<16xi32>
        %parallel_loop3A_708 = tpu.vector_load_idx %arg9[%add3A_59, %parallel_loop3A_707] : memref<128x72xf32, #tpu.memory_space<vmem>>[vector<16xi32>, vector<16xi32>], vector<16xf32>,
        %parallel_loop3A_709 = tpu.vector_load_idx %arg9[%add3A_63, %parallel_loop3A_707] : memref<128x72xf32, #tpu.memory_space<vmem>>[vector<16xi32>, vector<16xi32>], vector<16xf32>,
        %parallel_loop3A_710 = tpu.vector_load_idx %arg9[%add3A_67, %parallel_loop3A_707] : memref<128x72xf32, #tpu.memory_space<vmem>>[vector<16xi32>, vector<16xi32>], vector<16xf32>,
        %parallel_loop3A_711 = tpu.vector_load_idx %arg9[%add3A_71, %parallel_loop3A_707] : memref<128x72xf32, #tpu.memory_space<vmem>>[vector<16xi32>, vector<16xi32>], vector<16xf32>,
        %parallel_loop3A_712 = tpu.vector_load_idx %arg9[%add3A_75, %parallel_loop3A_707] : memref<128x72xf32, #tpu.memory_space<vmem>>[vector<16xi32>, vector<16xi32>], vector<16xf32>,
        %parallel_loop3A_713 = tpu.vector_load_idx %arg9[%add3A_79, %parallel_loop3A_707] : memref<128x72xf32, #tpu.memory_space<vmem>>[vector<16xi32>, vector<16xi32>], vector<16xf32>,
        %parallel_loop3A_714 = tpu.vector_load_idx %arg9[%add3A_83, %parallel_loop3A_707] : memref<128x72xf32, #tpu.memory_space<vmem>>[vector<16xi32>, vector<16xi32>], vector<16xf32>,
        %parallel_loop3A_715 = tpu.vector_load_idx %arg9[%add3A_87, %parallel_loop3A_707] : memref<128x72xf32, #tpu.memory_space<vmem>>[vector<16xi32>, vector<16xi32>], vector<16xf32>,
        %parallel_loop3A_716 = arith.constant 1 : i32
        %parallel_loop3A_717 = arith.constant 0 : i32
        %parallel_loop3A_718 = arith.constant 2 : i32
        %parallel_loop3A_719 = arith.index_cast %parallel_loop3A_716 : i32 to index
        %parallel_loop3A_720 = arith.index_cast %parallel_loop3A_523 : i32 to index
        %parallel_loop3A_721 = arith.index_cast %parallel_loop3A_717 : i32 to index
        %parallel_loop3A_722 = arith.index_cast %parallel_loop3A_718 : i32 to index
        %parallel_loop3A_723 = arith.constant 0 : index
        %parallel_loop3A_724 = tpu.vector_load %arg10[%parallel_loop3A_719, %parallel_loop3A_720, %parallel_loop3A_721, %parallel_loop3A_722, %parallel_loop3A_723] {strides = array<i32>} : memref<2x8x1x8x128xf32, #tpu.memory_space<vmem>>, vector<16xf32>,
        tpu.vector_store %arg10[%parallel_loop3A_719, %parallel_loop3A_720, %parallel_loop3A_721, %parallel_loop3A_722, %parallel_loop3A_723], %parallel_loop3A_708 {strides = array<i32>} : memref<2x8x1x8x128xf32, #tpu.memory_space<vmem>>, vector<16xf32>,
        %parallel_loop3A_725 = arith.constant 1 : i32
        %parallel_loop3A_726 = arith.constant 0 : i32
        %parallel_loop3A_727 = arith.constant 2 : i32
        %parallel_loop3A_728 = arith.index_cast %parallel_loop3A_725 : i32 to index
        %parallel_loop3A_729 = arith.index_cast %parallel_loop3A_523 : i32 to index
        %parallel_loop3A_730 = arith.index_cast %parallel_loop3A_726 : i32 to index
        %parallel_loop3A_731 = arith.index_cast %parallel_loop3A_727 : i32 to index
        %parallel_loop3A_732 = arith.constant 16 : index
        %parallel_loop3A_733 = tpu.vector_load %arg10[%parallel_loop3A_728, %parallel_loop3A_729, %parallel_loop3A_730, %parallel_loop3A_731, %parallel_loop3A_732] {strides = array<i32>} : memref<2x8x1x8x128xf32, #tpu.memory_space<vmem>>, vector<16xf32>,
        tpu.vector_store %arg10[%parallel_loop3A_728, %parallel_loop3A_729, %parallel_loop3A_730, %parallel_loop3A_731, %parallel_loop3A_732], %parallel_loop3A_709 {strides = array<i32>} : memref<2x8x1x8x128xf32, #tpu.memory_space<vmem>>, vector<16xf32>,
        %parallel_loop3A_734 = arith.constant 1 : i32
        %parallel_loop3A_735 = arith.constant 0 : i32
        %parallel_loop3A_736 = arith.constant 2 : i32
        %parallel_loop3A_737 = arith.index_cast %parallel_loop3A_734 : i32 to index
        %parallel_loop3A_738 = arith.index_cast %parallel_loop3A_523 : i32 to index
        %parallel_loop3A_739 = arith.index_cast %parallel_loop3A_735 : i32 to index
        %parallel_loop3A_740 = arith.index_cast %parallel_loop3A_736 : i32 to index
        %parallel_loop3A_741 = arith.constant 32 : index
        %parallel_loop3A_742 = tpu.vector_load %arg10[%parallel_loop3A_737, %parallel_loop3A_738, %parallel_loop3A_739, %parallel_loop3A_740, %parallel_loop3A_741] {strides = array<i32>} : memref<2x8x1x8x128xf32, #tpu.memory_space<vmem>>, vector<16xf32>,
        tpu.vector_store %arg10[%parallel_loop3A_737, %parallel_loop3A_738, %parallel_loop3A_739, %parallel_loop3A_740, %parallel_loop3A_741], %parallel_loop3A_710 {strides = array<i32>} : memref<2x8x1x8x128xf32, #tpu.memory_space<vmem>>, vector<16xf32>,
        %parallel_loop3A_743 = arith.constant 1 : i32
        %parallel_loop3A_744 = arith.constant 0 : i32
        %parallel_loop3A_745 = arith.constant 2 : i32
        %parallel_loop3A_746 = arith.index_cast %parallel_loop3A_743 : i32 to index
        %parallel_loop3A_747 = arith.index_cast %parallel_loop3A_523 : i32 to index
        %parallel_loop3A_748 = arith.index_cast %parallel_loop3A_744 : i32 to index
        %parallel_loop3A_749 = arith.index_cast %parallel_loop3A_745 : i32 to index
        %parallel_loop3A_750 = arith.constant 48 : index
        %parallel_loop3A_751 = tpu.vector_load %arg10[%parallel_loop3A_746, %parallel_loop3A_747, %parallel_loop3A_748, %parallel_loop3A_749, %parallel_loop3A_750] {strides = array<i32>} : memref<2x8x1x8x128xf32, #tpu.memory_space<vmem>>, vector<16xf32>,
        tpu.vector_store %arg10[%parallel_loop3A_746, %parallel_loop3A_747, %parallel_loop3A_748, %parallel_loop3A_749, %parallel_loop3A_750], %parallel_loop3A_711 {strides = array<i32>} : memref<2x8x1x8x128xf32, #tpu.memory_space<vmem>>, vector<16xf32>,
        %parallel_loop3A_752 = arith.constant 1 : i32
        %parallel_loop3A_753 = arith.constant 0 : i32
        %parallel_loop3A_754 = arith.constant 2 : i32
        %parallel_loop3A_755 = arith.index_cast %parallel_loop3A_752 : i32 to index
        %parallel_loop3A_756 = arith.index_cast %parallel_loop3A_523 : i32 to index
        %parallel_loop3A_757 = arith.index_cast %parallel_loop3A_753 : i32 to index
        %parallel_loop3A_758 = arith.index_cast %parallel_loop3A_754 : i32 to index
        %parallel_loop3A_759 = arith.constant 64 : index
        %parallel_loop3A_760 = tpu.vector_load %arg10[%parallel_loop3A_755, %parallel_loop3A_756, %parallel_loop3A_757, %parallel_loop3A_758, %parallel_loop3A_759] {strides = array<i32>} : memref<2x8x1x8x128xf32, #tpu.memory_space<vmem>>, vector<16xf32>,
        tpu.vector_store %arg10[%parallel_loop3A_755, %parallel_loop3A_756, %parallel_loop3A_757, %parallel_loop3A_758, %parallel_loop3A_759], %parallel_loop3A_712 {strides = array<i32>} : memref<2x8x1x8x128xf32, #tpu.memory_space<vmem>>, vector<16xf32>,
        %parallel_loop3A_761 = arith.constant 1 : i32
        %parallel_loop3A_762 = arith.constant 0 : i32
        %parallel_loop3A_763 = arith.constant 2 : i32
        %parallel_loop3A_764 = arith.index_cast %parallel_loop3A_761 : i32 to index
        %parallel_loop3A_765 = arith.index_cast %parallel_loop3A_523 : i32 to index
        %parallel_loop3A_766 = arith.index_cast %parallel_loop3A_762 : i32 to index
        %parallel_loop3A_767 = arith.index_cast %parallel_loop3A_763 : i32 to index
        %parallel_loop3A_768 = arith.constant 80 : index
        %parallel_loop3A_769 = tpu.vector_load %arg10[%parallel_loop3A_764, %parallel_loop3A_765, %parallel_loop3A_766, %parallel_loop3A_767, %parallel_loop3A_768] {strides = array<i32>} : memref<2x8x1x8x128xf32, #tpu.memory_space<vmem>>, vector<16xf32>,
        tpu.vector_store %arg10[%parallel_loop3A_764, %parallel_loop3A_765, %parallel_loop3A_766, %parallel_loop3A_767, %parallel_loop3A_768], %parallel_loop3A_713 {strides = array<i32>} : memref<2x8x1x8x128xf32, #tpu.memory_space<vmem>>, vector<16xf32>,
        %parallel_loop3A_770 = arith.constant 1 : i32
        %parallel_loop3A_771 = arith.constant 0 : i32
        %parallel_loop3A_772 = arith.constant 2 : i32
        %parallel_loop3A_773 = arith.index_cast %parallel_loop3A_770 : i32 to index
        %parallel_loop3A_774 = arith.index_cast %parallel_loop3A_523 : i32 to index
        %parallel_loop3A_775 = arith.index_cast %parallel_loop3A_771 : i32 to index
        %parallel_loop3A_776 = arith.index_cast %parallel_loop3A_772 : i32 to index
        %parallel_loop3A_777 = arith.constant 96 : index
        %parallel_loop3A_778 = tpu.vector_load %arg10[%parallel_loop3A_773, %parallel_loop3A_774, %parallel_loop3A_775, %parallel_loop3A_776, %parallel_loop3A_777] {strides = array<i32>} : memref<2x8x1x8x128xf32, #tpu.memory_space<vmem>>, vector<16xf32>,
        tpu.vector_store %arg10[%parallel_loop3A_773, %parallel_loop3A_774, %parallel_loop3A_775, %parallel_loop3A_776, %parallel_loop3A_777], %parallel_loop3A_714 {strides = array<i32>} : memref<2x8x1x8x128xf32, #tpu.memory_space<vmem>>, vector<16xf32>,
        %parallel_loop3A_779 = arith.constant 1 : i32
        %parallel_loop3A_780 = arith.constant 0 : i32
        %parallel_loop3A_781 = arith.constant 2 : i32
        %parallel_loop3A_782 = arith.index_cast %parallel_loop3A_779 : i32 to index
        %parallel_loop3A_783 = arith.index_cast %parallel_loop3A_523 : i32 to index
        %parallel_loop3A_784 = arith.index_cast %parallel_loop3A_780 : i32 to index
        %parallel_loop3A_785 = arith.index_cast %parallel_loop3A_781 : i32 to index
        %parallel_loop3A_786 = arith.constant 112 : index
        %parallel_loop3A_787 = tpu.vector_load %arg10[%parallel_loop3A_782, %parallel_loop3A_783, %parallel_loop3A_784, %parallel_loop3A_785, %parallel_loop3A_786] {strides = array<i32>} : memref<2x8x1x8x128xf32, #tpu.memory_space<vmem>>, vector<16xf32>,
        tpu.vector_store %arg10[%parallel_loop3A_782, %parallel_loop3A_783, %parallel_loop3A_784, %parallel_loop3A_785, %parallel_loop3A_786], %parallel_loop3A_715 {strides = array<i32>} : memref<2x8x1x8x128xf32, #tpu.memory_space<vmem>>, vector<16xf32>,
        %parallel_loop3A_788 = arith.constant 8 : i32
        %parallel_loop3A_789 = arith.muli %parallel_loop3A_523, %parallel_loop3A_788 : i32
        %parallel_loop3A_790 = arith.constant 3 : i32
        %parallel_loop3A_791 = arith.addi %parallel_loop3A_789, %parallel_loop3A_790 : i32
        %parallel_loop3A_792 = arith.constant 0 : i32
        %parallel_loop3A_793 = vector.broadcast %parallel_loop3A_792 : i32 to vector<16xi32>
        %parallel_loop3A_794 = vector.broadcast %parallel_loop3A_791 : i32 to vector<16xi32>
        %parallel_loop3A_795 = arith.addi %parallel_loop3A_793, %parallel_loop3A_794 : vector<16xi32>
        %parallel_loop3A_796 = tpu.vector_load_idx %arg9[%add3A_59, %parallel_loop3A_795] : memref<128x72xf32, #tpu.memory_space<vmem>>[vector<16xi32>, vector<16xi32>], vector<16xf32>,
        %parallel_loop3A_797 = tpu.vector_load_idx %arg9[%add3A_63, %parallel_loop3A_795] : memref<128x72xf32, #tpu.memory_space<vmem>>[vector<16xi32>, vector<16xi32>], vector<16xf32>,
        %parallel_loop3A_798 = tpu.vector_load_idx %arg9[%add3A_67, %parallel_loop3A_795] : memref<128x72xf32, #tpu.memory_space<vmem>>[vector<16xi32>, vector<16xi32>], vector<16xf32>,
        %parallel_loop3A_799 = tpu.vector_load_idx %arg9[%add3A_71, %parallel_loop3A_795] : memref<128x72xf32, #tpu.memory_space<vmem>>[vector<16xi32>, vector<16xi32>], vector<16xf32>,
        %parallel_loop3A_800 = tpu.vector_load_idx %arg9[%add3A_75, %parallel_loop3A_795] : memref<128x72xf32, #tpu.memory_space<vmem>>[vector<16xi32>, vector<16xi32>], vector<16xf32>,
        %parallel_loop3A_801 = tpu.vector_load_idx %arg9[%add3A_79, %parallel_loop3A_795] : memref<128x72xf32, #tpu.memory_space<vmem>>[vector<16xi32>, vector<16xi32>], vector<16xf32>,
        %parallel_loop3A_802 = tpu.vector_load_idx %arg9[%add3A_83, %parallel_loop3A_795] : memref<128x72xf32, #tpu.memory_space<vmem>>[vector<16xi32>, vector<16xi32>], vector<16xf32>,
        %parallel_loop3A_803 = tpu.vector_load_idx %arg9[%add3A_87, %parallel_loop3A_795] : memref<128x72xf32, #tpu.memory_space<vmem>>[vector<16xi32>, vector<16xi32>], vector<16xf32>,
        %parallel_loop3A_804 = arith.constant 1 : i32
        %parallel_loop3A_805 = arith.constant 0 : i32
        %parallel_loop3A_806 = arith.constant 3 : i32
        %parallel_loop3A_807 = arith.index_cast %parallel_loop3A_804 : i32 to index
        %parallel_loop3A_808 = arith.index_cast %parallel_loop3A_523 : i32 to index
        %parallel_loop3A_809 = arith.index_cast %parallel_loop3A_805 : i32 to index
        %parallel_loop3A_810 = arith.index_cast %parallel_loop3A_806 : i32 to index
        %parallel_loop3A_811 = arith.constant 0 : index
        %parallel_loop3A_812 = tpu.vector_load %arg10[%parallel_loop3A_807, %parallel_loop3A_808, %parallel_loop3A_809, %parallel_loop3A_810, %parallel_loop3A_811] {strides = array<i32>} : memref<2x8x1x8x128xf32, #tpu.memory_space<vmem>>, vector<16xf32>,
        tpu.vector_store %arg10[%parallel_loop3A_807, %parallel_loop3A_808, %parallel_loop3A_809, %parallel_loop3A_810, %parallel_loop3A_811], %parallel_loop3A_796 {strides = array<i32>} : memref<2x8x1x8x128xf32, #tpu.memory_space<vmem>>, vector<16xf32>,
        %parallel_loop3A_813 = arith.constant 1 : i32
        %parallel_loop3A_814 = arith.constant 0 : i32
        %parallel_loop3A_815 = arith.constant 3 : i32
        %parallel_loop3A_816 = arith.index_cast %parallel_loop3A_813 : i32 to index
        %parallel_loop3A_817 = arith.index_cast %parallel_loop3A_523 : i32 to index
        %parallel_loop3A_818 = arith.index_cast %parallel_loop3A_814 : i32 to index
        %parallel_loop3A_819 = arith.index_cast %parallel_loop3A_815 : i32 to index
        %parallel_loop3A_820 = arith.constant 16 : index
        %parallel_loop3A_821 = tpu.vector_load %arg10[%parallel_loop3A_816, %parallel_loop3A_817, %parallel_loop3A_818, %parallel_loop3A_819, %parallel_loop3A_820] {strides = array<i32>} : memref<2x8x1x8x128xf32, #tpu.memory_space<vmem>>, vector<16xf32>,
        tpu.vector_store %arg10[%parallel_loop3A_816, %parallel_loop3A_817, %parallel_loop3A_818, %parallel_loop3A_819, %parallel_loop3A_820], %parallel_loop3A_797 {strides = array<i32>} : memref<2x8x1x8x128xf32, #tpu.memory_space<vmem>>, vector<16xf32>,
        %parallel_loop3A_822 = arith.constant 1 : i32
        %parallel_loop3A_823 = arith.constant 0 : i32
        %parallel_loop3A_824 = arith.constant 3 : i32
        %parallel_loop3A_825 = arith.index_cast %parallel_loop3A_822 : i32 to index
        %parallel_loop3A_826 = arith.index_cast %parallel_loop3A_523 : i32 to index
        %parallel_loop3A_827 = arith.index_cast %parallel_loop3A_823 : i32 to index
        %parallel_loop3A_828 = arith.index_cast %parallel_loop3A_824 : i32 to index
        %parallel_loop3A_829 = arith.constant 32 : index
        %parallel_loop3A_830 = tpu.vector_load %arg10[%parallel_loop3A_825, %parallel_loop3A_826, %parallel_loop3A_827, %parallel_loop3A_828, %parallel_loop3A_829] {strides = array<i32>} : memref<2x8x1x8x128xf32, #tpu.memory_space<vmem>>, vector<16xf32>,
        tpu.vector_store %arg10[%parallel_loop3A_825, %parallel_loop3A_826, %parallel_loop3A_827, %parallel_loop3A_828, %parallel_loop3A_829], %parallel_loop3A_798 {strides = array<i32>} : memref<2x8x1x8x128xf32, #tpu.memory_space<vmem>>, vector<16xf32>,
        %parallel_loop3A_831 = arith.constant 1 : i32
        %parallel_loop3A_832 = arith.constant 0 : i32
        %parallel_loop3A_833 = arith.constant 3 : i32
        %parallel_loop3A_834 = arith.index_cast %parallel_loop3A_831 : i32 to index
        %parallel_loop3A_835 = arith.index_cast %parallel_loop3A_523 : i32 to index
        %parallel_loop3A_836 = arith.index_cast %parallel_loop3A_832 : i32 to index
        %parallel_loop3A_837 = arith.index_cast %parallel_loop3A_833 : i32 to index
        %parallel_loop3A_838 = arith.constant 48 : index
        %parallel_loop3A_839 = tpu.vector_load %arg10[%parallel_loop3A_834, %parallel_loop3A_835, %parallel_loop3A_836, %parallel_loop3A_837, %parallel_loop3A_838] {strides = array<i32>} : memref<2x8x1x8x128xf32, #tpu.memory_space<vmem>>, vector<16xf32>,
        tpu.vector_store %arg10[%parallel_loop3A_834, %parallel_loop3A_835, %parallel_loop3A_836, %parallel_loop3A_837, %parallel_loop3A_838], %parallel_loop3A_799 {strides = array<i32>} : memref<2x8x1x8x128xf32, #tpu.memory_space<vmem>>, vector<16xf32>,
        %parallel_loop3A_840 = arith.constant 1 : i32
        %parallel_loop3A_841 = arith.constant 0 : i32
        %parallel_loop3A_842 = arith.constant 3 : i32
        %parallel_loop3A_843 = arith.index_cast %parallel_loop3A_840 : i32 to index
        %parallel_loop3A_844 = arith.index_cast %parallel_loop3A_523 : i32 to index
        %parallel_loop3A_845 = arith.index_cast %parallel_loop3A_841 : i32 to index
        %parallel_loop3A_846 = arith.index_cast %parallel_loop3A_842 : i32 to index
        %parallel_loop3A_847 = arith.constant 64 : index
        %parallel_loop3A_848 = tpu.vector_load %arg10[%parallel_loop3A_843, %parallel_loop3A_844, %parallel_loop3A_845, %parallel_loop3A_846, %parallel_loop3A_847] {strides = array<i32>} : memref<2x8x1x8x128xf32, #tpu.memory_space<vmem>>, vector<16xf32>,
        tpu.vector_store %arg10[%parallel_loop3A_843, %parallel_loop3A_844, %parallel_loop3A_845, %parallel_loop3A_846, %parallel_loop3A_847], %parallel_loop3A_800 {strides = array<i32>} : memref<2x8x1x8x128xf32, #tpu.memory_space<vmem>>, vector<16xf32>,
        %parallel_loop3A_849 = arith.constant 1 : i32
        %parallel_loop3A_850 = arith.constant 0 : i32
        %parallel_loop3A_851 = arith.constant 3 : i32
        %parallel_loop3A_852 = arith.index_cast %parallel_loop3A_849 : i32 to index
        %parallel_loop3A_853 = arith.index_cast %parallel_loop3A_523 : i32 to index
        %parallel_loop3A_854 = arith.index_cast %parallel_loop3A_850 : i32 to index
        %parallel_loop3A_855 = arith.index_cast %parallel_loop3A_851 : i32 to index
        %parallel_loop3A_856 = arith.constant 80 : index
        %parallel_loop3A_857 = tpu.vector_load %arg10[%parallel_loop3A_852, %parallel_loop3A_853, %parallel_loop3A_854, %parallel_loop3A_855, %parallel_loop3A_856] {strides = array<i32>} : memref<2x8x1x8x128xf32, #tpu.memory_space<vmem>>, vector<16xf32>,
        tpu.vector_store %arg10[%parallel_loop3A_852, %parallel_loop3A_853, %parallel_loop3A_854, %parallel_loop3A_855, %parallel_loop3A_856], %parallel_loop3A_801 {strides = array<i32>} : memref<2x8x1x8x128xf32, #tpu.memory_space<vmem>>, vector<16xf32>,
        %parallel_loop3A_858 = arith.constant 1 : i32
        %parallel_loop3A_859 = arith.constant 0 : i32
        %parallel_loop3A_860 = arith.constant 3 : i32
        %parallel_loop3A_861 = arith.index_cast %parallel_loop3A_858 : i32 to index
        %parallel_loop3A_862 = arith.index_cast %parallel_loop3A_523 : i32 to index
        %parallel_loop3A_863 = arith.index_cast %parallel_loop3A_859 : i32 to index
        %parallel_loop3A_864 = arith.index_cast %parallel_loop3A_860 : i32 to index
        %parallel_loop3A_865 = arith.constant 96 : index
        %parallel_loop3A_866 = tpu.vector_load %arg10[%parallel_loop3A_861, %parallel_loop3A_862, %parallel_loop3A_863, %parallel_loop3A_864, %parallel_loop3A_865] {strides = array<i32>} : memref<2x8x1x8x128xf32, #tpu.memory_space<vmem>>, vector<16xf32>,
        tpu.vector_store %arg10[%parallel_loop3A_861, %parallel_loop3A_862, %parallel_loop3A_863, %parallel_loop3A_864, %parallel_loop3A_865], %parallel_loop3A_802 {strides = array<i32>} : memref<2x8x1x8x128xf32, #tpu.memory_space<vmem>>, vector<16xf32>,
        %parallel_loop3A_867 = arith.constant 1 : i32
        %parallel_loop3A_868 = arith.constant 0 : i32
        %parallel_loop3A_869 = arith.constant 3 : i32
        %parallel_loop3A_870 = arith.index_cast %parallel_loop3A_867 : i32 to index
        %parallel_loop3A_871 = arith.index_cast %parallel_loop3A_523 : i32 to index
        %parallel_loop3A_872 = arith.index_cast %parallel_loop3A_868 : i32 to index
        %parallel_loop3A_873 = arith.index_cast %parallel_loop3A_869 : i32 to index
        %parallel_loop3A_874 = arith.constant 112 : index
        %parallel_loop3A_875 = tpu.vector_load %arg10[%parallel_loop3A_870, %parallel_loop3A_871, %parallel_loop3A_872, %parallel_loop3A_873, %parallel_loop3A_874] {strides = array<i32>} : memref<2x8x1x8x128xf32, #tpu.memory_space<vmem>>, vector<16xf32>,
        tpu.vector_store %arg10[%parallel_loop3A_870, %parallel_loop3A_871, %parallel_loop3A_872, %parallel_loop3A_873, %parallel_loop3A_874], %parallel_loop3A_803 {strides = array<i32>} : memref<2x8x1x8x128xf32, #tpu.memory_space<vmem>>, vector<16xf32>,
        %parallel_loop3A_876 = arith.constant 8 : i32
        %parallel_loop3A_877 = arith.muli %parallel_loop3A_523, %parallel_loop3A_876 : i32
        %parallel_loop3A_878 = arith.constant 4 : i32
        %parallel_loop3A_879 = arith.addi %parallel_loop3A_877, %parallel_loop3A_878 : i32
        %parallel_loop3A_880 = arith.constant 0 : i32
        %parallel_loop3A_881 = vector.broadcast %parallel_loop3A_880 : i32 to vector<16xi32>
        %parallel_loop3A_882 = vector.broadcast %parallel_loop3A_879 : i32 to vector<16xi32>
        %parallel_loop3A_883 = arith.addi %parallel_loop3A_881, %parallel_loop3A_882 : vector<16xi32>
        %parallel_loop3A_884 = tpu.vector_load_idx %arg9[%add3A_59, %parallel_loop3A_883] : memref<128x72xf32, #tpu.memory_space<vmem>>[vector<16xi32>, vector<16xi32>], vector<16xf32>,
        %parallel_loop3A_885 = tpu.vector_load_idx %arg9[%add3A_63, %parallel_loop3A_883] : memref<128x72xf32, #tpu.memory_space<vmem>>[vector<16xi32>, vector<16xi32>], vector<16xf32>,
        %parallel_loop3A_886 = tpu.vector_load_idx %arg9[%add3A_67, %parallel_loop3A_883] : memref<128x72xf32, #tpu.memory_space<vmem>>[vector<16xi32>, vector<16xi32>], vector<16xf32>,
        %parallel_loop3A_887 = tpu.vector_load_idx %arg9[%add3A_71, %parallel_loop3A_883] : memref<128x72xf32, #tpu.memory_space<vmem>>[vector<16xi32>, vector<16xi32>], vector<16xf32>,
        %parallel_loop3A_888 = tpu.vector_load_idx %arg9[%add3A_75, %parallel_loop3A_883] : memref<128x72xf32, #tpu.memory_space<vmem>>[vector<16xi32>, vector<16xi32>], vector<16xf32>,
        %parallel_loop3A_889 = tpu.vector_load_idx %arg9[%add3A_79, %parallel_loop3A_883] : memref<128x72xf32, #tpu.memory_space<vmem>>[vector<16xi32>, vector<16xi32>], vector<16xf32>,
        %parallel_loop3A_890 = tpu.vector_load_idx %arg9[%add3A_83, %parallel_loop3A_883] : memref<128x72xf32, #tpu.memory_space<vmem>>[vector<16xi32>, vector<16xi32>], vector<16xf32>,
        %parallel_loop3A_891 = tpu.vector_load_idx %arg9[%add3A_87, %parallel_loop3A_883] : memref<128x72xf32, #tpu.memory_space<vmem>>[vector<16xi32>, vector<16xi32>], vector<16xf32>,
        %parallel_loop3A_892 = arith.constant 1 : i32
        %parallel_loop3A_893 = arith.constant 0 : i32
        %parallel_loop3A_894 = arith.constant 4 : i32
        %parallel_loop3A_895 = arith.index_cast %parallel_loop3A_892 : i32 to index
        %parallel_loop3A_896 = arith.index_cast %parallel_loop3A_523 : i32 to index
        %parallel_loop3A_897 = arith.index_cast %parallel_loop3A_893 : i32 to index
        %parallel_loop3A_898 = arith.index_cast %parallel_loop3A_894 : i32 to index
        %parallel_loop3A_899 = arith.constant 0 : index
        %parallel_loop3A_900 = tpu.vector_load %arg10[%parallel_loop3A_895, %parallel_loop3A_896, %parallel_loop3A_897, %parallel_loop3A_898, %parallel_loop3A_899] {strides = array<i32>} : memref<2x8x1x8x128xf32, #tpu.memory_space<vmem>>, vector<16xf32>,
        tpu.vector_store %arg10[%parallel_loop3A_895, %parallel_loop3A_896, %parallel_loop3A_897, %parallel_loop3A_898, %parallel_loop3A_899], %parallel_loop3A_884 {strides = array<i32>} : memref<2x8x1x8x128xf32, #tpu.memory_space<vmem>>, vector<16xf32>,
        %parallel_loop3A_901 = arith.constant 1 : i32
        %parallel_loop3A_902 = arith.constant 0 : i32
        %parallel_loop3A_903 = arith.constant 4 : i32
        %parallel_loop3A_904 = arith.index_cast %parallel_loop3A_901 : i32 to index
        %parallel_loop3A_905 = arith.index_cast %parallel_loop3A_523 : i32 to index
        %parallel_loop3A_906 = arith.index_cast %parallel_loop3A_902 : i32 to index
        %parallel_loop3A_907 = arith.index_cast %parallel_loop3A_903 : i32 to index
        %parallel_loop3A_908 = arith.constant 16 : index
        %parallel_loop3A_909 = tpu.vector_load %arg10[%parallel_loop3A_904, %parallel_loop3A_905, %parallel_loop3A_906, %parallel_loop3A_907, %parallel_loop3A_908] {strides = array<i32>} : memref<2x8x1x8x128xf32, #tpu.memory_space<vmem>>, vector<16xf32>,
        tpu.vector_store %arg10[%parallel_loop3A_904, %parallel_loop3A_905, %parallel_loop3A_906, %parallel_loop3A_907, %parallel_loop3A_908], %parallel_loop3A_885 {strides = array<i32>} : memref<2x8x1x8x128xf32, #tpu.memory_space<vmem>>, vector<16xf32>,
        %parallel_loop3A_910 = arith.constant 1 : i32
        %parallel_loop3A_911 = arith.constant 0 : i32
        %parallel_loop3A_912 = arith.constant 4 : i32
        %parallel_loop3A_913 = arith.index_cast %parallel_loop3A_910 : i32 to index
        %parallel_loop3A_914 = arith.index_cast %parallel_loop3A_523 : i32 to index
        %parallel_loop3A_915 = arith.index_cast %parallel_loop3A_911 : i32 to index
        %parallel_loop3A_916 = arith.index_cast %parallel_loop3A_912 : i32 to index
        %parallel_loop3A_917 = arith.constant 32 : index
        %parallel_loop3A_918 = tpu.vector_load %arg10[%parallel_loop3A_913, %parallel_loop3A_914, %parallel_loop3A_915, %parallel_loop3A_916, %parallel_loop3A_917] {strides = array<i32>} : memref<2x8x1x8x128xf32, #tpu.memory_space<vmem>>, vector<16xf32>,
        tpu.vector_store %arg10[%parallel_loop3A_913, %parallel_loop3A_914, %parallel_loop3A_915, %parallel_loop3A_916, %parallel_loop3A_917], %parallel_loop3A_886 {strides = array<i32>} : memref<2x8x1x8x128xf32, #tpu.memory_space<vmem>>, vector<16xf32>,
        %parallel_loop3A_919 = arith.constant 1 : i32
        %parallel_loop3A_920 = arith.constant 0 : i32
        %parallel_loop3A_921 = arith.constant 4 : i32
        %parallel_loop3A_922 = arith.index_cast %parallel_loop3A_919 : i32 to index
        %parallel_loop3A_923 = arith.index_cast %parallel_loop3A_523 : i32 to index
        %parallel_loop3A_924 = arith.index_cast %parallel_loop3A_920 : i32 to index
        %parallel_loop3A_925 = arith.index_cast %parallel_loop3A_921 : i32 to index
        %parallel_loop3A_926 = arith.constant 48 : index
        %parallel_loop3A_927 = tpu.vector_load %arg10[%parallel_loop3A_922, %parallel_loop3A_923, %parallel_loop3A_924, %parallel_loop3A_925, %parallel_loop3A_926] {strides = array<i32>} : memref<2x8x1x8x128xf32, #tpu.memory_space<vmem>>, vector<16xf32>,
        tpu.vector_store %arg10[%parallel_loop3A_922, %parallel_loop3A_923, %parallel_loop3A_924, %parallel_loop3A_925, %parallel_loop3A_926], %parallel_loop3A_887 {strides = array<i32>} : memref<2x8x1x8x128xf32, #tpu.memory_space<vmem>>, vector<16xf32>,
        %parallel_loop3A_928 = arith.constant 1 : i32
        %parallel_loop3A_929 = arith.constant 0 : i32
        %parallel_loop3A_930 = arith.constant 4 : i32
        %parallel_loop3A_931 = arith.index_cast %parallel_loop3A_928 : i32 to index
        %parallel_loop3A_932 = arith.index_cast %parallel_loop3A_523 : i32 to index
        %parallel_loop3A_933 = arith.index_cast %parallel_loop3A_929 : i32 to index
        %parallel_loop3A_934 = arith.index_cast %parallel_loop3A_930 : i32 to index
        %parallel_loop3A_935 = arith.constant 64 : index
        %parallel_loop3A_936 = tpu.vector_load %arg10[%parallel_loop3A_931, %parallel_loop3A_932, %parallel_loop3A_933, %parallel_loop3A_934, %parallel_loop3A_935] {strides = array<i32>} : memref<2x8x1x8x128xf32, #tpu.memory_space<vmem>>, vector<16xf32>,
        tpu.vector_store %arg10[%parallel_loop3A_931, %parallel_loop3A_932, %parallel_loop3A_933, %parallel_loop3A_934, %parallel_loop3A_935], %parallel_loop3A_888 {strides = array<i32>} : memref<2x8x1x8x128xf32, #tpu.memory_space<vmem>>, vector<16xf32>,
        %parallel_loop3A_937 = arith.constant 1 : i32
        %parallel_loop3A_938 = arith.constant 0 : i32
        %parallel_loop3A_939 = arith.constant 4 : i32
        %parallel_loop3A_940 = arith.index_cast %parallel_loop3A_937 : i32 to index
        %parallel_loop3A_941 = arith.index_cast %parallel_loop3A_523 : i32 to index
        %parallel_loop3A_942 = arith.index_cast %parallel_loop3A_938 : i32 to index
        %parallel_loop3A_943 = arith.index_cast %parallel_loop3A_939 : i32 to index
        %parallel_loop3A_944 = arith.constant 80 : index
        %parallel_loop3A_945 = tpu.vector_load %arg10[%parallel_loop3A_940, %parallel_loop3A_941, %parallel_loop3A_942, %parallel_loop3A_943, %parallel_loop3A_944] {strides = array<i32>} : memref<2x8x1x8x128xf32, #tpu.memory_space<vmem>>, vector<16xf32>,
        tpu.vector_store %arg10[%parallel_loop3A_940, %parallel_loop3A_941, %parallel_loop3A_942, %parallel_loop3A_943, %parallel_loop3A_944], %parallel_loop3A_889 {strides = array<i32>} : memref<2x8x1x8x128xf32, #tpu.memory_space<vmem>>, vector<16xf32>,
        %parallel_loop3A_946 = arith.constant 1 : i32
        %parallel_loop3A_947 = arith.constant 0 : i32
        %parallel_loop3A_948 = arith.constant 4 : i32
        %parallel_loop3A_949 = arith.index_cast %parallel_loop3A_946 : i32 to index
        %parallel_loop3A_950 = arith.index_cast %parallel_loop3A_523 : i32 to index
        %parallel_loop3A_951 = arith.index_cast %parallel_loop3A_947 : i32 to index
        %parallel_loop3A_952 = arith.index_cast %parallel_loop3A_948 : i32 to index
        %parallel_loop3A_953 = arith.constant 96 : index
        %parallel_loop3A_954 = tpu.vector_load %arg10[%parallel_loop3A_949, %parallel_loop3A_950, %parallel_loop3A_951, %parallel_loop3A_952, %parallel_loop3A_953] {strides = array<i32>} : memref<2x8x1x8x128xf32, #tpu.memory_space<vmem>>, vector<16xf32>,
        tpu.vector_store %arg10[%parallel_loop3A_949, %parallel_loop3A_950, %parallel_loop3A_951, %parallel_loop3A_952, %parallel_loop3A_953], %parallel_loop3A_890 {strides = array<i32>} : memref<2x8x1x8x128xf32, #tpu.memory_space<vmem>>, vector<16xf32>,
        %parallel_loop3A_955 = arith.constant 1 : i32
        %parallel_loop3A_956 = arith.constant 0 : i32
        %parallel_loop3A_957 = arith.constant 4 : i32
        %parallel_loop3A_958 = arith.index_cast %parallel_loop3A_955 : i32 to index
        %parallel_loop3A_959 = arith.index_cast %parallel_loop3A_523 : i32 to index
        %parallel_loop3A_960 = arith.index_cast %parallel_loop3A_956 : i32 to index
        %parallel_loop3A_961 = arith.index_cast %parallel_loop3A_957 : i32 to index
        %parallel_loop3A_962 = arith.constant 112 : index
        %parallel_loop3A_963 = tpu.vector_load %arg10[%parallel_loop3A_958, %parallel_loop3A_959, %parallel_loop3A_960, %parallel_loop3A_961, %parallel_loop3A_962] {strides = array<i32>} : memref<2x8x1x8x128xf32, #tpu.memory_space<vmem>>, vector<16xf32>,
        tpu.vector_store %arg10[%parallel_loop3A_958, %parallel_loop3A_959, %parallel_loop3A_960, %parallel_loop3A_961, %parallel_loop3A_962], %parallel_loop3A_891 {strides = array<i32>} : memref<2x8x1x8x128xf32, #tpu.memory_space<vmem>>, vector<16xf32>,
        %parallel_loop3A_964 = arith.constant 8 : i32
        %parallel_loop3A_965 = arith.muli %parallel_loop3A_523, %parallel_loop3A_964 : i32
        %parallel_loop3A_966 = arith.constant 5 : i32
        %parallel_loop3A_967 = arith.addi %parallel_loop3A_965, %parallel_loop3A_966 : i32
        %parallel_loop3A_968 = arith.constant 0 : i32
        %parallel_loop3A_969 = vector.broadcast %parallel_loop3A_968 : i32 to vector<16xi32>
        %parallel_loop3A_970 = vector.broadcast %parallel_loop3A_967 : i32 to vector<16xi32>
        %parallel_loop3A_971 = arith.addi %parallel_loop3A_969, %parallel_loop3A_970 : vector<16xi32>
        %parallel_loop3A_972 = tpu.vector_load_idx %arg9[%add3A_59, %parallel_loop3A_971] : memref<128x72xf32, #tpu.memory_space<vmem>>[vector<16xi32>, vector<16xi32>], vector<16xf32>,
        %parallel_loop3A_973 = tpu.vector_load_idx %arg9[%add3A_63, %parallel_loop3A_971] : memref<128x72xf32, #tpu.memory_space<vmem>>[vector<16xi32>, vector<16xi32>], vector<16xf32>,
        %parallel_loop3A_974 = tpu.vector_load_idx %arg9[%add3A_67, %parallel_loop3A_971] : memref<128x72xf32, #tpu.memory_space<vmem>>[vector<16xi32>, vector<16xi32>], vector<16xf32>,
        %parallel_loop3A_975 = tpu.vector_load_idx %arg9[%add3A_71, %parallel_loop3A_971] : memref<128x72xf32, #tpu.memory_space<vmem>>[vector<16xi32>, vector<16xi32>], vector<16xf32>,
        %parallel_loop3A_976 = tpu.vector_load_idx %arg9[%add3A_75, %parallel_loop3A_971] : memref<128x72xf32, #tpu.memory_space<vmem>>[vector<16xi32>, vector<16xi32>], vector<16xf32>,
        %parallel_loop3A_977 = tpu.vector_load_idx %arg9[%add3A_79, %parallel_loop3A_971] : memref<128x72xf32, #tpu.memory_space<vmem>>[vector<16xi32>, vector<16xi32>], vector<16xf32>,
        %parallel_loop3A_978 = tpu.vector_load_idx %arg9[%add3A_83, %parallel_loop3A_971] : memref<128x72xf32, #tpu.memory_space<vmem>>[vector<16xi32>, vector<16xi32>], vector<16xf32>,
        %parallel_loop3A_979 = tpu.vector_load_idx %arg9[%add3A_87, %parallel_loop3A_971] : memref<128x72xf32, #tpu.memory_space<vmem>>[vector<16xi32>, vector<16xi32>], vector<16xf32>,
        %parallel_loop3A_980 = arith.constant 1 : i32
        %parallel_loop3A_981 = arith.constant 0 : i32
        %parallel_loop3A_982 = arith.constant 5 : i32
        %parallel_loop3A_983 = arith.index_cast %parallel_loop3A_980 : i32 to index
        %parallel_loop3A_984 = arith.index_cast %parallel_loop3A_523 : i32 to index
        %parallel_loop3A_985 = arith.index_cast %parallel_loop3A_981 : i32 to index
        %parallel_loop3A_986 = arith.index_cast %parallel_loop3A_982 : i32 to index
        %parallel_loop3A_987 = arith.constant 0 : index
        %parallel_loop3A_988 = tpu.vector_load %arg10[%parallel_loop3A_983, %parallel_loop3A_984, %parallel_loop3A_985, %parallel_loop3A_986, %parallel_loop3A_987] {strides = array<i32>} : memref<2x8x1x8x128xf32, #tpu.memory_space<vmem>>, vector<16xf32>,
        tpu.vector_store %arg10[%parallel_loop3A_983, %parallel_loop3A_984, %parallel_loop3A_985, %parallel_loop3A_986, %parallel_loop3A_987], %parallel_loop3A_972 {strides = array<i32>} : memref<2x8x1x8x128xf32, #tpu.memory_space<vmem>>, vector<16xf32>,
        %parallel_loop3A_989 = arith.constant 1 : i32
        %parallel_loop3A_990 = arith.constant 0 : i32
        %parallel_loop3A_991 = arith.constant 5 : i32
        %parallel_loop3A_992 = arith.index_cast %parallel_loop3A_989 : i32 to index
        %parallel_loop3A_993 = arith.index_cast %parallel_loop3A_523 : i32 to index
        %parallel_loop3A_994 = arith.index_cast %parallel_loop3A_990 : i32 to index
        %parallel_loop3A_995 = arith.index_cast %parallel_loop3A_991 : i32 to index
        %parallel_loop3A_996 = arith.constant 16 : index
        %parallel_loop3A_997 = tpu.vector_load %arg10[%parallel_loop3A_992, %parallel_loop3A_993, %parallel_loop3A_994, %parallel_loop3A_995, %parallel_loop3A_996] {strides = array<i32>} : memref<2x8x1x8x128xf32, #tpu.memory_space<vmem>>, vector<16xf32>,
        tpu.vector_store %arg10[%parallel_loop3A_992, %parallel_loop3A_993, %parallel_loop3A_994, %parallel_loop3A_995, %parallel_loop3A_996], %parallel_loop3A_973 {strides = array<i32>} : memref<2x8x1x8x128xf32, #tpu.memory_space<vmem>>, vector<16xf32>,
        %parallel_loop3A_998 = arith.constant 1 : i32
        %parallel_loop3A_999 = arith.constant 0 : i32
        %parallel_loop3A_1000 = arith.constant 5 : i32
        %parallel_loop3A_1001 = arith.index_cast %parallel_loop3A_998 : i32 to index
        %parallel_loop3A_1002 = arith.index_cast %parallel_loop3A_523 : i32 to index
        %parallel_loop3A_1003 = arith.index_cast %parallel_loop3A_999 : i32 to index
        %parallel_loop3A_1004 = arith.index_cast %parallel_loop3A_1000 : i32 to index
        %parallel_loop3A_1005 = arith.constant 32 : index
        %parallel_loop3A_1006 = tpu.vector_load %arg10[%parallel_loop3A_1001, %parallel_loop3A_1002, %parallel_loop3A_1003, %parallel_loop3A_1004, %parallel_loop3A_1005] {strides = array<i32>} : memref<2x8x1x8x128xf32, #tpu.memory_space<vmem>>, vector<16xf32>,
        tpu.vector_store %arg10[%parallel_loop3A_1001, %parallel_loop3A_1002, %parallel_loop3A_1003, %parallel_loop3A_1004, %parallel_loop3A_1005], %parallel_loop3A_974 {strides = array<i32>} : memref<2x8x1x8x128xf32, #tpu.memory_space<vmem>>, vector<16xf32>,
        %parallel_loop3A_1007 = arith.constant 1 : i32
        %parallel_loop3A_1008 = arith.constant 0 : i32
        %parallel_loop3A_1009 = arith.constant 5 : i32
        %parallel_loop3A_1010 = arith.index_cast %parallel_loop3A_1007 : i32 to index
        %parallel_loop3A_1011 = arith.index_cast %parallel_loop3A_523 : i32 to index
        %parallel_loop3A_1012 = arith.index_cast %parallel_loop3A_1008 : i32 to index
        %parallel_loop3A_1013 = arith.index_cast %parallel_loop3A_1009 : i32 to index
        %parallel_loop3A_1014 = arith.constant 48 : index
        %parallel_loop3A_1015 = tpu.vector_load %arg10[%parallel_loop3A_1010, %parallel_loop3A_1011, %parallel_loop3A_1012, %parallel_loop3A_1013, %parallel_loop3A_1014] {strides = array<i32>} : memref<2x8x1x8x128xf32, #tpu.memory_space<vmem>>, vector<16xf32>,
        tpu.vector_store %arg10[%parallel_loop3A_1010, %parallel_loop3A_1011, %parallel_loop3A_1012, %parallel_loop3A_1013, %parallel_loop3A_1014], %parallel_loop3A_975 {strides = array<i32>} : memref<2x8x1x8x128xf32, #tpu.memory_space<vmem>>, vector<16xf32>,
        %parallel_loop3A_1016 = arith.constant 1 : i32
        %parallel_loop3A_1017 = arith.constant 0 : i32
        %parallel_loop3A_1018 = arith.constant 5 : i32
        %parallel_loop3A_1019 = arith.index_cast %parallel_loop3A_1016 : i32 to index
        %parallel_loop3A_1020 = arith.index_cast %parallel_loop3A_523 : i32 to index
        %parallel_loop3A_1021 = arith.index_cast %parallel_loop3A_1017 : i32 to index
        %parallel_loop3A_1022 = arith.index_cast %parallel_loop3A_1018 : i32 to index
        %parallel_loop3A_1023 = arith.constant 64 : index
        %parallel_loop3A_1024 = tpu.vector_load %arg10[%parallel_loop3A_1019, %parallel_loop3A_1020, %parallel_loop3A_1021, %parallel_loop3A_1022, %parallel_loop3A_1023] {strides = array<i32>} : memref<2x8x1x8x128xf32, #tpu.memory_space<vmem>>, vector<16xf32>,
        tpu.vector_store %arg10[%parallel_loop3A_1019, %parallel_loop3A_1020, %parallel_loop3A_1021, %parallel_loop3A_1022, %parallel_loop3A_1023], %parallel_loop3A_976 {strides = array<i32>} : memref<2x8x1x8x128xf32, #tpu.memory_space<vmem>>, vector<16xf32>,
        %parallel_loop3A_1025 = arith.constant 1 : i32
        %parallel_loop3A_1026 = arith.constant 0 : i32
        %parallel_loop3A_1027 = arith.constant 5 : i32
        %parallel_loop3A_1028 = arith.index_cast %parallel_loop3A_1025 : i32 to index
        %parallel_loop3A_1029 = arith.index_cast %parallel_loop3A_523 : i32 to index
        %parallel_loop3A_1030 = arith.index_cast %parallel_loop3A_1026 : i32 to index
        %parallel_loop3A_1031 = arith.index_cast %parallel_loop3A_1027 : i32 to index
        %parallel_loop3A_1032 = arith.constant 80 : index
        %parallel_loop3A_1033 = tpu.vector_load %arg10[%parallel_loop3A_1028, %parallel_loop3A_1029, %parallel_loop3A_1030, %parallel_loop3A_1031, %parallel_loop3A_1032] {strides = array<i32>} : memref<2x8x1x8x128xf32, #tpu.memory_space<vmem>>, vector<16xf32>,
        tpu.vector_store %arg10[%parallel_loop3A_1028, %parallel_loop3A_1029, %parallel_loop3A_1030, %parallel_loop3A_1031, %parallel_loop3A_1032], %parallel_loop3A_977 {strides = array<i32>} : memref<2x8x1x8x128xf32, #tpu.memory_space<vmem>>, vector<16xf32>,
        %parallel_loop3A_1034 = arith.constant 1 : i32
        %parallel_loop3A_1035 = arith.constant 0 : i32
        %parallel_loop3A_1036 = arith.constant 5 : i32
        %parallel_loop3A_1037 = arith.index_cast %parallel_loop3A_1034 : i32 to index
        %parallel_loop3A_1038 = arith.index_cast %parallel_loop3A_523 : i32 to index
        %parallel_loop3A_1039 = arith.index_cast %parallel_loop3A_1035 : i32 to index
        %parallel_loop3A_1040 = arith.index_cast %parallel_loop3A_1036 : i32 to index
        %parallel_loop3A_1041 = arith.constant 96 : index
        %parallel_loop3A_1042 = tpu.vector_load %arg10[%parallel_loop3A_1037, %parallel_loop3A_1038, %parallel_loop3A_1039, %parallel_loop3A_1040, %parallel_loop3A_1041] {strides = array<i32>} : memref<2x8x1x8x128xf32, #tpu.memory_space<vmem>>, vector<16xf32>,
        tpu.vector_store %arg10[%parallel_loop3A_1037, %parallel_loop3A_1038, %parallel_loop3A_1039, %parallel_loop3A_1040, %parallel_loop3A_1041], %parallel_loop3A_978 {strides = array<i32>} : memref<2x8x1x8x128xf32, #tpu.memory_space<vmem>>, vector<16xf32>,
        %parallel_loop3A_1043 = arith.constant 1 : i32
        %parallel_loop3A_1044 = arith.constant 0 : i32
        %parallel_loop3A_1045 = arith.constant 5 : i32
        %parallel_loop3A_1046 = arith.index_cast %parallel_loop3A_1043 : i32 to index
        %parallel_loop3A_1047 = arith.index_cast %parallel_loop3A_523 : i32 to index
        %parallel_loop3A_1048 = arith.index_cast %parallel_loop3A_1044 : i32 to index
        %parallel_loop3A_1049 = arith.index_cast %parallel_loop3A_1045 : i32 to index
        %parallel_loop3A_1050 = arith.constant 112 : index
        %parallel_loop3A_1051 = tpu.vector_load %arg10[%parallel_loop3A_1046, %parallel_loop3A_1047, %parallel_loop3A_1048, %parallel_loop3A_1049, %parallel_loop3A_1050] {strides = array<i32>} : memref<2x8x1x8x128xf32, #tpu.memory_space<vmem>>, vector<16xf32>,
        tpu.vector_store %arg10[%parallel_loop3A_1046, %parallel_loop3A_1047, %parallel_loop3A_1048, %parallel_loop3A_1049, %parallel_loop3A_1050], %parallel_loop3A_979 {strides = array<i32>} : memref<2x8x1x8x128xf32, #tpu.memory_space<vmem>>, vector<16xf32>,
        %parallel_loop3A_1052 = arith.constant 8 : i32
        %parallel_loop3A_1053 = arith.muli %parallel_loop3A_523, %parallel_loop3A_1052 : i32
        %parallel_loop3A_1054 = arith.constant 6 : i32
        %parallel_loop3A_1055 = arith.addi %parallel_loop3A_1053, %parallel_loop3A_1054 : i32
        %parallel_loop3A_1056 = arith.constant 0 : i32
        %parallel_loop3A_1057 = vector.broadcast %parallel_loop3A_1056 : i32 to vector<16xi32>
        %parallel_loop3A_1058 = vector.broadcast %parallel_loop3A_1055 : i32 to vector<16xi32>
        %parallel_loop3A_1059 = arith.addi %parallel_loop3A_1057, %parallel_loop3A_1058 : vector<16xi32>
        %parallel_loop3A_1060 = tpu.vector_load_idx %arg9[%add3A_59, %parallel_loop3A_1059] : memref<128x72xf32, #tpu.memory_space<vmem>>[vector<16xi32>, vector<16xi32>], vector<16xf32>,
        %parallel_loop3A_1061 = tpu.vector_load_idx %arg9[%add3A_63, %parallel_loop3A_1059] : memref<128x72xf32, #tpu.memory_space<vmem>>[vector<16xi32>, vector<16xi32>], vector<16xf32>,
        %parallel_loop3A_1062 = tpu.vector_load_idx %arg9[%add3A_67, %parallel_loop3A_1059] : memref<128x72xf32, #tpu.memory_space<vmem>>[vector<16xi32>, vector<16xi32>], vector<16xf32>,
        %parallel_loop3A_1063 = tpu.vector_load_idx %arg9[%add3A_71, %parallel_loop3A_1059] : memref<128x72xf32, #tpu.memory_space<vmem>>[vector<16xi32>, vector<16xi32>], vector<16xf32>,
        %parallel_loop3A_1064 = tpu.vector_load_idx %arg9[%add3A_75, %parallel_loop3A_1059] : memref<128x72xf32, #tpu.memory_space<vmem>>[vector<16xi32>, vector<16xi32>], vector<16xf32>,
        %parallel_loop3A_1065 = tpu.vector_load_idx %arg9[%add3A_79, %parallel_loop3A_1059] : memref<128x72xf32, #tpu.memory_space<vmem>>[vector<16xi32>, vector<16xi32>], vector<16xf32>,
        %parallel_loop3A_1066 = tpu.vector_load_idx %arg9[%add3A_83, %parallel_loop3A_1059] : memref<128x72xf32, #tpu.memory_space<vmem>>[vector<16xi32>, vector<16xi32>], vector<16xf32>,
        %parallel_loop3A_1067 = tpu.vector_load_idx %arg9[%add3A_87, %parallel_loop3A_1059] : memref<128x72xf32, #tpu.memory_space<vmem>>[vector<16xi32>, vector<16xi32>], vector<16xf32>,
        %parallel_loop3A_1068 = arith.constant 1 : i32
        %parallel_loop3A_1069 = arith.constant 0 : i32
        %parallel_loop3A_1070 = arith.constant 6 : i32
        %parallel_loop3A_1071 = arith.index_cast %parallel_loop3A_1068 : i32 to index
        %parallel_loop3A_1072 = arith.index_cast %parallel_loop3A_523 : i32 to index
        %parallel_loop3A_1073 = arith.index_cast %parallel_loop3A_1069 : i32 to index
        %parallel_loop3A_1074 = arith.index_cast %parallel_loop3A_1070 : i32 to index
        %parallel_loop3A_1075 = arith.constant 0 : index
        %parallel_loop3A_1076 = tpu.vector_load %arg10[%parallel_loop3A_1071, %parallel_loop3A_1072, %parallel_loop3A_1073, %parallel_loop3A_1074, %parallel_loop3A_1075] {strides = array<i32>} : memref<2x8x1x8x128xf32, #tpu.memory_space<vmem>>, vector<16xf32>,
        tpu.vector_store %arg10[%parallel_loop3A_1071, %parallel_loop3A_1072, %parallel_loop3A_1073, %parallel_loop3A_1074, %parallel_loop3A_1075], %parallel_loop3A_1060 {strides = array<i32>} : memref<2x8x1x8x128xf32, #tpu.memory_space<vmem>>, vector<16xf32>,
        %parallel_loop3A_1077 = arith.constant 1 : i32
        %parallel_loop3A_1078 = arith.constant 0 : i32
        %parallel_loop3A_1079 = arith.constant 6 : i32
        %parallel_loop3A_1080 = arith.index_cast %parallel_loop3A_1077 : i32 to index
        %parallel_loop3A_1081 = arith.index_cast %parallel_loop3A_523 : i32 to index
        %parallel_loop3A_1082 = arith.index_cast %parallel_loop3A_1078 : i32 to index
        %parallel_loop3A_1083 = arith.index_cast %parallel_loop3A_1079 : i32 to index
        %parallel_loop3A_1084 = arith.constant 16 : index
        %parallel_loop3A_1085 = tpu.vector_load %arg10[%parallel_loop3A_1080, %parallel_loop3A_1081, %parallel_loop3A_1082, %parallel_loop3A_1083, %parallel_loop3A_1084] {strides = array<i32>} : memref<2x8x1x8x128xf32, #tpu.memory_space<vmem>>, vector<16xf32>,
        tpu.vector_store %arg10[%parallel_loop3A_1080, %parallel_loop3A_1081, %parallel_loop3A_1082, %parallel_loop3A_1083, %parallel_loop3A_1084], %parallel_loop3A_1061 {strides = array<i32>} : memref<2x8x1x8x128xf32, #tpu.memory_space<vmem>>, vector<16xf32>,
        %parallel_loop3A_1086 = arith.constant 1 : i32
        %parallel_loop3A_1087 = arith.constant 0 : i32
        %parallel_loop3A_1088 = arith.constant 6 : i32
        %parallel_loop3A_1089 = arith.index_cast %parallel_loop3A_1086 : i32 to index
        %parallel_loop3A_1090 = arith.index_cast %parallel_loop3A_523 : i32 to index
        %parallel_loop3A_1091 = arith.index_cast %parallel_loop3A_1087 : i32 to index
        %parallel_loop3A_1092 = arith.index_cast %parallel_loop3A_1088 : i32 to index
        %parallel_loop3A_1093 = arith.constant 32 : index
        %parallel_loop3A_1094 = tpu.vector_load %arg10[%parallel_loop3A_1089, %parallel_loop3A_1090, %parallel_loop3A_1091, %parallel_loop3A_1092, %parallel_loop3A_1093] {strides = array<i32>} : memref<2x8x1x8x128xf32, #tpu.memory_space<vmem>>, vector<16xf32>,
        tpu.vector_store %arg10[%parallel_loop3A_1089, %parallel_loop3A_1090, %parallel_loop3A_1091, %parallel_loop3A_1092, %parallel_loop3A_1093], %parallel_loop3A_1062 {strides = array<i32>} : memref<2x8x1x8x128xf32, #tpu.memory_space<vmem>>, vector<16xf32>,
        %parallel_loop3A_1095 = arith.constant 1 : i32
        %parallel_loop3A_1096 = arith.constant 0 : i32
        %parallel_loop3A_1097 = arith.constant 6 : i32
        %parallel_loop3A_1098 = arith.index_cast %parallel_loop3A_1095 : i32 to index
        %parallel_loop3A_1099 = arith.index_cast %parallel_loop3A_523 : i32 to index
        %parallel_loop3A_1100 = arith.index_cast %parallel_loop3A_1096 : i32 to index
        %parallel_loop3A_1101 = arith.index_cast %parallel_loop3A_1097 : i32 to index
        %parallel_loop3A_1102 = arith.constant 48 : index
        %parallel_loop3A_1103 = tpu.vector_load %arg10[%parallel_loop3A_1098, %parallel_loop3A_1099, %parallel_loop3A_1100, %parallel_loop3A_1101, %parallel_loop3A_1102] {strides = array<i32>} : memref<2x8x1x8x128xf32, #tpu.memory_space<vmem>>, vector<16xf32>,
        tpu.vector_store %arg10[%parallel_loop3A_1098, %parallel_loop3A_1099, %parallel_loop3A_1100, %parallel_loop3A_1101, %parallel_loop3A_1102], %parallel_loop3A_1063 {strides = array<i32>} : memref<2x8x1x8x128xf32, #tpu.memory_space<vmem>>, vector<16xf32>,
        %parallel_loop3A_1104 = arith.constant 1 : i32
        %parallel_loop3A_1105 = arith.constant 0 : i32
        %parallel_loop3A_1106 = arith.constant 6 : i32
        %parallel_loop3A_1107 = arith.index_cast %parallel_loop3A_1104 : i32 to index
        %parallel_loop3A_1108 = arith.index_cast %parallel_loop3A_523 : i32 to index
        %parallel_loop3A_1109 = arith.index_cast %parallel_loop3A_1105 : i32 to index
        %parallel_loop3A_1110 = arith.index_cast %parallel_loop3A_1106 : i32 to index
        %parallel_loop3A_1111 = arith.constant 64 : index
        %parallel_loop3A_1112 = tpu.vector_load %arg10[%parallel_loop3A_1107, %parallel_loop3A_1108, %parallel_loop3A_1109, %parallel_loop3A_1110, %parallel_loop3A_1111] {strides = array<i32>} : memref<2x8x1x8x128xf32, #tpu.memory_space<vmem>>, vector<16xf32>,
        tpu.vector_store %arg10[%parallel_loop3A_1107, %parallel_loop3A_1108, %parallel_loop3A_1109, %parallel_loop3A_1110, %parallel_loop3A_1111], %parallel_loop3A_1064 {strides = array<i32>} : memref<2x8x1x8x128xf32, #tpu.memory_space<vmem>>, vector<16xf32>,
        %parallel_loop3A_1113 = arith.constant 1 : i32
        %parallel_loop3A_1114 = arith.constant 0 : i32
        %parallel_loop3A_1115 = arith.constant 6 : i32
        %parallel_loop3A_1116 = arith.index_cast %parallel_loop3A_1113 : i32 to index
        %parallel_loop3A_1117 = arith.index_cast %parallel_loop3A_523 : i32 to index
        %parallel_loop3A_1118 = arith.index_cast %parallel_loop3A_1114 : i32 to index
        %parallel_loop3A_1119 = arith.index_cast %parallel_loop3A_1115 : i32 to index
        %parallel_loop3A_1120 = arith.constant 80 : index
        %parallel_loop3A_1121 = tpu.vector_load %arg10[%parallel_loop3A_1116, %parallel_loop3A_1117, %parallel_loop3A_1118, %parallel_loop3A_1119, %parallel_loop3A_1120] {strides = array<i32>} : memref<2x8x1x8x128xf32, #tpu.memory_space<vmem>>, vector<16xf32>,
        tpu.vector_store %arg10[%parallel_loop3A_1116, %parallel_loop3A_1117, %parallel_loop3A_1118, %parallel_loop3A_1119, %parallel_loop3A_1120], %parallel_loop3A_1065 {strides = array<i32>} : memref<2x8x1x8x128xf32, #tpu.memory_space<vmem>>, vector<16xf32>,
        %parallel_loop3A_1122 = arith.constant 1 : i32
        %parallel_loop3A_1123 = arith.constant 0 : i32
        %parallel_loop3A_1124 = arith.constant 6 : i32
        %parallel_loop3A_1125 = arith.index_cast %parallel_loop3A_1122 : i32 to index
        %parallel_loop3A_1126 = arith.index_cast %parallel_loop3A_523 : i32 to index
        %parallel_loop3A_1127 = arith.index_cast %parallel_loop3A_1123 : i32 to index
        %parallel_loop3A_1128 = arith.index_cast %parallel_loop3A_1124 : i32 to index
        %parallel_loop3A_1129 = arith.constant 96 : index
        %parallel_loop3A_1130 = tpu.vector_load %arg10[%parallel_loop3A_1125, %parallel_loop3A_1126, %parallel_loop3A_1127, %parallel_loop3A_1128, %parallel_loop3A_1129] {strides = array<i32>} : memref<2x8x1x8x128xf32, #tpu.memory_space<vmem>>, vector<16xf32>,
        tpu.vector_store %arg10[%parallel_loop3A_1125, %parallel_loop3A_1126, %parallel_loop3A_1127, %parallel_loop3A_1128, %parallel_loop3A_1129], %parallel_loop3A_1066 {strides = array<i32>} : memref<2x8x1x8x128xf32, #tpu.memory_space<vmem>>, vector<16xf32>,
        %parallel_loop3A_1131 = arith.constant 1 : i32
        %parallel_loop3A_1132 = arith.constant 0 : i32
        %parallel_loop3A_1133 = arith.constant 6 : i32
        %parallel_loop3A_1134 = arith.index_cast %parallel_loop3A_1131 : i32 to index
        %parallel_loop3A_1135 = arith.index_cast %parallel_loop3A_523 : i32 to index
        %parallel_loop3A_1136 = arith.index_cast %parallel_loop3A_1132 : i32 to index
        %parallel_loop3A_1137 = arith.index_cast %parallel_loop3A_1133 : i32 to index
        %parallel_loop3A_1138 = arith.constant 112 : index
        %parallel_loop3A_1139 = tpu.vector_load %arg10[%parallel_loop3A_1134, %parallel_loop3A_1135, %parallel_loop3A_1136, %parallel_loop3A_1137, %parallel_loop3A_1138] {strides = array<i32>} : memref<2x8x1x8x128xf32, #tpu.memory_space<vmem>>, vector<16xf32>,
        tpu.vector_store %arg10[%parallel_loop3A_1134, %parallel_loop3A_1135, %parallel_loop3A_1136, %parallel_loop3A_1137, %parallel_loop3A_1138], %parallel_loop3A_1067 {strides = array<i32>} : memref<2x8x1x8x128xf32, #tpu.memory_space<vmem>>, vector<16xf32>,
        %parallel_loop3A_1140 = arith.constant 8 : i32
        %parallel_loop3A_1141 = arith.muli %parallel_loop3A_523, %parallel_loop3A_1140 : i32
        %parallel_loop3A_1142 = arith.constant 7 : i32
        %parallel_loop3A_1143 = arith.addi %parallel_loop3A_1141, %parallel_loop3A_1142 : i32
        %parallel_loop3A_1144 = arith.constant 0 : i32
        %parallel_loop3A_1145 = vector.broadcast %parallel_loop3A_1144 : i32 to vector<16xi32>
        %parallel_loop3A_1146 = vector.broadcast %parallel_loop3A_1143 : i32 to vector<16xi32>
        %parallel_loop3A_1147 = arith.addi %parallel_loop3A_1145, %parallel_loop3A_1146 : vector<16xi32>
        %parallel_loop3A_1148 = tpu.vector_load_idx %arg9[%add3A_59, %parallel_loop3A_1147] : memref<128x72xf32, #tpu.memory_space<vmem>>[vector<16xi32>, vector<16xi32>], vector<16xf32>,
        %parallel_loop3A_1149 = tpu.vector_load_idx %arg9[%add3A_63, %parallel_loop3A_1147] : memref<128x72xf32, #tpu.memory_space<vmem>>[vector<16xi32>, vector<16xi32>], vector<16xf32>,
        %parallel_loop3A_1150 = tpu.vector_load_idx %arg9[%add3A_67, %parallel_loop3A_1147] : memref<128x72xf32, #tpu.memory_space<vmem>>[vector<16xi32>, vector<16xi32>], vector<16xf32>,
        %parallel_loop3A_1151 = tpu.vector_load_idx %arg9[%add3A_71, %parallel_loop3A_1147] : memref<128x72xf32, #tpu.memory_space<vmem>>[vector<16xi32>, vector<16xi32>], vector<16xf32>,
        %parallel_loop3A_1152 = tpu.vector_load_idx %arg9[%add3A_75, %parallel_loop3A_1147] : memref<128x72xf32, #tpu.memory_space<vmem>>[vector<16xi32>, vector<16xi32>], vector<16xf32>,
        %parallel_loop3A_1153 = tpu.vector_load_idx %arg9[%add3A_79, %parallel_loop3A_1147] : memref<128x72xf32, #tpu.memory_space<vmem>>[vector<16xi32>, vector<16xi32>], vector<16xf32>,
        %parallel_loop3A_1154 = tpu.vector_load_idx %arg9[%add3A_83, %parallel_loop3A_1147] : memref<128x72xf32, #tpu.memory_space<vmem>>[vector<16xi32>, vector<16xi32>], vector<16xf32>,
        %parallel_loop3A_1155 = tpu.vector_load_idx %arg9[%add3A_87, %parallel_loop3A_1147] : memref<128x72xf32, #tpu.memory_space<vmem>>[vector<16xi32>, vector<16xi32>], vector<16xf32>,
        %parallel_loop3A_1156 = arith.constant 1 : i32
        %parallel_loop3A_1157 = arith.constant 0 : i32
        %parallel_loop3A_1158 = arith.constant 7 : i32
        %parallel_loop3A_1159 = arith.index_cast %parallel_loop3A_1156 : i32 to index
        %parallel_loop3A_1160 = arith.index_cast %parallel_loop3A_523 : i32 to index
        %parallel_loop3A_1161 = arith.index_cast %parallel_loop3A_1157 : i32 to index
        %parallel_loop3A_1162 = arith.index_cast %parallel_loop3A_1158 : i32 to index
        %parallel_loop3A_1163 = arith.constant 0 : index
        %parallel_loop3A_1164 = tpu.vector_load %arg10[%parallel_loop3A_1159, %parallel_loop3A_1160, %parallel_loop3A_1161, %parallel_loop3A_1162, %parallel_loop3A_1163] {strides = array<i32>} : memref<2x8x1x8x128xf32, #tpu.memory_space<vmem>>, vector<16xf32>,
        tpu.vector_store %arg10[%parallel_loop3A_1159, %parallel_loop3A_1160, %parallel_loop3A_1161, %parallel_loop3A_1162, %parallel_loop3A_1163], %parallel_loop3A_1148 {strides = array<i32>} : memref<2x8x1x8x128xf32, #tpu.memory_space<vmem>>, vector<16xf32>,
        %parallel_loop3A_1165 = arith.constant 1 : i32
        %parallel_loop3A_1166 = arith.constant 0 : i32
        %parallel_loop3A_1167 = arith.constant 7 : i32
        %parallel_loop3A_1168 = arith.index_cast %parallel_loop3A_1165 : i32 to index
        %parallel_loop3A_1169 = arith.index_cast %parallel_loop3A_523 : i32 to index
        %parallel_loop3A_1170 = arith.index_cast %parallel_loop3A_1166 : i32 to index
        %parallel_loop3A_1171 = arith.index_cast %parallel_loop3A_1167 : i32 to index
        %parallel_loop3A_1172 = arith.constant 16 : index
        %parallel_loop3A_1173 = tpu.vector_load %arg10[%parallel_loop3A_1168, %parallel_loop3A_1169, %parallel_loop3A_1170, %parallel_loop3A_1171, %parallel_loop3A_1172] {strides = array<i32>} : memref<2x8x1x8x128xf32, #tpu.memory_space<vmem>>, vector<16xf32>,
        tpu.vector_store %arg10[%parallel_loop3A_1168, %parallel_loop3A_1169, %parallel_loop3A_1170, %parallel_loop3A_1171, %parallel_loop3A_1172], %parallel_loop3A_1149 {strides = array<i32>} : memref<2x8x1x8x128xf32, #tpu.memory_space<vmem>>, vector<16xf32>,
        %parallel_loop3A_1174 = arith.constant 1 : i32
        %parallel_loop3A_1175 = arith.constant 0 : i32
        %parallel_loop3A_1176 = arith.constant 7 : i32
        %parallel_loop3A_1177 = arith.index_cast %parallel_loop3A_1174 : i32 to index
        %parallel_loop3A_1178 = arith.index_cast %parallel_loop3A_523 : i32 to index
        %parallel_loop3A_1179 = arith.index_cast %parallel_loop3A_1175 : i32 to index
        %parallel_loop3A_1180 = arith.index_cast %parallel_loop3A_1176 : i32 to index
        %parallel_loop3A_1181 = arith.constant 32 : index
        %parallel_loop3A_1182 = tpu.vector_load %arg10[%parallel_loop3A_1177, %parallel_loop3A_1178, %parallel_loop3A_1179, %parallel_loop3A_1180, %parallel_loop3A_1181] {strides = array<i32>} : memref<2x8x1x8x128xf32, #tpu.memory_space<vmem>>, vector<16xf32>,
        tpu.vector_store %arg10[%parallel_loop3A_1177, %parallel_loop3A_1178, %parallel_loop3A_1179, %parallel_loop3A_1180, %parallel_loop3A_1181], %parallel_loop3A_1150 {strides = array<i32>} : memref<2x8x1x8x128xf32, #tpu.memory_space<vmem>>, vector<16xf32>,
        %parallel_loop3A_1183 = arith.constant 1 : i32
        %parallel_loop3A_1184 = arith.constant 0 : i32
        %parallel_loop3A_1185 = arith.constant 7 : i32
        %parallel_loop3A_1186 = arith.index_cast %parallel_loop3A_1183 : i32 to index
        %parallel_loop3A_1187 = arith.index_cast %parallel_loop3A_523 : i32 to index
        %parallel_loop3A_1188 = arith.index_cast %parallel_loop3A_1184 : i32 to index
        %parallel_loop3A_1189 = arith.index_cast %parallel_loop3A_1185 : i32 to index
        %parallel_loop3A_1190 = arith.constant 48 : index
        %parallel_loop3A_1191 = tpu.vector_load %arg10[%parallel_loop3A_1186, %parallel_loop3A_1187, %parallel_loop3A_1188, %parallel_loop3A_1189, %parallel_loop3A_1190] {strides = array<i32>} : memref<2x8x1x8x128xf32, #tpu.memory_space<vmem>>, vector<16xf32>,
        tpu.vector_store %arg10[%parallel_loop3A_1186, %parallel_loop3A_1187, %parallel_loop3A_1188, %parallel_loop3A_1189, %parallel_loop3A_1190], %parallel_loop3A_1151 {strides = array<i32>} : memref<2x8x1x8x128xf32, #tpu.memory_space<vmem>>, vector<16xf32>,
        %parallel_loop3A_1192 = arith.constant 1 : i32
        %parallel_loop3A_1193 = arith.constant 0 : i32
        %parallel_loop3A_1194 = arith.constant 7 : i32
        %parallel_loop3A_1195 = arith.index_cast %parallel_loop3A_1192 : i32 to index
        %parallel_loop3A_1196 = arith.index_cast %parallel_loop3A_523 : i32 to index
        %parallel_loop3A_1197 = arith.index_cast %parallel_loop3A_1193 : i32 to index
        %parallel_loop3A_1198 = arith.index_cast %parallel_loop3A_1194 : i32 to index
        %parallel_loop3A_1199 = arith.constant 64 : index
        %parallel_loop3A_1200 = tpu.vector_load %arg10[%parallel_loop3A_1195, %parallel_loop3A_1196, %parallel_loop3A_1197, %parallel_loop3A_1198, %parallel_loop3A_1199] {strides = array<i32>} : memref<2x8x1x8x128xf32, #tpu.memory_space<vmem>>, vector<16xf32>,
        tpu.vector_store %arg10[%parallel_loop3A_1195, %parallel_loop3A_1196, %parallel_loop3A_1197, %parallel_loop3A_1198, %parallel_loop3A_1199], %parallel_loop3A_1152 {strides = array<i32>} : memref<2x8x1x8x128xf32, #tpu.memory_space<vmem>>, vector<16xf32>,
        %parallel_loop3A_1201 = arith.constant 1 : i32
        %parallel_loop3A_1202 = arith.constant 0 : i32
        %parallel_loop3A_1203 = arith.constant 7 : i32
        %parallel_loop3A_1204 = arith.index_cast %parallel_loop3A_1201 : i32 to index
        %parallel_loop3A_1205 = arith.index_cast %parallel_loop3A_523 : i32 to index
        %parallel_loop3A_1206 = arith.index_cast %parallel_loop3A_1202 : i32 to index
        %parallel_loop3A_1207 = arith.index_cast %parallel_loop3A_1203 : i32 to index
        %parallel_loop3A_1208 = arith.constant 80 : index
        %parallel_loop3A_1209 = tpu.vector_load %arg10[%parallel_loop3A_1204, %parallel_loop3A_1205, %parallel_loop3A_1206, %parallel_loop3A_1207, %parallel_loop3A_1208] {strides = array<i32>} : memref<2x8x1x8x128xf32, #tpu.memory_space<vmem>>, vector<16xf32>,
        tpu.vector_store %arg10[%parallel_loop3A_1204, %parallel_loop3A_1205, %parallel_loop3A_1206, %parallel_loop3A_1207, %parallel_loop3A_1208], %parallel_loop3A_1153 {strides = array<i32>} : memref<2x8x1x8x128xf32, #tpu.memory_space<vmem>>, vector<16xf32>,
        %parallel_loop3A_1210 = arith.constant 1 : i32
        %parallel_loop3A_1211 = arith.constant 0 : i32
        %parallel_loop3A_1212 = arith.constant 7 : i32
        %parallel_loop3A_1213 = arith.index_cast %parallel_loop3A_1210 : i32 to index
        %parallel_loop3A_1214 = arith.index_cast %parallel_loop3A_523 : i32 to index
        %parallel_loop3A_1215 = arith.index_cast %parallel_loop3A_1211 : i32 to index
        %parallel_loop3A_1216 = arith.index_cast %parallel_loop3A_1212 : i32 to index
        %parallel_loop3A_1217 = arith.constant 96 : index
        %parallel_loop3A_1218 = tpu.vector_load %arg10[%parallel_loop3A_1213, %parallel_loop3A_1214, %parallel_loop3A_1215, %parallel_loop3A_1216, %parallel_loop3A_1217] {strides = array<i32>} : memref<2x8x1x8x128xf32, #tpu.memory_space<vmem>>, vector<16xf32>,
        tpu.vector_store %arg10[%parallel_loop3A_1213, %parallel_loop3A_1214, %parallel_loop3A_1215, %parallel_loop3A_1216, %parallel_loop3A_1217], %parallel_loop3A_1154 {strides = array<i32>} : memref<2x8x1x8x128xf32, #tpu.memory_space<vmem>>, vector<16xf32>,
        %parallel_loop3A_1219 = arith.constant 1 : i32
        %parallel_loop3A_1220 = arith.constant 0 : i32
        %parallel_loop3A_1221 = arith.constant 7 : i32
        %parallel_loop3A_1222 = arith.index_cast %parallel_loop3A_1219 : i32 to index
        %parallel_loop3A_1223 = arith.index_cast %parallel_loop3A_523 : i32 to index
        %parallel_loop3A_1224 = arith.index_cast %parallel_loop3A_1220 : i32 to index
        %parallel_loop3A_1225 = arith.index_cast %parallel_loop3A_1221 : i32 to index
        %parallel_loop3A_1226 = arith.constant 112 : index
        %parallel_loop3A_1227 = tpu.vector_load %arg10[%parallel_loop3A_1222, %parallel_loop3A_1223, %parallel_loop3A_1224, %parallel_loop3A_1225, %parallel_loop3A_1226] {strides = array<i32>} : memref<2x8x1x8x128xf32, #tpu.memory_space<vmem>>, vector<16xf32>,
        tpu.vector_store %arg10[%parallel_loop3A_1222, %parallel_loop3A_1223, %parallel_loop3A_1224, %parallel_loop3A_1225, %parallel_loop3A_1226], %parallel_loop3A_1155 {strides = array<i32>} : memref<2x8x1x8x128xf32, #tpu.memory_space<vmem>>, vector<16xf32>,
      } {sc.loop_unroll_factor = 1 : i64, sc.parallel_access}
      %add3A_496 = arith.constant 1 : i32
      %add3A_497 = arith.addi %mul3A_217, %add3A_496 : i32
      %add3A_498 = arith.addi %mul3A_32, %add3A_497 : i32
      %dma_start3A_499 = arith.constant 1 : i32
      %dma_start3A_500 = arith.constant 0 : i32
      %dma_start3A_501 = arith.constant 0 : i32
      %dma_start3A_502 = arith.constant 0 : i32
      %dma_start3A_503 = arith.constant 0 : i32
      %dma_start3A_504 = tpu.memref_slice %arg10[%dma_start3A_499, %dma_start3A_500, %dma_start3A_501, %dma_start3A_502, %dma_start3A_503] : memref<2x8x1x8x128xf32, #tpu.memory_space<vmem>> -> memref<1x8x1x8x128xf32, #tpu.memory_space<vmem>>
      %dma_start3A_505 = tpu.memref_squeeze %dma_start3A_504 : memref<1x8x1x8x128xf32, #tpu.memory_space<vmem>> -> memref<8x1x8x128xf32, #tpu.memory_space<vmem>>
      %dma_start3A_506 = arith.constant 0 : i32
      %dma_start3A_507 = arith.constant 0 : i32
      %dma_start3A_508 = arith.constant 0 : i32
      %dma_start3A_509 = tpu.memref_slice %arg5[%add3A_498, %dma_start3A_506, %select_n3A_9, %dma_start3A_507, %dma_start3A_508] : memref<200x8x8x8x128xf32, #tpu.memory_space<hbm>> -> memref<1x8x1x8x128xf32, #tpu.memory_space<hbm>>
      %dma_start3A_510 = tpu.memref_squeeze %dma_start3A_509 : memref<1x8x1x8x128xf32, #tpu.memory_space<hbm>> -> memref<8x1x8x128xf32, #tpu.memory_space<hbm>>
      %dma_start3A_511 = arith.constant 0 : i32
      %dma_start3A_512 = arith.constant 0 : i32
      %dma_start3A_513 = arith.constant 0 : i32
      %dma_start3A_514 = tpu.memref_slice %arg5[%add3A_498, %dma_start3A_511, %select_n3A_9, %dma_start3A_512, %dma_start3A_513] : memref<200x8x8x8x128xf32, #tpu.memory_space<hbm>> -> memref<1x8x1x8x128xf32, #tpu.memory_space<hbm>>
      %dma_start3A_515 = tpu.memref_squeeze %dma_start3A_514 : memref<1x8x1x8x128xf32, #tpu.memory_space<hbm>> -> memref<8x1x8x128xf32, #tpu.memory_space<hbm>>
      %dma_start3A_516 = arith.constant 0 : i32
      %dma_start3A_517 = arith.constant 0 : i32
      %dma_start3A_518 = arith.constant 0 : i32
      %dma_start3A_519 = arith.constant 0 : i32
      %dma_start3A_520 = tpu.memref_slice %arg10[%dma_start3A_499, %dma_start3A_516, %dma_start3A_517, %dma_start3A_518, %dma_start3A_519] : memref<2x8x1x8x128xf32, #tpu.memory_space<vmem>> -> memref<1x8x1x8x128xf32, #tpu.memory_space<vmem>>
      %dma_start3A_521 = tpu.memref_squeeze %dma_start3A_520 : memref<1x8x1x8x128xf32, #tpu.memory_space<vmem>> -> memref<8x1x8x128xf32, #tpu.memory_space<vmem>>
      tpu.enqueue_dma source(%dma_start3A_521 : memref<8x1x8x128xf32, #tpu.memory_space<vmem>>) target(%dma_start3A_515 : memref<8x1x8x128xf32, #tpu.memory_space<hbm>>) target_semaphore(%arg14 : memref<!tpu.dma_semaphore, #tpu.memory_space<semaphore_mem>>)
      %scan3A_522 = arith.constant 0 : i32
      scf.yield %scan3A_522 : i32
    }
    %scan3A_162 = arith.constant 25 : i32
    %dma_wait3A = arith.constant 0 : i32
    %dma_wait3A_163 = arith.constant 0 : i32
    %dma_wait3A_164 = arith.constant 0 : i32
    %dma_wait3A_165 = arith.constant 0 : i32
    %dma_wait3A_166 = arith.constant 0 : i32
    %dma_wait3A_167 = arith.constant 0 : i32
    %dma_wait3A_168 = tpu.memref_slice %arg10[%dma_wait3A, %dma_wait3A_164, %dma_wait3A_165, %dma_wait3A_166, %dma_wait3A_167] : memref<2x8x1x8x128xf32, #tpu.memory_space<vmem>> -> memref<1x8x1x8x128xf32, #tpu.memory_space<vmem>>
    %dma_wait3A_169 = tpu.memref_squeeze %dma_wait3A_168 : memref<1x8x1x8x128xf32, #tpu.memory_space<vmem>> -> memref<8x1x8x128xf32, #tpu.memory_space<vmem>>
    %dma_wait3A_170 = arith.constant 0 : i32
    %dma_wait3A_171 = arith.constant 0 : i32
    %dma_wait3A_172 = arith.constant 0 : i32
    %dma_wait3A_173 = arith.constant 0 : i32
    %dma_wait3A_174 = tpu.memref_slice %arg5[%dma_wait3A_163, %dma_wait3A_170, %dma_wait3A_171, %dma_wait3A_172, %dma_wait3A_173] : memref<200x8x8x8x128xf32, #tpu.memory_space<hbm>> -> memref<1x8x1x8x128xf32, #tpu.memory_space<hbm>>
    %dma_wait3A_175 = tpu.memref_squeeze %dma_wait3A_174 : memref<1x8x1x8x128xf32, #tpu.memory_space<hbm>> -> memref<8x1x8x128xf32, #tpu.memory_space<hbm>>
    %dma_wait3A_176 = arith.constant 0 : i32
    %dma_wait3A_177 = arith.constant 0 : i32
    %dma_wait3A_178 = arith.constant 0 : i32
    %dma_wait3A_179 = arith.constant 0 : i32
    %dma_wait3A_180 = tpu.memref_slice %arg5[%dma_wait3A_163, %dma_wait3A_176, %dma_wait3A_177, %dma_wait3A_178, %dma_wait3A_179] : memref<200x8x8x8x128xf32, #tpu.memory_space<hbm>> -> memref<1x8x1x8x128xf32, #tpu.memory_space<hbm>>
    %dma_wait3A_181 = tpu.memref_squeeze %dma_wait3A_180 : memref<1x8x1x8x128xf32, #tpu.memory_space<hbm>> -> memref<8x1x8x128xf32, #tpu.memory_space<hbm>>
    %dma_wait3A_182 = arith.constant 0 : i32
    %dma_wait3A_183 = arith.constant 0 : i32
    %dma_wait3A_184 = arith.constant 0 : i32
    %dma_wait3A_185 = arith.constant 0 : i32
    %dma_wait3A_186 = tpu.memref_slice %arg10[%dma_wait3A, %dma_wait3A_182, %dma_wait3A_183, %dma_wait3A_184, %dma_wait3A_185] : memref<2x8x1x8x128xf32, #tpu.memory_space<vmem>> -> memref<1x8x1x8x128xf32, #tpu.memory_space<vmem>>
    %dma_wait3A_187 = tpu.memref_squeeze %dma_wait3A_186 : memref<1x8x1x8x128xf32, #tpu.memory_space<vmem>> -> memref<8x1x8x128xf32, #tpu.memory_space<vmem>>
    tpu.wait_dma2 semaphore(%arg13 : memref<!tpu.dma_semaphore, #tpu.memory_space<semaphore_mem>>) src(%dma_wait3A_187 : memref<8x1x8x128xf32, #tpu.memory_space<vmem>>) dst(%dma_wait3A_181 : memref<8x1x8x128xf32, #tpu.memory_space<hbm>>)
    %dma_wait3A_188 = arith.constant 1 : i32
    %dma_wait3A_189 = arith.constant 0 : i32
    %dma_wait3A_190 = arith.constant 0 : i32
    %dma_wait3A_191 = arith.constant 0 : i32
    %dma_wait3A_192 = arith.constant 0 : i32
    %dma_wait3A_193 = arith.constant 0 : i32
    %dma_wait3A_194 = tpu.memref_slice %arg10[%dma_wait3A_188, %dma_wait3A_190, %dma_wait3A_191, %dma_wait3A_192, %dma_wait3A_193] : memref<2x8x1x8x128xf32, #tpu.memory_space<vmem>> -> memref<1x8x1x8x128xf32, #tpu.memory_space<vmem>>
    %dma_wait3A_195 = tpu.memref_squeeze %dma_wait3A_194 : memref<1x8x1x8x128xf32, #tpu.memory_space<vmem>> -> memref<8x1x8x128xf32, #tpu.memory_space<vmem>>
    %dma_wait3A_196 = arith.constant 0 : i32
    %dma_wait3A_197 = arith.constant 0 : i32
    %dma_wait3A_198 = arith.constant 0 : i32
    %dma_wait3A_199 = arith.constant 0 : i32
    %dma_wait3A_200 = tpu.memref_slice %arg5[%dma_wait3A_189, %dma_wait3A_196, %dma_wait3A_197, %dma_wait3A_198, %dma_wait3A_199] : memref<200x8x8x8x128xf32, #tpu.memory_space<hbm>> -> memref<1x8x1x8x128xf32, #tpu.memory_space<hbm>>
    %dma_wait3A_201 = tpu.memref_squeeze %dma_wait3A_200 : memref<1x8x1x8x128xf32, #tpu.memory_space<hbm>> -> memref<8x1x8x128xf32, #tpu.memory_space<hbm>>
    %dma_wait3A_202 = arith.constant 0 : i32
    %dma_wait3A_203 = arith.constant 0 : i32
    %dma_wait3A_204 = arith.constant 0 : i32
    %dma_wait3A_205 = arith.constant 0 : i32
    %dma_wait3A_206 = tpu.memref_slice %arg5[%dma_wait3A_189, %dma_wait3A_202, %dma_wait3A_203, %dma_wait3A_204, %dma_wait3A_205] : memref<200x8x8x8x128xf32, #tpu.memory_space<hbm>> -> memref<1x8x1x8x128xf32, #tpu.memory_space<hbm>>
    %dma_wait3A_207 = tpu.memref_squeeze %dma_wait3A_206 : memref<1x8x1x8x128xf32, #tpu.memory_space<hbm>> -> memref<8x1x8x128xf32, #tpu.memory_space<hbm>>
    %dma_wait3A_208 = arith.constant 0 : i32
    %dma_wait3A_209 = arith.constant 0 : i32
    %dma_wait3A_210 = arith.constant 0 : i32
    %dma_wait3A_211 = arith.constant 0 : i32
    %dma_wait3A_212 = tpu.memref_slice %arg10[%dma_wait3A_188, %dma_wait3A_208, %dma_wait3A_209, %dma_wait3A_210, %dma_wait3A_211] : memref<2x8x1x8x128xf32, #tpu.memory_space<vmem>> -> memref<1x8x1x8x128xf32, #tpu.memory_space<vmem>>
    %dma_wait3A_213 = tpu.memref_squeeze %dma_wait3A_212 : memref<1x8x1x8x128xf32, #tpu.memory_space<vmem>> -> memref<8x1x8x128xf32, #tpu.memory_space<vmem>>
    tpu.wait_dma2 semaphore(%arg14 : memref<!tpu.dma_semaphore, #tpu.memory_space<semaphore_mem>>) src(%dma_wait3A_213 : memref<8x1x8x128xf32, #tpu.memory_space<vmem>>) dst(%dma_wait3A_207 : memref<8x1x8x128xf32, #tpu.memory_space<hbm>>)
    return
  }
}

</mosaic_0001>

<sc_bundles>
// kernel: kernel.3.cloned.1.call-start
scs
__scs_entry_jumppad:
0x0: {  	(pc) =	sbr.rel $0x88, $3  }
0x1: {  	(tag) =	ssettag $0x0;
	lr =	simm.s32 $0x1  }
0x2: {  	[smem:$0x3F9E] =	sst lr;
	_ =	strace $0xD0000000  }
0x3: {  	_ = 	snop  }
0x4: {  	_ = 	snop  }
0x5: {  	_ = 	snop  }
0x6: {  	_ = 	snop  }
0x7: {  	_ = 	snop  }
__scs_overlays_trampoline_lowered:
0x8: {  	[smem:$0x3FAD] =	sst s0  }
0x9: {  	[smem:$0x3FAE] =	sst s1  }
0xa: {  	[smem:$0x3FAF] =	sst s2  }
0xb: {  	[smem:$0x3FB0] =	sst s3  }
0xc: {  	[smem:$0x3FB1] =	sst s4  }
0xd: {  	[smem:$0x3FB2] =	sst s5  }
0xe: {  	[smem:$0x3FB3] =	sst s6  }
0xf: {  	[smem:$0x3FB4] =	sst s7  }
0x10: {  	[smem:$0x3FB5] =	sst s8  }
0x11: {  	[smem:$0x3FB6] =	sst s9;
	s0 =	simm.s32 @!p0 $0x0  }
0x12: {  	s1 =	sld [smem:$0x3F9C];
	s0 =	simm.s32 @p0 $0x1  }
0x13: {  	[smem:$0x3FB7] =	sst s0;
	s0 =	simm.s32 @!p1 $0x0  }
0x14: {  	s2 =	sld [smem:$0x3F9B];
	s0 =	simm.s32 @p1 $0x1  }
0x15: {  	[smem:$0x3FB8] =	sst s0;
	s0 =	simm.s32 @!p2 $0x0  }
0x16: {  	s3 =	sld [smem:$0x3FDB];
	s0 =	simm.s32 @p2 $0x1  }
0x17: {  	s4 =	simm.s32 $0x1BF5;
	[smem:$0x3FBA] =	sst s0  }
0x18: {  	s0 =	sld [smem:$0x3F9D];
	_ =	swait.ge [sflag:s4], $0x0  }
0x19: {  	s7 =	sld [smem:$0x3F9E]  }
0x1a: {  	s8 =	sadd.s32 $0xFFFFE003, lr  }
0x1b: {  	s9 =	sadd.s32 $0xFFFFFEF7, lr;
	s5 =	simm.s32 $0xFFFFFFFF;
	p2 =	slt.u32 s8, $0xFFFFF086  }
0x1c: {  	p1 =	slt.u32 s9, $0xF7A;
	s5 =	simm.s32 @!p2 $0x0  }
0x1d: {  	s5 =	simm.s32 @p1 $0x1;
	p0 =	seq.s32 s7, s2  }
0x1e: {  	s7 =	smul.u32 @!p0 $0xF7A, s2;
	p2 =	seq.s32 @!p0 s5, $0x0  }
0x1f: {  	s9 =	smul.u32 $0xF7A, s1;
	s8 =	simm.s32 @!p0 $0x1BF5;
	p2 =	por !p2, p0  }
0x20: {  	[sflag:s8] =	ssyncset.s32 @!p0 $0xFFFFF086;
	s6 =	sadd.s32 @!p0 s3, s7;
	s7 =	simm.s32 @!p0 $0x108  }
0x21: {  	s3 =	sadd.s32 s3, s9;
	s6 =	sadd.s32 @!p0 $0x88, s6;
	s7 =	simm.s32 @p2 $0x1082  }
0x22: {  	[simem:s7], [sflag:s8] =	dma.local @!p0 [hbm:s6], $0xF7A  }
0x23: {  	s9 =	sor.u32 $0xD0000000, s2;
	s6 =	simm.s32 $0x108;
	_ =	swait.ge @!p0 [sflag:s8], $0x0  }
0x24: {  	s3 =	sadd.s32 $0x88, s3;
	s6 =	simm.s32 @!p1 $0x1082;
	[sflag:s4] =	ssyncset.s32 $0xFFFFF086  }
0x25: {  	[simem:s6], [sflag:s4] =	dma.local [hbm:s3], $0xF7A  }
0x26: {  	[smem:$0x3F9E] =	sst s1;
	(tag) =	ssettag s2;
	_ =	strace s9  }
0x27: {  	s1 =	sld [smem:$0x3FAE]  }
0x28: {  	s2 =	sld [smem:$0x3FAF]  }
0x29: {  	s4 =	sld [smem:$0x3FB1]  }
0x2a: {  	p0 =	seq.s32 s5, $0x0;
	s5 =	sld [smem:$0x3FB2]  }
0x2b: {  	s6 =	sld [smem:$0x3FB3]  }
0x2c: {  	s7 =	sld [smem:$0x3FB4]  }
0x2d: {  	s3 =	simm.s32 $0x108;
	s8 =	sld [smem:$0x3FB5]  }
0x2e: {  	s3 =	simm.s32 @!p0 $0x1082;
	s9 =	sld [smem:$0x3FB6]  }
0x2f: {  	lr =	sadd.s32 s0, s3;
	s0 =	sld [smem:$0x3FAD]  }
0x30: {  	s3 =	sld [smem:$0x3FB0]  }
0x31: {  	[smem:$0x3FB9] =	sst s10  }
0x32: {  	s10 =	sld [smem:$0x3FB7];
	_ =	sdelay $0x3  }
0x33: {  	p0 =	seq.s32 s10, $0x1;
	s10 =	sld [smem:$0x3FB9];
	_ =	sdelay $0x3  }
0x34: {  	[smem:$0x3FB9] =	sst s10  }
0x35: {  	s10 =	sld [smem:$0x3FB8];
	_ =	sdelay $0x3  }
0x36: {  	p1 =	seq.s32 s10, $0x1;
	s10 =	sld [smem:$0x3FB9];
	_ =	sdelay $0x3  }
0x37: {  	[smem:$0x3FB9] =	sst s10  }
0x38: {  	s10 =	sld [smem:$0x3FBA]  }
0x39: {  	_ = 	snop;
	(pc) =	sbr.ind lr, $3  }
0x3a: {  	_ = 	snop  }
0x3b: {  	_ = 	snop  }
0x3c: {  	p2 =	seq.s32 s10, $0x1;
	s10 =	sld [smem:$0x3FB9]  }
0x3d: {  	_ =	shalt  }
0x3e: {  	_ =	shalt  }
0x3f: {  	_ =	shalt  }
0x40: {  	_ =	shalt  }
0x41: {  	_ =	shalt  }
0x42: {  	_ =	shalt  }
0x43: {  	_ =	shalt  }
0x44: {  	_ =	shalt  }
0x45: {  	_ =	shalt  }
0x46: {  	_ =	shalt  }
0x47: {  	_ =	shalt  }
0x48: {  	_ =	shalt  }
0x49: {  	_ =	shalt  }
0x4a: {  	_ =	shalt  }
0x4b: {  	_ =	shalt  }
0x4c: {  	_ =	shalt  }
0x4d: {  	_ =	shalt  }
0x4e: {  	_ =	shalt  }
0x4f: {  	_ =	shalt  }
0x50: {  	_ =	shalt  }
0x51: {  	_ =	shalt  }
0x52: {  	_ =	shalt  }
0x53: {  	_ =	shalt  }
0x54: {  	_ =	shalt  }
0x55: {  	_ =	shalt  }
0x56: {  	_ =	shalt  }
0x57: {  	_ =	shalt  }
0x58: {  	_ =	shalt  }
0x59: {  	_ =	shalt  }
0x5a: {  	_ =	shalt  }
0x5b: {  	_ =	shalt  }
0x5c: {  	_ =	shalt  }
0x5d: {  	_ =	shalt  }
0x5e: {  	_ =	shalt  }
0x5f: {  	_ =	shalt  }
0x60: {  	_ =	shalt  }
0x61: {  	_ =	shalt  }
0x62: {  	_ =	shalt  }
0x63: {  	_ =	shalt  }
0x64: {  	_ =	shalt  }
0x65: {  	_ =	shalt  }
0x66: {  	_ =	shalt  }
0x67: {  	_ =	shalt  }
0x68: {  	_ =	shalt  }
0x69: {  	_ =	shalt  }
0x6a: {  	_ =	shalt  }
0x6b: {  	_ =	shalt  }
0x6c: {  	_ =	shalt  }
0x6d: {  	_ =	shalt  }
0x6e: {  	_ =	shalt  }
0x6f: {  	_ =	shalt  }
0x70: {  	_ =	shalt  }
0x71: {  	_ =	shalt  }
0x72: {  	_ =	shalt  }
0x73: {  	_ =	shalt  }
0x74: {  	_ =	shalt  }
0x75: {  	_ =	shalt  }
0x76: {  	_ =	shalt  }
0x77: {  	_ =	shalt  }
0x78: {  	_ =	shalt  }
0x79: {  	_ =	shalt  }
0x7a: {  	_ =	shalt  }
0x7b: {  	_ =	shalt  }
0x7c: {  	_ =	shalt  }
0x7d: {  	_ =	shalt  }
0x7e: {  	_ =	shalt  }
0x7f: {  	_ =	shalt  }
0x80: {  	_ =	shalt  }
0x81: {  	_ =	shalt  }
0x82: {  	_ =	shalt  }
0x83: {  	_ =	shalt  }
0x84: {  	_ =	shalt  }
0x85: {  	_ =	shalt  }
0x86: {  	_ =	shalt  }
0x87: {  	_ =	shalt  }
.Lfunc_end0:
.L_simem_size_0:
called_computation_lowered:
.L_overlay_start_0:
0x88: {  	s2 =	sld [smem:$0x3FD9]  }
0x89: {  	s3 =	sld [smem:$0x3FFE];
	_ =	sdelay $0x1  }
0x8a: {  	s1 =	srdreg.scid  }
0x8b: {  	s0 =	sand.u32 $0x1, s1  }
0x8c: {  	s17 =	sshll.u32 s0, $0xA;
	s2 =	sadd.s32 s3, s2  }
0x8d: {  	s2 =	sadd.s32 s2, s17  }
0x8e: {  	[smem:$0x3FC5] =	sst s2  }
0x8f: {  	_ = 	snop  }
0x90: {  	s2 =	sld [smem:$0x3FC9]  }
0x91: {  	s18 =	sld [smem:$0x3FD0];
	(tm) =	ssettm $0x1  }
0x92: {  	s4 =	sld [smem:$0x3FFB];
	_ =	sdelay $0x3  }
0x93: {  	_ =	strace s4  }
0x94: {  	s4 =	sld [smem:$0x3FFC];
	_ =	sdelay $0x3  }
0x95: {  	_ =	strace s4  }
0x96: {  	s4 =	sld [smem:$0x3FFD];
	_ =	sdelay $0x3  }
0x97: {  	_ =	strace s4  }
0x98: {  	_ =	strace $0x8FFFFFFF  }
0x99: {  	s19 =	sld [smem:$0x3FDB];
	_ =	sdelay $0x1  }
0x9a: {  	s5 =	simm.s32 $_scs_section_size  }
0x9b: {  	s6 =	simm.s32 $_size__tile_overlayer_lowered;
	s7 =	simm.s32 $_tile_overlayer_lowered  }
0x9c: {  	s22 =	simm.s32 $0x1BFF;
	s21 =	sshll.u32 s7, $0x1;
	s4 =	sadd.s32 s5, s19  }
0x9d: {  	s8 =	simm.s32 $0x0;
	s20 =	sshll.u32 s6, $0x1;
	s6 =	sadd.s32 s21, s4  }
0x9e: {  	[timem:s8], [sflag:s22] =	dma.local [hbm:s6], s20  }
0x9f: {  	_ =	swait.ge [sflag:s22], s20  }
0xa0: {  	s5 =	ssub.s32 $0x0, s20;
	[sflag:s22] =	ssyncset.done $0x0  }
0xa1: {  	[sflag:s22] =	ssyncadd.s32 s5;
	_ =	sdelay $0x1  }
0xa2: {  	s23 =	simm.s32 $0x1B8B  }
0xa3: {  	_ =	swait.ge [sflag:s23], $0x1  }
0xa4: {  	[sflag:s23] =	ssyncset.done $0x0  }
0xa5: {  	s25 =	simm.s32 $0x1B8E;
	s24 =	sld [smem:$0x3FFE];
	[sflag:s23] =	ssyncadd.s32 $0xFFFFFFFF  }
0xa6: {  	s26 =	simm.s32 $execute0_lowered;
	[smem:$0x3FD2] =	sst s25  }
0xa7: {  	s6 =	sshll.u32 s26, $0x1;
	_ =	strace $0x80000046;
	[dreg:$0x1] =	wrdreg $0xFFFFFFFF  }
0xa8: {  	s28 =	simm.s32 $_size_execute0_lowered;
	s4 =	sadd.s32 s4, s6;
	[dreg:$0x0] =	wrdreg $0x0  }
0xa9: {  	s6 =	sshll.u32 s28, $0x1;
	[dreg:$0x2] =	wrdreg s4  }
0xaa: {  	[dreg:$0x3] =	wrdreg s6  }
0xab: {  	[dreg:$0x4] =	wrdreg $0xC0  }
0xac: {  	_ =	task [dreg:s8], $0x5FFFF  }
0xad: {  	[dreg:$0x1] =	wrdreg $0xFFFFFFFF  }
0xae: {  	[dreg:$0x0] =	wrdreg $0x60  }
0xaf: {  	[dreg:$0x2] =	wrdreg s2  }
0xb0: {  	[dreg:$0x3] =	wrdreg s24  }
0xb1: {  	[dreg:$0x4] =	wrdreg s18  }
0xb2: {  	[dreg:$0x5] =	wrdreg $0x9  }
0xb3: {  	_ =	task.clear_ibuf [dreg:s8], $0x6FFFF;
	_ =	strace $0x90000046  }
0xb4: {  	s29 =	simm.s32 $0x9;
	_ =	strace $0x80000048  }
0xb5: {  	_ =	swait.ge [sflag:s29], $0x1  }
0xb6: {  	[sflag:s29] =	ssyncadd.s32 $0xFFFFFFFF  }
0xb7: {  	_ =	strace $0x90000048  }
0xb8: {  	_ =	sfence  }
0xb9: {  	s30 =	sld [smem:$0x0];
	_ =	sdelay $0x2  }
0xba: {  	s31 =	sshll.u32 s1, $0xD;
	s1 =	sshrl.u32 s1, $0x2  }
0xbb: {  	s3 =	sand.u32 $0x4000, s31;
	s1 =	sadd.s32 s1, s30  }
0xbc: {  	s0 =	sor.u32 s3, s0;
	s1 =	sshll.u32 s1, $0x11  }
0xbd: {  	s0 =	sor.u32 s1, s0  }
0xbe: {  	s0 =	sadd.s32 $0x8F2B, s0  }
0xbf: {  	[sflag:s0] =	ssyncadd.remote.s32 $0x1  }
0xc0: {  	_ =	sfence.sel $0xFFFF  }
0xc1: {  	[dreg:$0x0] =	wrdreg $0xFFFFFFFF;
	(pc) =	sbr.abs _section_cstart, $3  }
0xc2: {  	[dreg:$0x1] =	wrdreg $0xFFFFFFFF  }
0xc3: {  	_ =	task.clear_ibuf [dreg:s8], $0x2FFFF;
	_ =	strace $0x9FFFFFFF  }
0xc4: {  	(tm) =	ssettm $0x7FFFFFFF  }
0xc5: {  	_ =	shalt  }
tec
execute0_lowered:
.L_overlay_start_1:
0x0: {  	(tag) =	ssettag $0x1  }
0x1: {  	v0 =	vlaneseq.u32  }
0x2: {  	v0 =	vmul.u32 $0x48, v0;
	_ =	sdelay $0x1  }
0x3: {  	v1 =	vadd.s32 $0x480, v0;
	v23 =	vadd.s32 $0x1B00, v0  }
0x4: {  	v24 =	vadd.s32 $0x1F80, v0;
	v25 =	vor.u32 $0x1, v0;
	v26 =	vadd.s32 $0x481, v0  }
0x5: {  	v27 =	vadd.s32 $0x901, v0;
	v28 =	vadd.s32 $0xD81, v0;
	v29 =	vadd.s32 $0x1201, v0  }
0x6: {  	s0 =	rddreg [dreg:$0x0];
	v30 =	vadd.s32 $0x1681, v0;
	v31 =	vadd.s32 $0x1B01, v0;
	[tilespmem:$0x1FEF0] =	vst v1;
	v1 =	vadd.s32 $0x900, v0  }
0x7: {  	s3 =	rddreg [dreg:$0x1];
	v32 =	vadd.s32 $0x1F81, v0;
	v33 =	vor.u32 $0x2, v0;
	[tilespmem:$0x1FF00] =	vst v1;
	v1 =	vadd.s32 $0xD80, v0  }
0x8: {  	s1 =	rddreg [dreg:$0x2];
	s2 =	simm.s32 $0x0;
	v34 =	vadd.s32 $0x482, v0;
	v35 =	vadd.s32 $0x902, v0;
	[tilespmem:$0x1FF10] =	vst v1;
	v1 =	vadd.s32 $0x1200, v0  }
0x9: {  	s5 =	stileid.u32;
	s4 =	srdreg.scid;
	s13 =	simm.s32 $0x400;
	v36 =	vadd.s32 $0xD82, v0;
	v37 =	vadd.s32 $0x1202, v0;
	[tilespmem:$0x1FF20] =	vst v1;
	v1 =	vadd.s32 $0x1680, v0  }
0xa: {  	s14 =	simm.s32 $0x5;
	s17 =	simm.s32 $0x4FA0;
	[smem:$0x7FF] =	sst s2;
	v38 =	vadd.s32 $0x1682, v0;
	v39 =	vadd.s32 $0x1B02, v0;
	[tilespmem:$0x1FF30] =	vst v1;
	v1 =	vor.u32 $0x6, v0  }
0xb: {  	s15 =	simm.s32 $0x80;
	s19 =	simm.s32 $0x6FA0;
	v40 =	vadd.s32 $0x1F82, v0;
	v41 =	vor.u32 $0x3, v0;
	v2 =	vadd.s32 $0x486, v0;
	_ =	strace $0x80000047;
	[tilespmem:$0x1FF40] =	vst v1  }
0xc: {  	s18 =	simm.s32 $0x1;
	s20 =	simm.s32 $0x2000;
	s21 =	simm.s32 $0x93A0;
	v42 =	vadd.s32 $0x483, v0;
	v43 =	vadd.s32 $0x903, v0;
	v3 =	vadd.s32 $0x906, v0;
	[tilespmem:$0x1FF50] =	vst v2  }
0xd: {  	s22 =	simm.s32 $0x2;
	s23 =	simm.s32 $0xB3A0;
	s24 =	simm.s32 $0x3;
	v44 =	vadd.s32 $0xD83, v0;
	v45 =	vadd.s32 $0x1203, v0;
	v4 =	vadd.s32 $0xD86, v0;
	[tilespmem:$0x1FF60] =	vst v3  }
0xe: {  	s25 =	simm.s32 $0x4;
	s6 =	sshrl.u32 s5, $0x2;
	s5 =	sshll.u32 s5, $0x1;
	v46 =	vadd.s32 $0x1683, v0;
	v47 =	vadd.s32 $0x1B03, v0;
	v5 =	vadd.s32 $0x1206, v0;
	[tilespmem:$0x1FF70] =	vst v4  }
0xf: {  	s7 =	sand.u32 $0x1, s4;
	s5 =	sand.u32 $0x6, s5;
	s8 =	smul.u32 $0xC800, s6;
	v48 =	vadd.s32 $0x1F83, v0;
	v49 =	vor.u32 $0x4, v0;
	v6 =	vadd.s32 $0x1686, v0;
	[tilespmem:$0x1FF80] =	vst v5  }
0x10: {  	s4 =	sadd.s32 $0xC00, s3;
	s9 =	smul.u32 $0x190, s6;
	s5 =	sor.u32 s7, s5;
	v50 =	vadd.s32 $0x484, v0;
	v51 =	vadd.s32 $0x904, v0;
	v7 =	vadd.s32 $0x1B06, v0;
	[tilespmem:$0x1FF90] =	vst v6  }
0x11: {  	s26 =	simm.s32 $0x0;
	v52 =	vadd.s32 $0xD84, v0;
	v53 =	vadd.s32 $0x1204, v0;
	v8 =	vadd.s32 $0x1F86, v0;
	s5 =	sshll.u32 s5, $0xA;
	s8 =	sand.u32 $0x3E000, s8;
	[tilespmem:$0x1FFA0] =	vst v7  }
0x12: {  	s6 =	smul.u32 $0x32, s6;
	s7 =	ssub.s32 $0x2, s7;
	v54 =	vadd.s32 $0x1684, v0;
	v55 =	vadd.s32 $0x1B04, v0;
	v9 =	vor.u32 $0x7, v0;
	s8 =	sor.u32 s8, s5;
	[tilespmem:$0x1FFB0] =	vst v8  }
0x13: {  	v56 =	vadd.s32 $0x1F84, v0;
	v57 =	vor.u32 $0x5, v0;
	v10 =	vadd.s32 $0x487, v0;
	s3 =	sadd.s32 s9, s3;
	s30 =	sshrl.u32 s7, $0x1;
	s8 =	sshrl.u32 s8, $0x3;
	[tilespmem:$0x1FFC0] =	vst v9  }
0x14: {  	v58 =	vadd.s32 $0x485, v0;
	v59 =	vadd.s32 $0x905, v0;
	v11 =	vadd.s32 $0x907, v0;
	s10 =	ssub.s32 s7, s30;
	s7 =	sand.u32 $0x6, s6;
	s0 =	sadd.s32 s0, s8;
	[tilespmem:$0x1FFD0] =	vst v10  }
0x15: {  	v17 =	vadd.s32 $0xD85, v0;
	v13 =	vadd.s32 $0x1205, v0;
	v12 =	vadd.s32 $0xD87, v0;
	s9 =	sadd.s32 $0x400, s3;
	s31 =	sshll.u32 s7, $0x7;
	[dreg:$0x4] =	wrdreg s0;
	[tilespmem:$0x1FFE0] =	vst v11  }
0x16: {  	v14 =	vadd.s32 $0x1685, v0;
	v15 =	vadd.s32 $0x1B05, v0;
	v16 =	vadd.s32 $0x1F85, v0;
	s11 =	sadd.s32 $0x2, s7;
	s12 =	smax.u32 s10, $0x1;
	[dreg:$0x5] =	wrdreg s31;
	[tilespmem:$0x1FFF0] =	vst v12  }
.LBB2_1:
0x17: {  	s0 =	rddreg [dreg:$0x4]  }
0x18: {  	[tilespmem:s2], [sflag:$0x5] =	stream.strided.gather [hbm4b:s0+s13], $0x2000, s20, s13, $0x38;
	[tilespmem:$0xD3A0] =	vst v63  }
0x19: {  	_ =	swait.ge [sflag:s14], $0x2000  }
0x1a: {  	s10 =	sadd.s32 $0x0, s9;
	s3 =	simm.s32 $0x2050;
	[sflag:s14] =	ssyncset.done $0x0  }
0x1b: {  	s8 =	simm.s32 $0x2000;
	s0 =	simm.s32 $0x8;
	[sflag:s14] =	ssyncadd.s32 $0xFFFFE000  }
.LBB2_2:
0x1c: {  	[tilespmem:s8], [sflag:$0x5] =	stream.linear.gather [hbm4b:s10+s2], $0x40, $0x38;
	[tilespmem:$0xD3A0] =	vst v63  }
0x1d: {  	s10 =	smov.u32 s0;
	s8 =	smov.u32 s3;
	p0 =	sne.s32 s0, $0x188  }
.Ltmp0:
0x1e: {  	s0 =	sadd.s32 $0x8, s0;
	(pc) =	sbr.rel @p0 .LBB2_2-.Ltmp0, $2  }
0x1f: {  	_ =	sdelay $0x2  }
0x20: {  	s3 =	sadd.s32 $0x50, s3;
	s10 =	sadd.s32 s10, s9  }
0x21: {  	[tilespmem:s8], [sflag:$0x5] =	stream.linear.gather [hbm4b:s10+s2], $0x40, $0x38;
	[tilespmem:$0xD3A0] =	vst v63  }
0x22: {  	_ =	swait.ge [sflag:s14], $0xC80  }
0x23: {  	s3 =	simm.s32 $0x2FA0;
	[sflag:s14] =	ssyncset.done $0x0  }
0x24: {  	s28 =	simm.s32 $0x0;
	s0 =	rddreg [dreg:$0x5];
	[sflag:s14] =	ssyncadd.s32 $0xFFFFF380  }
0x25: {  	[tilespmem:s3], [sflag:$0x1] =	stream.indirect.gather [hbm4b:s4+s15], $0x40, s0, s15, $0xb8;
	[tilespmem:$0xD3A0] =	vst v63  }
.LBB2_4:
0x26: {  	s30 =	sshll.u32 s28, $0x1;
	p0 =	seq.s32 s28, $0x0  }
0x27: {  	s0 =	simm.s32 @!p0 $0x4;
	s29 =	sor.u32 $0x1, s30  }
0x28: {  	_ =	swait.ge @!p0 [sflag:s0], $0x2000;
	s3 =	sadd.s32 s7, s29  }
0x29: {  	[sflag:s0] =	ssyncset.done @!p0 $0x0;
	s3 =	sshll.u32 s3, $0x7  }
0x2a: {  	[sflag:s0] =	ssyncadd.s32 @!p0 $0xFFFFE000;
	s16 =	sand.u32 $0x3F80, s3  }
0x2b: {  	[tilespmem:s17], [sflag:$0x2] =	stream.indirect.gather [hbm4b:s4+s15], $0x40, s16, s15, $0xb8;
	[tilespmem:$0xD3A0] =	vst v63  }
0x2c: {  	s31 =	smul.u32 $0x280, s28;
	_ =	swait.ge [sflag:s18], $0x2000  }
0x2d: {  	[sflag:s18] =	ssyncset.done $0x0  }
0x2e: {  	s0 =	sshra.s32 s31, $0x2;
	[sflag:s18] =	ssyncadd.s32 $0xFFFFE000  }
0x2f: {  	s31 =	simm.s32 $0x3020;
	v60 =	vld [tilespmem:s0+$0x2000]  }
0x30: {  	v4 =	vld [tilespmem:s31+$0x40]  }
0x31: {  	v3 =	vld [tilespmem:s0+$0x2010]  }
0x32: {  	v1 =	vld [tilespmem:s0+$0x2020]  }
0x33: {  	v2 =	vld [tilespmem:s0+$0x2030]  }
0x34: {  	v5 =	vld [tilespmem:s31+$0xFFFFFF80]  }
0x35: {  	v6 =	vld [tilespmem:s31+$0xFFFFFFC0];
	v4 =	vadd.f32 v4, v60  }
0x36: {  	s0 =	simm.s32 $0x7030;
	v7 =	vld [tilespmem:s31+$0x0]  }
0x37: {  	[tilespmem:s0+$0x48] =	vst v4  }
0x38: {  	v4 =	vld [tilespmem:s31+$0x50]  }
0x39: {  	v5 =	vadd.f32 v5, v60  }
0x3a: {  	v6 =	vadd.f32 v6, v60  }
0x3b: {  	v7 =	vadd.f32 v7, v60;
	[tilespmem:s0+$0xFFFFFF70] =	vst v5  }
0x3c: {  	[tilespmem:s0+$0xFFFFFFB8] =	vst v6;
	v5 =	vld [tilespmem:s31+$0xFFFFFF90]  }
0x3d: {  	[tilespmem:s0+$0x0] =	vst v7;
	v6 =	vld [tilespmem:s31+$0xFFFFFFD0];
	v4 =	vadd.f32 v4, v3  }
0x3e: {  	s16 =	simm.s32 $0x3120;
	v7 =	vld [tilespmem:s31+$0x10]  }
0x3f: {  	[tilespmem:s0+$0x58] =	vst v4;
	v4 =	vld [tilespmem:s16+$0x40]  }
0x40: {  	v8 =	vld [tilespmem:s31+$0x60]  }
0x41: {  	v9 =	vld [tilespmem:s16+$0xFFFFFFC0];
	v5 =	vadd.f32 v5, v3  }
0x42: {  	v10 =	vld [tilespmem:s16+$0x0];
	v6 =	vadd.f32 v6, v3  }
0x43: {  	v7 =	vadd.f32 v7, v3;
	[tilespmem:s0+$0xFFFFFF80] =	vst v5;
	v5 =	vld [tilespmem:s16+$0xFFFFFF80]  }
0x44: {  	[tilespmem:s0+$0xFFFFFFC8] =	vst v6;
	v6 =	vld [tilespmem:s31+$0xFFFFFFA0];
	v4 =	vadd.f32 v4, v60  }
0x45: {  	s3 =	simm.s32 $0x7150;
	[tilespmem:s0+$0x10] =	vst v7;
	v11 =	vld [tilespmem:s31+$0xFFFFFFE0];
	v7 =	vadd.f32 v8, v1  }
0x46: {  	v8 =	vadd.f32 v9, v60;
	[tilespmem:s3+$0x48] =	vst v4;
	v4 =	vld [tilespmem:s31+$0x20]  }
0x47: {  	v9 =	vadd.f32 v10, v60;
	v10 =	vld [tilespmem:s16+$0x50];
	[tilespmem:s0+$0x68] =	vst v7  }
0x48: {  	v5 =	vadd.f32 v5, v60;
	[tilespmem:s3+$0xFFFFFFB8] =	vst v8;
	v61 =	vld [tilespmem:s31+$0x70]  }
0x49: {  	v6 =	vadd.f32 v6, v1;
	[tilespmem:s3+$0x0] =	vst v9;
	v62 =	vld [tilespmem:s16+$0xFFFFFFD0]  }
0x4a: {  	[tilespmem:s3+$0xFFFFFF70] =	vst v5;
	v9 =	vadd.f32 v11, v1;
	v7 =	vld [tilespmem:s16+$0x10]  }
0x4b: {  	v8 =	vld [tilespmem:s16+$0xFFFFFF90];
	[tilespmem:s0+$0xFFFFFF90] =	vst v6;
	v6 =	vadd.f32 v4, v1  }
0x4c: {  	v5 =	vld [tilespmem:s31+$0xFFFFFFB0];
	[tilespmem:s0+$0xFFFFFFD8] =	vst v9;
	v10 =	vadd.f32 v10, v3  }
0x4d: {  	v4 =	vld [tilespmem:s31+$0xFFFFFFF0];
	[tilespmem:s0+$0x20] =	vst v6;
	v61 =	vadd.f32 v61, v2  }
0x4e: {  	s8 =	simm.s32 $0x4;
	s10 =	simm.s32 $0x3220;
	v9 =	vadd.f32 v62, v3;
	[tilespmem:s3+$0x58] =	vst v10;
	v6 =	vld [tilespmem:s31+$0x30]  }
.LBB2_5:
0x4f: {  	v10 =	vld [tilespmem:s10+$0x40];
	v7 =	vadd.f32 v7, v3;
	[tilespmem:s0+$0x78] =	vst v61;
	s31 =	simm.s32 $0x95A0  }
0x50: {  	s8 =	sadd.s32 $0x4, s8;
	v8 =	vadd.f32 v8, v3;
	[tilespmem:s3+$0xFFFFFFC8] =	vst v9;
	v9 =	vld [tilespmem:s16+$0x60]  }
0x51: {  	p0 =	slt.u32 s8, $0x7C;
	v11 =	vld [tilespmem:s10+$0xFFFFFFC0];
	[tilespmem:s3+$0x10] =	vst v7;
	v5 =	vadd.f32 v5, v2  }
0x52: {  	v7 =	vld [tilespmem:s10+$0x0];
	[tilespmem:s3+$0xFFFFFF80] =	vst v8;
	v4 =	vadd.f32 v4, v2  }
0x53: {  	v8 =	vld [tilespmem:s10+$0xFFFFFF80];
	[tilespmem:s0+$0xFFFFFFA0] =	vst v5;
	v5 =	vadd.f32 v6, v2  }
0x54: {  	v6 =	vadd.f32 v10, v60;
	v10 =	vld [tilespmem:s16+$0xFFFFFFA0];
	[tilespmem:s0+$0xFFFFFFE8] =	vst v4  }
0x55: {  	v4 =	vld [tilespmem:s16+$0xFFFFFFE0];
	v9 =	vadd.f32 v9, v1;
	[tilespmem:s0+$0x30] =	vst v5;
	s0 =	smov.u32 s3;
	s3 =	sadd.s32 $0x120, s3  }
0x56: {  	v5 =	vadd.f32 v11, v60;
	[tilespmem:s3+$0x48] =	vst v6;
	v6 =	vld [tilespmem:s16+$0x20]  }
0x57: {  	v7 =	vadd.f32 v7, v60;
	v11 =	vld [tilespmem:s10+$0x50];
	[tilespmem:s0+$0x68] =	vst v9  }
0x58: {  	v8 =	vadd.f32 v8, v60;
	[tilespmem:s3+$0xFFFFFFB8] =	vst v5;
	v9 =	vld [tilespmem:s16+$0x70]  }
0x59: {  	v62 =	vld [tilespmem:s10+$0xFFFFFFD0];
	[tilespmem:s3+$0x0] =	vst v7;
	v5 =	vadd.f32 v10, v1  }
.Ltmp1:
0x5a: {  	[tilespmem:s3+$0xFFFFFF70] =	vst v8;
	v7 =	vld [tilespmem:s10+$0x10];
	v4 =	vadd.f32 v4, v1;
	(pc) =	sbr.rel @p0 .LBB2_5-.Ltmp1, $4  }
0x5b: {  	v8 =	vld [tilespmem:s10+$0xFFFFFF90];
	[tilespmem:s0+$0xFFFFFF90] =	vst v5;
	v6 =	vadd.f32 v6, v1  }
0x5c: {  	v10 =	vadd.f32 v11, v3;
	v5 =	vld [tilespmem:s16+$0xFFFFFFB0];
	[tilespmem:s0+$0xFFFFFFD8] =	vst v4  }
0x5d: {  	v4 =	vld [tilespmem:s16+$0xFFFFFFF0];
	[tilespmem:s0+$0x20] =	vst v6;
	v61 =	vadd.f32 v9, v2  }
0x5e: {  	v9 =	vadd.f32 v62, v3;
	[tilespmem:s3+$0x58] =	vst v10;
	v6 =	vld [tilespmem:s16+$0x30];
	s16 =	smov.u32 s10;
	s10 =	sadd.s32 $0x100, s10  }
0x5f: {  	_ = 	snop  }
0x60: {  	v8 =	vadd.f32 v8, v3;
	_ =	sdelay $0x1  }
0x61: {  	v3 =	vadd.f32 v7, v3;
	v7 =	vld [tilespmem:s16+$0x60];
	[tilespmem:s3+$0xFFFFFF80] =	vst v8  }
0x62: {  	[tilespmem:s3+$0xFFFFFFC8] =	vst v9;
	v8 =	vld [tilespmem:s16+$0xFFFFFFA0]  }
0x63: {  	[tilespmem:s3+$0x10] =	vst v3;
	v3 =	vld [tilespmem:s16+$0xFFFFFFE0]  }
0x64: {  	v9 =	vld [tilespmem:s16+$0x20];
	_ =	sdelay $0x1  }
0x65: {  	v7 =	vadd.f32 v7, v1  }
0x66: {  	v8 =	vadd.f32 v8, v1  }
0x67: {  	[tilespmem:s3+$0x68] =	vst v7;
	v3 =	vadd.f32 v3, v1  }
0x68: {  	v7 =	vld [tilespmem:s16+$0x70];
	v1 =	vadd.f32 v9, v1;
	[tilespmem:s3+$0xFFFFFF90] =	vst v8  }
0x69: {  	s8 =	simm.s32 $0x0;
	[tilespmem:s3+$0xFFFFFFD8] =	vst v3;
	v9 =	vld [tilespmem:s16+$0xFFFFFFB0]  }
0x6a: {  	v3 =	vadd.f32 v5, v2;
	v8 =	vmov s8;
	v5 =	vld [tilespmem:s16+$0xFFFFFFF0];
	[tilespmem:s3+$0x20] =	vst v1  }
0x6b: {  	[tilespmem:s0+$0x78] =	vst v61;
	v4 =	vadd.f32 v4, v2;
	v1 =	vshrl.u32 v8, $0x3;
	v8 =	vld [tilespmem:s16+$0x30]  }
0x6c: {  	[tilespmem:s0+$0xFFFFFFA0] =	vst v3;
	v3 =	vadd.f32 v6, v2  }
0x6d: {  	[tilespmem:s0+$0xFFFFFFE8] =	vst v4;
	v4 =	vadd.f32 v7, v2  }
0x6e: {  	[tilespmem:s0+$0x30] =	vst v3;
	v3 =	vadd.f32 v9, v2  }
0x6f: {  	v1 =	vshll.u32 v1, $0x3;
	[tilespmem:s3+$0x78] =	vst v4;
	v4 =	vadd.f32 v5, v2  }
0x70: {  	v1 =	vbroadcast v1, $0x0;
	v5 =	vld [tilespmem:$0x1FEF0];
	v2 =	vadd.f32 v8, v2;
	[tilespmem:s3+$0xFFFFFFA0] =	vst v3  }
0x71: {  	v3 =	vld [tilespmem:$0x1FF00];
	[tilespmem:s3+$0xFFFFFFE8] =	vst v4  }
0x72: {  	v6 =	vadd.s32 v0, v1;
	v4 =	vld [tilespmem:$0x1FF10];
	[tilespmem:s3+$0x30] =	vst v2  }
0x73: {  	v8 =	vadd.s32 v23, v1;
	v2 =	vld [tilespmem:$0x1FF20]  }
0x74: {  	v9 =	vadd.s32 v24, v1;
	v7 =	vld [tilespmem:$0x1FF30]  }
0x75: {  	v5 =	vadd.s32 v5, v1  }
0x76: {  	v3 =	vadd.s32 v3, v1  }
0x77: {  	v6 =	vld.idx.msk [tilespmem:v6+s19+$0x0], $0xffff;
	v4 =	vadd.s32 v4, v1  }
0x78: {  	v8 =	vld.idx.msk [tilespmem:v8+s19+$0x0], $0xffff;
	v2 =	vadd.s32 v2, v1  }
0x79: {  	v9 =	vld.idx.msk [tilespmem:v9+s19+$0x0], $0xffff;
	v7 =	vadd.s32 v7, v1  }
0x7a: {  	v5 =	vld.idx.msk [tilespmem:v5+s19+$0x0], $0xffff  }
0x7b: {  	v3 =	vld.idx.msk [tilespmem:v3+s19+$0x0], $0xffff  }
0x7c: {  	v4 =	vld.idx.msk [tilespmem:v4+s19+$0x0], $0xffff  }
0x7d: {  	v2 =	vld.idx.msk [tilespmem:v2+s19+$0x0], $0xffff  }
0x7e: {  	v7 =	vld.idx.msk [tilespmem:v7+s19+$0x0], $0xffff;
	[tilespmem:s31+$0xFFFFFE00] =	vst v6  }
0x7f: {  	[tilespmem:s31+$0xFFFFFE10] =	vst v5  }
0x80: {  	[tilespmem:s31+$0xFFFFFE60] =	vst v8  }
0x81: {  	v5 =	vadd.s32 v28, v1;
	[tilespmem:s31+$0xFFFFFE70] =	vst v9  }
0x82: {  	v6 =	vadd.s32 v29, v1;
	[tilespmem:s31+$0xFFFFFE20] =	vst v3  }
0x83: {  	v8 =	vadd.s32 v31, v1;
	[tilespmem:s31+$0xFFFFFE30] =	vst v4  }
0x84: {  	v9 =	vadd.s32 v32, v1;
	[tilespmem:s31+$0xFFFFFE40] =	vst v2  }
0x85: {  	v3 =	vadd.s32 v25, v1;
	[tilespmem:s31+$0xFFFFFE50] =	vst v7  }
0x86: {  	v4 =	vadd.s32 v27, v1;
	v5 =	vld.idx.msk [tilespmem:v5+s19+$0x0], $0xffff  }
0x87: {  	v2 =	vadd.s32 v26, v1;
	v6 =	vld.idx.msk [tilespmem:v6+s19+$0x0], $0xffff  }
0x88: {  	v7 =	vadd.s32 v30, v1;
	v8 =	vld.idx.msk [tilespmem:v8+s19+$0x0], $0xffff  }
0x89: {  	v9 =	vld.idx.msk [tilespmem:v9+s19+$0x0], $0xffff  }
0x8a: {  	v3 =	vld.idx.msk [tilespmem:v3+s19+$0x0], $0xffff  }
0x8b: {  	v4 =	vld.idx.msk [tilespmem:v4+s19+$0x0], $0xffff  }
0x8c: {  	v2 =	vld.idx.msk [tilespmem:v2+s19+$0x0], $0xffff  }
0x8d: {  	v7 =	vld.idx.msk [tilespmem:v7+s19+$0x0], $0xffff;
	[tilespmem:s31+$0xFFFFFEB0] =	vst v5  }
0x8e: {  	[tilespmem:s31+$0xFFFFFEC0] =	vst v6  }
0x8f: {  	[tilespmem:s31+$0xFFFFFEE0] =	vst v8  }
0x90: {  	v5 =	vadd.s32 v36, v1;
	[tilespmem:s31+$0xFFFFFEF0] =	vst v9  }
0x91: {  	v6 =	vadd.s32 v37, v1;
	[tilespmem:s31+$0xFFFFFE80] =	vst v3  }
0x92: {  	v8 =	vadd.s32 v39, v1;
	[tilespmem:s31+$0xFFFFFEA0] =	vst v4  }
0x93: {  	v9 =	vadd.s32 v40, v1;
	[tilespmem:s31+$0xFFFFFE90] =	vst v2  }
0x94: {  	v3 =	vadd.s32 v34, v1;
	[tilespmem:s31+$0xFFFFFED0] =	vst v7  }
0x95: {  	v4 =	vadd.s32 v35, v1;
	v5 =	vld.idx.msk [tilespmem:v5+s19+$0x0], $0xffff  }
0x96: {  	v2 =	vadd.s32 v33, v1;
	v6 =	vld.idx.msk [tilespmem:v6+s19+$0x0], $0xffff  }
0x97: {  	v7 =	vadd.s32 v38, v1;
	v8 =	vld.idx.msk [tilespmem:v8+s19+$0x0], $0xffff  }
0x98: {  	v9 =	vld.idx.msk [tilespmem:v9+s19+$0x0], $0xffff  }
0x99: {  	v3 =	vld.idx.msk [tilespmem:v3+s19+$0x0], $0xffff  }
0x9a: {  	v4 =	vld.idx.msk [tilespmem:v4+s19+$0x0], $0xffff  }
0x9b: {  	v2 =	vld.idx.msk [tilespmem:v2+s19+$0x0], $0xffff  }
0x9c: {  	v7 =	vld.idx.msk [tilespmem:v7+s19+$0x0], $0xffff;
	[tilespmem:s31+$0xFFFFFF30] =	vst v5  }
0x9d: {  	[tilespmem:s31+$0xFFFFFF40] =	vst v6  }
0x9e: {  	[tilespmem:s31+$0xFFFFFF60] =	vst v8  }
0x9f: {  	v5 =	vadd.s32 v43, v1;
	[tilespmem:s31+$0xFFFFFF70] =	vst v9  }
0xa0: {  	[tilespmem:s31+$0xFFFFFF20] =	vst v4;
	v4 =	vadd.s32 v42, v1  }
0xa1: {  	[tilespmem:s31+$0xFFFFFF00] =	vst v2;
	v2 =	vadd.s32 v41, v1  }
0xa2: {  	[tilespmem:s31+$0xFFFFFF10] =	vst v3  }
0xa3: {  	[tilespmem:s31+$0xFFFFFF50] =	vst v7  }
0xa4: {  	v5 =	vld.idx.msk [tilespmem:v5+s19+$0x0], $0xffff  }
0xa5: {  	v6 =	vadd.s32 v45, v1;
	v8 =	vadd.s32 v47, v1;
	v4 =	vld.idx.msk [tilespmem:v4+s19+$0x0], $0xffff  }
0xa6: {  	s0 =	simm.s32 $0x95A0;
	s3 =	simm.s32 $0x8;
	v9 =	vadd.s32 v48, v1;
	v7 =	vadd.s32 v46, v1;
	v3 =	vld.idx.msk [tilespmem:v2+s19+$0x0], $0xffff;
	v2 =	vadd.s32 v44, v1  }
.LBB2_7:
0xa7: {  	_ =	sdelay $0x3  }
0xa8: {  	v10 =	vld.idx.msk [tilespmem:v2+s19+$0x0], $0xffff  }
0xa9: {  	v2 =	vmov s3;
	v12 =	vld [tilespmem:$0x1FEF0]  }
0xaa: {  	v2 =	vshrl.u32 v2, $0x3  }
0xab: {  	v2 =	vshll.u32 v2, $0x3  }
0xac: {  	v2 =	vbroadcast v2, $0x0;
	_ =	sdelay $0x1  }
0xad: {  	v60 =	vadd.s32 v12, v2;
	v12 =	vld [tilespmem:$0x1FF00]  }
0xae: {  	v6 =	vld.idx.msk [tilespmem:v6+s19+$0x0], $0xffff  }
0xaf: {  	v7 =	vld.idx.msk [tilespmem:v7+s19+$0x0], $0xffff  }
0xb0: {  	v8 =	vld.idx.msk [tilespmem:v8+s19+$0x0], $0xffff  }
0xb1: {  	v9 =	vld.idx.msk [tilespmem:v9+s19+$0x0], $0xffff;
	[tilespmem:s31+$0xFFFFFF80] =	vst v3  }
0xb2: {  	[tilespmem:s31+$0xFFFFFF90] =	vst v4;
	v61 =	vadd.s32 v12, v2;
	v12 =	vld [tilespmem:$0x1FF10]  }
0xb3: {  	[tilespmem:s31+$0xFFFFFFA0] =	vst v5;
	v3 =	vadd.s32 v0, v2  }
0xb4: {  	v4 =	vadd.s32 v49, v1;
	[tilespmem:s31+$0xFFFFFFB0] =	vst v10  }
0xb5: {  	v5 =	vadd.s32 v50, v1;
	[tilespmem:s31+$0xFFFFFFC0] =	vst v6  }
0xb6: {  	[tilespmem:s31+$0xFFFFFFD0] =	vst v7;
	v6 =	vadd.s32 v51, v1  }
0xb7: {  	[tilespmem:s31+$0xFFFFFFE0] =	vst v8;
	v62 =	vadd.s32 v12, v2;
	v12 =	vld [tilespmem:$0x1FF20]  }
0xb8: {  	v7 =	vadd.s32 v52, v1;
	v3 =	vld.idx.msk [tilespmem:v3+s19+$0x0], $0xffff;
	[tilespmem:s31+$0xFFFFFFF0] =	vst v9  }
0xb9: {  	v8 =	vadd.s32 v53, v1;
	v4 =	vld.idx.msk [tilespmem:v4+s19+$0x0], $0xffff  }
0xba: {  	v10 =	vadd.s32 v55, v1;
	v5 =	vld.idx.msk [tilespmem:v5+s19+$0x0], $0xffff  }
0xbb: {  	v11 =	vadd.s32 v56, v1;
	v6 =	vld.idx.msk [tilespmem:v6+s19+$0x0], $0xffff  }
0xbc: {  	v9 =	vadd.s32 v54, v1;
	v63 =	vadd.s32 v12, v2;
	v12 =	vld [tilespmem:$0x1FF30]  }
0xbd: {  	v7 =	vld.idx.msk [tilespmem:v7+s19+$0x0], $0xffff  }
0xbe: {  	v8 =	vld.idx.msk [tilespmem:v8+s19+$0x0], $0xffff  }
0xbf: {  	v10 =	vld.idx.msk [tilespmem:v10+s19+$0x0], $0xffff  }
0xc0: {  	v11 =	vld.idx.msk [tilespmem:v11+s19+$0x0], $0xffff  }
0xc1: {  	v9 =	vld.idx.msk [tilespmem:v9+s19+$0x0], $0xffff;
	[tilespmem:s31+$0x0] =	vst v4;
	v12 =	vadd.s32 v12, v2  }
0xc2: {  	v4 =	vld.idx.msk [tilespmem:v60+s19+$0x0], $0xffff;
	v60 =	vadd.s32 v23, v2;
	[tilespmem:s31+$0x10] =	vst v5  }
0xc3: {  	v5 =	vld.idx.msk [tilespmem:v61+s19+$0x0], $0xffff;
	v61 =	vadd.s32 v24, v2;
	[tilespmem:s31+$0x20] =	vst v6  }
0xc4: {  	v6 =	vld.idx.msk [tilespmem:v62+s19+$0x0], $0xffff;
	[tilespmem:s31+$0x30] =	vst v7;
	v7 =	vadd.s32 v57, v1  }
0xc5: {  	v62 =	vld.idx.msk [tilespmem:v63+s19+$0x0], $0xffff;
	[tilespmem:s31+$0x40] =	vst v8;
	v8 =	vadd.s32 v58, v1  }
0xc6: {  	v63 =	vadd.s32 v14, v1;
	v12 =	vld.idx.msk [tilespmem:v12+s19+$0x0], $0xffff;
	[tilespmem:s31+$0x50] =	vst v9  }
0xc7: {  	v9 =	vadd.s32 v59, v1;
	v60 =	vld.idx.msk [tilespmem:v60+s19+$0x0], $0xffff;
	[tilespmem:s31+$0x60] =	vst v10  }
0xc8: {  	v10 =	vadd.s32 v17, v1;
	v61 =	vld.idx.msk [tilespmem:v61+s19+$0x0], $0xffff;
	[tilespmem:s31+$0x70] =	vst v11  }
0xc9: {  	v11 =	vadd.s32 v13, v1;
	v7 =	vld.idx.msk [tilespmem:v7+s19+$0x0], $0xffff  }
0xca: {  	v18 =	vmov v13;
	v13 =	vadd.s32 v15, v1;
	v8 =	vld.idx.msk [tilespmem:v8+s19+$0x0], $0xffff  }
0xcb: {  	v19 =	vmov v14;
	v14 =	vadd.s32 v16, v1;
	v63 =	vld.idx.msk [tilespmem:v63+s19+$0x0], $0xffff  }
0xcc: {  	v9 =	vld.idx.msk [tilespmem:v9+s19+$0x0], $0xffff  }
0xcd: {  	s31 =	sadd.s32 $0x400, s31;
	v10 =	vld.idx.msk [tilespmem:v10+s19+$0x0], $0xffff  }
0xce: {  	v11 =	vld.idx.msk [tilespmem:v11+s19+$0x0], $0xffff;
	[tilespmem:s31+$0xFFFFFE00] =	vst v3  }
0xcf: {  	v3 =	vld.idx.msk [tilespmem:v13+s19+$0x0], $0xffff  }
0xd0: {  	v13 =	vld.idx.msk [tilespmem:v14+s19+$0x0], $0xffff  }
0xd1: {  	[tilespmem:s0+$0x80] =	vst v7;
	v7 =	vld [tilespmem:$0x1FF40];
	_ =	sdelay $0x1  }
0xd2: {  	[tilespmem:s0+$0x90] =	vst v8;
	v8 =	vld [tilespmem:$0x1FF50]  }
0xd3: {  	[tilespmem:s0+$0xD0] =	vst v63  }
0xd4: {  	[tilespmem:s0+$0xA0] =	vst v9;
	v9 =	vld [tilespmem:$0x1FF60]  }
0xd5: {  	[tilespmem:s31+$0xFFFFFE10] =	vst v4;
	v7 =	vadd.s32 v7, v1  }
0xd6: {  	[tilespmem:s0+$0xB0] =	vst v10  }
0xd7: {  	[tilespmem:s0+$0xC0] =	vst v11;
	v8 =	vadd.s32 v8, v1  }
0xd8: {  	v10 =	vld [tilespmem:$0x1FF80];
	[tilespmem:s0+$0xE0] =	vst v3  }
0xd9: {  	v3 =	vld [tilespmem:$0x1FF70];
	[tilespmem:s0+$0xF0] =	vst v13;
	v9 =	vadd.s32 v9, v1  }
0xda: {  	v4 =	vld.idx.msk [tilespmem:v7+s19+$0x0], $0xffff  }
0xdb: {  	v7 =	vld [tilespmem:$0x1FF90];
	[tilespmem:s31+$0xFFFFFE20] =	vst v5  }
0xdc: {  	v5 =	vld.idx.msk [tilespmem:v8+s19+$0x0], $0xffff  }
0xdd: {  	v8 =	vld [tilespmem:$0x1FFA0];
	[tilespmem:s31+$0xFFFFFE30] =	vst v6  }
0xde: {  	v6 =	vld.idx.msk [tilespmem:v9+s19+$0x0], $0xffff  }
0xdf: {  	v9 =	vld [tilespmem:$0x1FFB0]  }
0xe0: {  	v3 =	vadd.s32 v3, v1  }
0xe1: {  	v10 =	vadd.s32 v10, v1  }
0xe2: {  	v7 =	vadd.s32 v7, v1  }
0xe3: {  	v8 =	vadd.s32 v8, v1  }
0xe4: {  	[tilespmem:s31+$0xFFFFFE40] =	vst v62;
	v9 =	vadd.s32 v9, v1  }
0xe5: {  	v11 =	vadd.s32 v25, v2;
	v3 =	vld.idx.msk [tilespmem:v3+s19+$0x0], $0xffff;
	[tilespmem:s31+$0xFFFFFE50] =	vst v12  }
0xe6: {  	v12 =	vadd.s32 v26, v2;
	v10 =	vld.idx.msk [tilespmem:v10+s19+$0x0], $0xffff;
	[tilespmem:s31+$0xFFFFFE60] =	vst v60  }
0xe7: {  	v13 =	vadd.s32 v27, v2;
	v7 =	vld.idx.msk [tilespmem:v7+s19+$0x0], $0xffff;
	[tilespmem:s31+$0xFFFFFE70] =	vst v61  }
0xe8: {  	v8 =	vld.idx.msk [tilespmem:v8+s19+$0x0], $0xffff  }
0xe9: {  	v14 =	vadd.s32 v28, v2;
	v9 =	vld.idx.msk [tilespmem:v9+s19+$0x0], $0xffff;
	[tilespmem:s0+$0x100] =	vst v4  }
0xea: {  	v61 =	vadd.s32 v29, v2;
	v4 =	vld.idx.msk [tilespmem:v11+s19+$0x0], $0xffff;
	[tilespmem:s0+$0x110] =	vst v5  }
0xeb: {  	v5 =	vld.idx.msk [tilespmem:v12+s19+$0x0], $0xffff;
	[tilespmem:s0+$0x120] =	vst v6  }
0xec: {  	v11 =	vadd.s32 v30, v2;
	v6 =	vld.idx.msk [tilespmem:v13+s19+$0x0], $0xffff  }
0xed: {  	[tilespmem:s0+$0x130] =	vst v3;
	v3 =	vld [tilespmem:$0x1FFC0]  }
0xee: {  	v12 =	vadd.s32 v31, v2;
	v13 =	vld.idx.msk [tilespmem:v14+s19+$0x0], $0xffff;
	[tilespmem:s0+$0x140] =	vst v10  }
0xef: {  	v14 =	vld.idx.msk [tilespmem:v61+s19+$0x0], $0xffff  }
0xf0: {  	[tilespmem:s0+$0x150] =	vst v7;
	v7 =	vld [tilespmem:$0x1FFD0]  }
0xf1: {  	v22 =	vadd.s32 $0x1207, v0;
	v11 =	vld.idx.msk [tilespmem:v11+s19+$0x0], $0xffff  }
0xf2: {  	v62 =	vadd.s32 $0x1687, v0;
	v60 =	vmov v15;
	v15 =	vadd.s32 v22, v1;
	[tilespmem:s0+$0x160] =	vst v8;
	v8 =	vld [tilespmem:$0x1FFE0]  }
0xf3: {  	v21 =	vadd.s32 $0x1F87, v0;
	v20 =	vmov v16;
	v16 =	vadd.s32 v62, v1;
	v12 =	vld.idx.msk [tilespmem:v12+s19+$0x0], $0xffff  }
0xf4: {  	v63 =	vadd.s32 $0x1B07, v0;
	v10 =	vadd.s32 v21, v1;
	[tilespmem:s0+$0x170] =	vst v9;
	v9 =	vld [tilespmem:$0x1FFF0]  }
0xf5: {  	v61 =	vmov v17;
	v17 =	vadd.s32 v63, v1  }
0xf6: {  	v3 =	vadd.s32 v3, v1  }
0xf7: {  	v15 =	vld.idx.msk [tilespmem:v15+s19+$0x0], $0xffff;
	v7 =	vadd.s32 v7, v1  }
0xf8: {  	v16 =	vld.idx.msk [tilespmem:v16+s19+$0x0], $0xffff;
	v8 =	vadd.s32 v8, v1  }
0xf9: {  	v10 =	vld.idx.msk [tilespmem:v10+s19+$0x0], $0xffff;
	v9 =	vadd.s32 v9, v1;
	v1 =	vmov v2  }
0xfa: {  	v17 =	vld.idx.msk [tilespmem:v17+s19+$0x0], $0xffff;
	v2 =	vadd.s32 v32, v1  }
0xfb: {  	v3 =	vld.idx.msk [tilespmem:v3+s19+$0x0], $0xffff  }
0xfc: {  	v7 =	vld.idx.msk [tilespmem:v7+s19+$0x0], $0xffff  }
0xfd: {  	v8 =	vld.idx.msk [tilespmem:v8+s19+$0x0], $0xffff  }
0xfe: {  	v9 =	vld.idx.msk [tilespmem:v9+s19+$0x0], $0xffff;
	[tilespmem:s0+$0x1F0] =	vst v10  }
0xff: {  	v2 =	vld.idx.msk [tilespmem:v2+s19+$0x0], $0xffff;
	[tilespmem:s31+$0xFFFFFE80] =	vst v4  }
0x100: {  	[tilespmem:s31+$0xFFFFFE90] =	vst v5  }
0x101: {  	[tilespmem:s31+$0xFFFFFEA0] =	vst v6  }
0x102: {  	[tilespmem:s31+$0xFFFFFEB0] =	vst v13;
	v4 =	vadd.s32 v33, v1  }
0x103: {  	[tilespmem:s31+$0xFFFFFEC0] =	vst v14;
	v5 =	vadd.s32 v34, v1  }
0x104: {  	[tilespmem:s31+$0xFFFFFED0] =	vst v11;
	v6 =	vadd.s32 v35, v1  }
0x105: {  	v10 =	vadd.s32 v36, v1;
	[tilespmem:s31+$0xFFFFFEE0] =	vst v12  }
0x106: {  	[tilespmem:s31+$0xFFFFFEF0] =	vst v2;
	v2 =	vadd.s32 v37, v1  }
0x107: {  	v11 =	vadd.s32 v38, v1;
	v4 =	vld.idx.msk [tilespmem:v4+s19+$0x0], $0xffff;
	[tilespmem:s0+$0x180] =	vst v3  }
0x108: {  	v3 =	vld.idx.msk [tilespmem:v5+s19+$0x0], $0xffff;
	v5 =	vadd.s32 v39, v1;
	[tilespmem:s0+$0x190] =	vst v7  }
0x109: {  	v7 =	vadd.s32 v40, v1;
	v6 =	vld.idx.msk [tilespmem:v6+s19+$0x0], $0xffff;
	[tilespmem:s0+$0x1A0] =	vst v8  }
0x10a: {  	v8 =	vld.idx.msk [tilespmem:v10+s19+$0x0], $0xffff;
	[tilespmem:s0+$0x1B0] =	vst v9  }
0x10b: {  	v2 =	vld.idx.msk [tilespmem:v2+s19+$0x0], $0xffff;
	[tilespmem:s0+$0x1C0] =	vst v15  }
0x10c: {  	v9 =	vld.idx.msk [tilespmem:v11+s19+$0x0], $0xffff;
	[tilespmem:s0+$0x1D0] =	vst v16  }
0x10d: {  	v5 =	vld.idx.msk [tilespmem:v5+s19+$0x0], $0xffff;
	[tilespmem:s0+$0x1E0] =	vst v17  }
0x10e: {  	v7 =	vld.idx.msk [tilespmem:v7+s19+$0x0], $0xffff;
	[tilespmem:s31+$0xFFFFFF00] =	vst v4  }
0x10f: {  	[tilespmem:s31+$0xFFFFFF10] =	vst v3  }
0x110: {  	[tilespmem:s31+$0xFFFFFF20] =	vst v6  }
0x111: {  	v3 =	vadd.s32 v41, v1;
	[tilespmem:s31+$0xFFFFFF30] =	vst v8  }
0x112: {  	v4 =	vadd.s32 v42, v1;
	[tilespmem:s31+$0xFFFFFF40] =	vst v2  }
0x113: {  	p0 =	sne.s32 s3, $0x38;
	[tilespmem:s31+$0xFFFFFF50] =	vst v9;
	v9 =	vadd.s32 v43, v1  }
.Ltmp2:
0x114: {  	[tilespmem:s31+$0xFFFFFF60] =	vst v5;
	(pc) =	sbr.rel @p0 .LBB2_7-.Ltmp2, $4  }
0x115: {  	[tilespmem:s31+$0xFFFFFF70] =	vst v7  }
0x116: {  	v13 =	vmov v18;
	v14 =	vmov v19;
	v15 =	vmov v60;
	v3 =	vld.idx.msk [tilespmem:v3+s19+$0x0], $0xffff  }
0x117: {  	v16 =	vmovc v20;
	v17 =	vmov v61;
	v6 =	vadd.s32 v45, v1;
	v8 =	vadd.s32 v47, v1;
	v4 =	vld.idx.msk [tilespmem:v4+s19+$0x0], $0xffff  }
0x118: {  	s3 =	sadd.s32 $0x8, s3;
	s0 =	smov.u32 s31;
	v2 =	vadd.s32 v44, v1;
	v7 =	vadd.s32 v46, v1;
	v5 =	vld.idx.msk [tilespmem:v9+s19+$0x0], $0xffff;
	v9 =	vadd.s32 v48, v1  }
0x119: {  	_ =	sdelay $0x3  }
0x11a: {  	v2 =	vld.idx.msk [tilespmem:v2+s19+$0x0], $0xffff  }
0x11b: {  	v6 =	vld.idx.msk [tilespmem:v6+s19+$0x0], $0xffff  }
0x11c: {  	v7 =	vld.idx.msk [tilespmem:v7+s19+$0x0], $0xffff  }
0x11d: {  	v8 =	vld.idx.msk [tilespmem:v8+s19+$0x0], $0xffff  }
0x11e: {  	v9 =	vld.idx.msk [tilespmem:v9+s19+$0x0], $0xffff;
	[tilespmem:s31+$0xFFFFFF80] =	vst v3  }
0x11f: {  	[tilespmem:s31+$0xFFFFFF90] =	vst v4  }
0x120: {  	[tilespmem:s31+$0xFFFFFFA0] =	vst v5  }
0x121: {  	v3 =	vadd.s32 v50, v1;
	[tilespmem:s31+$0xFFFFFFB0] =	vst v2  }
0x122: {  	v4 =	vadd.s32 v51, v1;
	[tilespmem:s31+$0xFFFFFFC0] =	vst v6  }
0x123: {  	v5 =	vadd.s32 v52, v1;
	[tilespmem:s31+$0xFFFFFFD0] =	vst v7  }
0x124: {  	v2 =	vadd.s32 v49, v1;
	[tilespmem:s31+$0xFFFFFFE0] =	vst v8  }
0x125: {  	[tilespmem:s31+$0xFFFFFFF0] =	vst v9;
	v6 =	vadd.s32 v53, v1  }
0x126: {  	v7 =	vadd.s32 v54, v1;
	v3 =	vld.idx.msk [tilespmem:v3+s19+$0x0], $0xffff  }
0x127: {  	v8 =	vadd.s32 v55, v1;
	v4 =	vld.idx.msk [tilespmem:v4+s19+$0x0], $0xffff  }
0x128: {  	v9 =	vadd.s32 v56, v1;
	v5 =	vld.idx.msk [tilespmem:v5+s19+$0x0], $0xffff  }
0x129: {  	v2 =	vld.idx.msk [tilespmem:v2+s19+$0x0], $0xffff  }
0x12a: {  	v6 =	vld.idx.msk [tilespmem:v6+s19+$0x0], $0xffff  }
0x12b: {  	v7 =	vld.idx.msk [tilespmem:v7+s19+$0x0], $0xffff  }
0x12c: {  	v8 =	vld.idx.msk [tilespmem:v8+s19+$0x0], $0xffff  }
0x12d: {  	v9 =	vld.idx.msk [tilespmem:v9+s19+$0x0], $0xffff;
	[tilespmem:s31+$0x10] =	vst v3  }
0x12e: {  	[tilespmem:s31+$0x20] =	vst v4  }
0x12f: {  	[tilespmem:s31+$0x30] =	vst v5  }
0x130: {  	v3 =	vadd.s32 v58, v1;
	[tilespmem:s31+$0x0] =	vst v2  }
0x131: {  	v4 =	vadd.s32 v59, v1;
	[tilespmem:s31+$0x40] =	vst v6  }
0x132: {  	v5 =	vadd.s32 v17, v1;
	[tilespmem:s31+$0x50] =	vst v7  }
0x133: {  	v2 =	vadd.s32 v57, v1;
	[tilespmem:s31+$0x60] =	vst v8  }
0x134: {  	[tilespmem:s31+$0x70] =	vst v9;
	v6 =	vadd.s32 v13, v1  }
0x135: {  	v7 =	vadd.s32 v14, v1;
	v3 =	vld.idx.msk [tilespmem:v3+s19+$0x0], $0xffff  }
0x136: {  	v8 =	vadd.s32 v15, v1;
	v4 =	vld.idx.msk [tilespmem:v4+s19+$0x0], $0xffff  }
0x137: {  	v9 =	vadd.s32 v16, v1;
	v5 =	vld.idx.msk [tilespmem:v5+s19+$0x0], $0xffff  }
0x138: {  	v2 =	vld.idx.msk [tilespmem:v2+s19+$0x0], $0xffff  }
0x139: {  	v6 =	vld.idx.msk [tilespmem:v6+s19+$0x0], $0xffff  }
0x13a: {  	v7 =	vld.idx.msk [tilespmem:v7+s19+$0x0], $0xffff  }
0x13b: {  	v8 =	vld.idx.msk [tilespmem:v8+s19+$0x0], $0xffff  }
0x13c: {  	v9 =	vld.idx.msk [tilespmem:v9+s19+$0x0], $0xffff;
	[tilespmem:s0+$0x90] =	vst v3  }
0x13d: {  	[tilespmem:s0+$0xA0] =	vst v4  }
0x13e: {  	[tilespmem:s0+$0xB0] =	vst v5  }
0x13f: {  	[tilespmem:s0+$0x80] =	vst v2  }
0x140: {  	v2 =	vld [tilespmem:$0x1FF40];
	[tilespmem:s0+$0xC0] =	vst v6  }
0x141: {  	v3 =	vld [tilespmem:$0x1FF50];
	[tilespmem:s0+$0xD0] =	vst v7  }
0x142: {  	v4 =	vld [tilespmem:$0x1FF60];
	[tilespmem:s0+$0xE0] =	vst v8  }
0x143: {  	v5 =	vld [tilespmem:$0x1FF70];
	[tilespmem:s0+$0xF0] =	vst v9  }
0x144: {  	v6 =	vld [tilespmem:$0x1FF80]  }
0x145: {  	v7 =	vld [tilespmem:$0x1FF90];
	v2 =	vadd.s32 v2, v1  }
0x146: {  	v8 =	vld [tilespmem:$0x1FFA0];
	v3 =	vadd.s32 v3, v1  }
0x147: {  	v9 =	vld [tilespmem:$0x1FFB0];
	v4 =	vadd.s32 v4, v1  }
0x148: {  	v5 =	vadd.s32 v5, v1  }
0x149: {  	v6 =	vadd.s32 v6, v1  }
0x14a: {  	v7 =	vadd.s32 v7, v1;
	v2 =	vld.idx.msk [tilespmem:v2+s19+$0x0], $0xffff  }
0x14b: {  	v8 =	vadd.s32 v8, v1;
	v3 =	vld.idx.msk [tilespmem:v3+s19+$0x0], $0xffff  }
0x14c: {  	v9 =	vadd.s32 v9, v1;
	v4 =	vld.idx.msk [tilespmem:v4+s19+$0x0], $0xffff  }
0x14d: {  	v5 =	vld.idx.msk [tilespmem:v5+s19+$0x0], $0xffff  }
0x14e: {  	v6 =	vld.idx.msk [tilespmem:v6+s19+$0x0], $0xffff  }
0x14f: {  	v7 =	vld.idx.msk [tilespmem:v7+s19+$0x0], $0xffff  }
0x150: {  	v8 =	vld.idx.msk [tilespmem:v8+s19+$0x0], $0xffff  }
0x151: {  	v9 =	vld.idx.msk [tilespmem:v9+s19+$0x0], $0xffff;
	[tilespmem:s0+$0x100] =	vst v2  }
0x152: {  	[tilespmem:s0+$0x110] =	vst v3  }
0x153: {  	[tilespmem:s0+$0x120] =	vst v4  }
0x154: {  	[tilespmem:s0+$0x130] =	vst v5  }
0x155: {  	v2 =	vld [tilespmem:$0x1FFC0];
	[tilespmem:s0+$0x140] =	vst v6  }
0x156: {  	[tilespmem:s0+$0x150] =	vst v7  }
0x157: {  	v4 =	vld [tilespmem:$0x1FFD0];
	[tilespmem:s0+$0x160] =	vst v8  }
0x158: {  	v3 =	vadd.s32 v21, v1;
	v5 =	vld [tilespmem:$0x1FFE0];
	[tilespmem:s0+$0x170] =	vst v9  }
0x159: {  	v7 =	vadd.s32 v22, v1;
	v6 =	vld [tilespmem:$0x1FFF0]  }
0x15a: {  	v8 =	vadd.s32 v62, v1  }
0x15b: {  	v2 =	vadd.s32 v2, v1  }
0x15c: {  	v4 =	vadd.s32 v4, v1  }
0x15d: {  	v3 =	vld.idx.msk [tilespmem:v3+s19+$0x0], $0xffff;
	v5 =	vadd.s32 v5, v1  }
0x15e: {  	v7 =	vld.idx.msk [tilespmem:v7+s19+$0x0], $0xffff;
	v6 =	vadd.s32 v6, v1  }
0x15f: {  	v8 =	vld.idx.msk [tilespmem:v8+s19+$0x0], $0xffff;
	v1 =	vadd.s32 v63, v1  }
0x160: {  	v2 =	vld.idx.msk [tilespmem:v2+s19+$0x0], $0xffff  }
0x161: {  	v4 =	vld.idx.msk [tilespmem:v4+s19+$0x0], $0xffff  }
0x162: {  	v5 =	vld.idx.msk [tilespmem:v5+s19+$0x0], $0xffff  }
0x163: {  	v6 =	vld.idx.msk [tilespmem:v6+s19+$0x0], $0xffff  }
0x164: {  	v1 =	vld.idx.msk [tilespmem:v1+s19+$0x0], $0xffff;
	[tilespmem:s0+$0x1F0] =	vst v3  }
0x165: {  	[tilespmem:s0+$0x1C0] =	vst v7  }
0x166: {  	[tilespmem:s0+$0x1D0] =	vst v8  }
0x167: {  	s3 =	sadd.s32 s6, s30;
	[tilespmem:s0+$0x180] =	vst v2  }
0x168: {  	s3 =	sshll.u32 s3, $0x10;
	[tilespmem:s0+$0x190] =	vst v4  }
0x169: {  	s3 =	sor.u32 s5, s3;
	[tilespmem:s0+$0x1A0] =	vst v5  }
0x16a: {  	p0 =	seq.s32 s28, $0x18;
	s3 =	sshrl.u32 s3, $0x3;
	[tilespmem:s0+$0x1B0] =	vst v6  }
0x16b: {  	s16 =	sadd.s32 s1, s3;
	[tilespmem:s0+$0x1E0] =	vst v1;
	s0 =	simm.s32 @!p0 $0x3  }
0x16c: {  	[hbm4b:s16+s13] =	stream.strided.scatter [tilespmem:s21], [sflag:$0x3], $0x2000, s20, s13, $0x38;
	[tilespmem:$0xD3A0] =	vst v63  }
0x16d: {  	_ =	swait.ge @!p0 [sflag:s0], $0x2000  }
0x16e: {  	s3 =	sadd.s32 @!p0 s30, s11;
	[sflag:s0] =	ssyncset.done @!p0 $0x0  }
0x16f: {  	[sflag:s0] =	ssyncadd.s32 @!p0 $0xFFFFE000;
	s0 =	sshll.u32 @!p0 s3, $0x7  }
0x170: {  	s8 =	simm.s32 @!p0 $0x2FA0;
	s3 =	simm.s32 @!p0 $0x80;
	s0 =	sand.u32 @!p0 $0x7F00, s0  }
0x171: {  	[tilespmem:s8], [sflag:$0x1] =	stream.indirect.gather @!p0 [hbm4b:s4+s3], $0x40, s0, s3, $0xb8;
	[tilespmem:$0xD3A0] =	vst v63  }
0x172: {  	s30 =	smul.u32 $0x140, s29;
	_ =	swait.ge [sflag:s22], $0x2000  }
0x173: {  	[sflag:s22] =	ssyncset.done $0x0  }
0x174: {  	s0 =	sshra.s32 s30, $0x2;
	[sflag:s22] =	ssyncadd.s32 $0xFFFFE000  }
0x175: {  	s31 =	simm.s32 $0x5090;
	v3 =	vld [tilespmem:s0+$0x2000]  }
0x176: {  	v5 =	vld [tilespmem:s31+$0xFFFFFFD0]  }
0x177: {  	v4 =	vld [tilespmem:s0+$0x2010]  }
0x178: {  	v1 =	vld [tilespmem:s0+$0x2020]  }
0x179: {  	v2 =	vld [tilespmem:s0+$0x2030]  }
0x17a: {  	v6 =	vld [tilespmem:s31+$0xFFFFFF10]  }
0x17b: {  	v7 =	vld [tilespmem:s31+$0xFFFFFF50];
	v5 =	vadd.f32 v5, v3  }
0x17c: {  	s0 =	simm.s32 $0x7030;
	v8 =	vld [tilespmem:s31+$0xFFFFFF90]  }
0x17d: {  	[tilespmem:s0+$0x48] =	vst v5  }
0x17e: {  	v5 =	vld [tilespmem:s31+$0xFFFFFFE0]  }
0x17f: {  	v6 =	vadd.f32 v6, v3  }
0x180: {  	v7 =	vadd.f32 v7, v3  }
0x181: {  	v8 =	vadd.f32 v8, v3;
	[tilespmem:s0+$0xFFFFFF70] =	vst v6  }
0x182: {  	[tilespmem:s0+$0xFFFFFFB8] =	vst v7;
	v6 =	vld [tilespmem:s31+$0xFFFFFF20]  }
0x183: {  	[tilespmem:s0+$0x0] =	vst v8;
	v7 =	vld [tilespmem:s31+$0xFFFFFF60];
	v5 =	vadd.f32 v5, v4  }
0x184: {  	s16 =	simm.s32 $0x5190;
	v8 =	vld [tilespmem:s31+$0xFFFFFFA0]  }
0x185: {  	[tilespmem:s0+$0x58] =	vst v5;
	v5 =	vld [tilespmem:s16+$0xFFFFFFD0]  }
0x186: {  	v9 =	vld [tilespmem:s31+$0xFFFFFFF0]  }
0x187: {  	v10 =	vld [tilespmem:s16+$0xFFFFFF50];
	v6 =	vadd.f32 v6, v4  }
0x188: {  	v11 =	vld [tilespmem:s16+$0xFFFFFF90];
	v7 =	vadd.f32 v7, v4  }
0x189: {  	v8 =	vadd.f32 v8, v4;
	[tilespmem:s0+$0xFFFFFF80] =	vst v6;
	v6 =	vld [tilespmem:s16+$0xFFFFFF10]  }
0x18a: {  	[tilespmem:s0+$0xFFFFFFC8] =	vst v7;
	v7 =	vld [tilespmem:s31+$0xFFFFFF30];
	v5 =	vadd.f32 v5, v3  }
0x18b: {  	s3 =	simm.s32 $0x7150;
	[tilespmem:s0+$0x10] =	vst v8;
	v12 =	vld [tilespmem:s31+$0xFFFFFF70];
	v8 =	vadd.f32 v9, v1  }
0x18c: {  	v9 =	vadd.f32 v10, v3;
	[tilespmem:s3+$0x48] =	vst v5;
	v5 =	vld [tilespmem:s31+$0xFFFFFFB0]  }
0x18d: {  	v10 =	vadd.f32 v11, v3;
	v11 =	vld [tilespmem:s16+$0xFFFFFFE0];
	[tilespmem:s0+$0x68] =	vst v8  }
0x18e: {  	v6 =	vadd.f32 v6, v3;
	[tilespmem:s3+$0xFFFFFFB8] =	vst v9;
	v9 =	vld [tilespmem:s31+$0x0]  }
0x18f: {  	v7 =	vadd.f32 v7, v1;
	[tilespmem:s3+$0x0] =	vst v10;
	v13 =	vld [tilespmem:s16+$0xFFFFFF60]  }
0x190: {  	v12 =	vadd.f32 v12, v1;
	[tilespmem:s3+$0xFFFFFF70] =	vst v6;
	v8 =	vld [tilespmem:s16+$0xFFFFFFA0]  }
0x191: {  	v10 =	vld [tilespmem:s16+$0xFFFFFF20];
	[tilespmem:s0+$0xFFFFFF90] =	vst v7;
	v7 =	vadd.f32 v5, v1  }
0x192: {  	[tilespmem:s0+$0xFFFFFFD8] =	vst v12;
	v6 =	vld [tilespmem:s31+$0xFFFFFF40];
	v14 =	vadd.f32 v11, v4  }
0x193: {  	v5 =	vld [tilespmem:s31+$0xFFFFFF80];
	[tilespmem:s0+$0x20] =	vst v7;
	v9 =	vadd.f32 v9, v2  }
0x194: {  	s10 =	simm.s32 $0x5290;
	v15 =	vmov v21;
	v16 =	vmov v22;
	s8 =	simm.s32 $0x4;
	v11 =	vadd.f32 v13, v4;
	[tilespmem:s3+$0x58] =	vst v14;
	v7 =	vld [tilespmem:s31+$0xFFFFFFC0]  }
.LBB2_9:
0x195: {  	v12 =	vld [tilespmem:s10+$0xFFFFFFD0];
	v8 =	vadd.f32 v8, v4;
	[tilespmem:s0+$0x78] =	vst v9;
	s30 =	simm.s32 $0xB790  }
0x196: {  	s8 =	sadd.s32 $0x4, s8;
	v9 =	vadd.f32 v10, v4;
	[tilespmem:s3+$0xFFFFFFC8] =	vst v11;
	v10 =	vld [tilespmem:s16+$0xFFFFFFF0]  }
0x197: {  	p0 =	slt.u32 s8, $0x7C;
	v11 =	vld [tilespmem:s10+$0xFFFFFF50];
	[tilespmem:s3+$0x10] =	vst v8;
	v6 =	vadd.f32 v6, v2  }
0x198: {  	v8 =	vld [tilespmem:s10+$0xFFFFFF90];
	[tilespmem:s3+$0xFFFFFF80] =	vst v9;
	v5 =	vadd.f32 v5, v2  }
0x199: {  	v9 =	vld [tilespmem:s10+$0xFFFFFF10];
	[tilespmem:s0+$0xFFFFFFA0] =	vst v6;
	v6 =	vadd.f32 v7, v2  }
0x19a: {  	v7 =	vadd.f32 v12, v3;
	v12 =	vld [tilespmem:s16+$0xFFFFFF30];
	[tilespmem:s0+$0xFFFFFFE8] =	vst v5  }
0x19b: {  	v5 =	vld [tilespmem:s16+$0xFFFFFF70];
	v10 =	vadd.f32 v10, v1;
	[tilespmem:s0+$0x30] =	vst v6;
	s0 =	smov.u32 s3;
	s3 =	sadd.s32 $0x120, s3  }
0x19c: {  	v6 =	vadd.f32 v11, v3;
	[tilespmem:s3+$0x48] =	vst v7;
	v7 =	vld [tilespmem:s16+$0xFFFFFFB0]  }
0x19d: {  	v8 =	vadd.f32 v8, v3;
	v11 =	vld [tilespmem:s10+$0xFFFFFFE0];
	[tilespmem:s0+$0x68] =	vst v10  }
0x19e: {  	v9 =	vadd.f32 v9, v3;
	[tilespmem:s3+$0xFFFFFFB8] =	vst v6;
	v13 =	vld [tilespmem:s16+$0x0]  }
0x19f: {  	v14 =	vld [tilespmem:s10+$0xFFFFFF60];
	[tilespmem:s3+$0x0] =	vst v8;
	v6 =	vadd.f32 v12, v1  }
.Ltmp3:
0x1a0: {  	[tilespmem:s3+$0xFFFFFF70] =	vst v9;
	v8 =	vld [tilespmem:s10+$0xFFFFFFA0];
	v5 =	vadd.f32 v5, v1;
	(pc) =	sbr.rel @p0 .LBB2_9-.Ltmp3, $4  }
0x1a1: {  	v10 =	vld [tilespmem:s10+$0xFFFFFF20];
	[tilespmem:s0+$0xFFFFFF90] =	vst v6;
	v7 =	vadd.f32 v7, v1  }
0x1a2: {  	v12 =	vadd.f32 v11, v4;
	v6 =	vld [tilespmem:s16+$0xFFFFFF40];
	[tilespmem:s0+$0xFFFFFFD8] =	vst v5  }
0x1a3: {  	v5 =	vld [tilespmem:s16+$0xFFFFFF80];
	[tilespmem:s0+$0x20] =	vst v7;
	v9 =	vadd.f32 v13, v2  }
0x1a4: {  	v11 =	vadd.f32 v14, v4;
	[tilespmem:s3+$0x58] =	vst v12;
	v7 =	vld [tilespmem:s16+$0xFFFFFFC0];
	s16 =	smov.u32 s10;
	s10 =	sadd.s32 $0x100, s10  }
0x1a5: {  	_ = 	snop  }
0x1a6: {  	v3 =	vadd.f32 v10, v4;
	_ =	sdelay $0x1  }
0x1a7: {  	v4 =	vadd.f32 v8, v4;
	v8 =	vld [tilespmem:s16+$0xFFFFFFF0];
	[tilespmem:s3+$0xFFFFFF80] =	vst v3  }
0x1a8: {  	[tilespmem:s3+$0xFFFFFFC8] =	vst v11;
	v3 =	vld [tilespmem:s16+$0xFFFFFF30]  }
0x1a9: {  	[tilespmem:s3+$0x10] =	vst v4;
	v4 =	vld [tilespmem:s16+$0xFFFFFF70]  }
0x1aa: {  	v10 =	vld [tilespmem:s16+$0xFFFFFFB0];
	_ =	sdelay $0x1  }
0x1ab: {  	v8 =	vadd.f32 v8, v1  }
0x1ac: {  	v3 =	vadd.f32 v3, v1  }
0x1ad: {  	[tilespmem:s3+$0x68] =	vst v8;
	v4 =	vadd.f32 v4, v1  }
0x1ae: {  	v8 =	vld [tilespmem:s16+$0x0];
	v1 =	vadd.f32 v10, v1;
	[tilespmem:s3+$0xFFFFFF90] =	vst v3  }
0x1af: {  	s8 =	simm.s32 $0x0;
	[tilespmem:s3+$0xFFFFFFD8] =	vst v4;
	v10 =	vld [tilespmem:s16+$0xFFFFFF40]  }
0x1b0: {  	v4 =	vadd.f32 v6, v2;
	v3 =	vmov s8;
	v6 =	vld [tilespmem:s16+$0xFFFFFF80];
	[tilespmem:s3+$0x20] =	vst v1  }
0x1b1: {  	[tilespmem:s0+$0x78] =	vst v9;
	v1 =	vshrl.u32 v3, $0x3;
	v3 =	vadd.f32 v5, v2;
	v5 =	vld [tilespmem:s16+$0xFFFFFFC0]  }
0x1b2: {  	[tilespmem:s0+$0xFFFFFFA0] =	vst v4;
	v4 =	vadd.f32 v7, v2;
	v1 =	vshll.u32 v1, $0x3  }
0x1b3: {  	v1 =	vbroadcast v1, $0x0;
	[tilespmem:s0+$0xFFFFFFE8] =	vst v3;
	v3 =	vadd.f32 v8, v2  }
0x1b4: {  	[tilespmem:s0+$0x30] =	vst v4;
	v4 =	vadd.f32 v10, v2  }
0x1b5: {  	v7 =	vadd.s32 v0, v1;
	[tilespmem:s3+$0x78] =	vst v3;
	v3 =	vadd.f32 v6, v2  }
0x1b6: {  	v6 =	vld [tilespmem:$0x1FEF0];
	v2 =	vadd.f32 v5, v2;
	[tilespmem:s3+$0xFFFFFFA0] =	vst v4  }
0x1b7: {  	v4 =	vld [tilespmem:$0x1FF00];
	[tilespmem:s3+$0xFFFFFFE8] =	vst v3  }
0x1b8: {  	v3 =	vld [tilespmem:$0x1FF10];
	[tilespmem:s3+$0x30] =	vst v2  }
0x1b9: {  	v2 =	vld [tilespmem:$0x1FF20]  }
0x1ba: {  	v8 =	vadd.s32 v23, v1;
	v5 =	vld.idx.msk [tilespmem:v7+s19+$0x0], $0xffff  }
0x1bb: {  	v9 =	vadd.s32 v24, v1;
	v7 =	vld [tilespmem:$0x1FF30]  }
0x1bc: {  	v6 =	vadd.s32 v6, v1  }
0x1bd: {  	v4 =	vadd.s32 v4, v1  }
0x1be: {  	v3 =	vadd.s32 v3, v1  }
0x1bf: {  	v8 =	vld.idx.msk [tilespmem:v8+s19+$0x0], $0xffff;
	v2 =	vadd.s32 v2, v1  }
0x1c0: {  	v9 =	vld.idx.msk [tilespmem:v9+s19+$0x0], $0xffff;
	v7 =	vadd.s32 v7, v1  }
0x1c1: {  	v6 =	vld.idx.msk [tilespmem:v6+s19+$0x0], $0xffff  }
0x1c2: {  	v4 =	vld.idx.msk [tilespmem:v4+s19+$0x0], $0xffff  }
0x1c3: {  	v3 =	vld.idx.msk [tilespmem:v3+s19+$0x0], $0xffff  }
0x1c4: {  	v2 =	vld.idx.msk [tilespmem:v2+s19+$0x0], $0xffff  }
0x1c5: {  	v7 =	vld.idx.msk [tilespmem:v7+s19+$0x0], $0xffff;
	[tilespmem:s30+$0xFFFFFC10] =	vst v5  }
0x1c6: {  	[tilespmem:s30+$0xFFFFFC20] =	vst v6  }
0x1c7: {  	[tilespmem:s30+$0xFFFFFC70] =	vst v8  }
0x1c8: {  	v5 =	vadd.s32 v28, v1;
	[tilespmem:s30+$0xFFFFFC80] =	vst v9  }
0x1c9: {  	v6 =	vadd.s32 v29, v1;
	[tilespmem:s30+$0xFFFFFC30] =	vst v4  }
0x1ca: {  	v8 =	vadd.s32 v31, v1;
	[tilespmem:s30+$0xFFFFFC40] =	vst v3  }
0x1cb: {  	v9 =	vadd.s32 v32, v1;
	[tilespmem:s30+$0xFFFFFC50] =	vst v2  }
0x1cc: {  	v4 =	vadd.s32 v27, v1;
	[tilespmem:s30+$0xFFFFFC60] =	vst v7  }
0x1cd: {  	v3 =	vadd.s32 v25, v1;
	v5 =	vld.idx.msk [tilespmem:v5+s19+$0x0], $0xffff  }
0x1ce: {  	v2 =	vadd.s32 v26, v1;
	v6 =	vld.idx.msk [tilespmem:v6+s19+$0x0], $0xffff  }
0x1cf: {  	v7 =	vadd.s32 v30, v1;
	v8 =	vld.idx.msk [tilespmem:v8+s19+$0x0], $0xffff  }
0x1d0: {  	v9 =	vld.idx.msk [tilespmem:v9+s19+$0x0], $0xffff  }
0x1d1: {  	v4 =	vld.idx.msk [tilespmem:v4+s19+$0x0], $0xffff  }
0x1d2: {  	v3 =	vld.idx.msk [tilespmem:v3+s19+$0x0], $0xffff  }
0x1d3: {  	v2 =	vld.idx.msk [tilespmem:v2+s19+$0x0], $0xffff  }
0x1d4: {  	v7 =	vld.idx.msk [tilespmem:v7+s19+$0x0], $0xffff;
	[tilespmem:s30+$0xFFFFFCC0] =	vst v5  }
0x1d5: {  	[tilespmem:s30+$0xFFFFFCD0] =	vst v6  }
0x1d6: {  	[tilespmem:s30+$0xFFFFFCF0] =	vst v8  }
0x1d7: {  	v5 =	vadd.s32 v36, v1;
	[tilespmem:s30+$0xFFFFFD00] =	vst v9  }
0x1d8: {  	v6 =	vadd.s32 v37, v1;
	[tilespmem:s30+$0xFFFFFCB0] =	vst v4  }
0x1d9: {  	v8 =	vadd.s32 v39, v1;
	[tilespmem:s30+$0xFFFFFC90] =	vst v3  }
0x1da: {  	v9 =	vadd.s32 v40, v1;
	[tilespmem:s30+$0xFFFFFCA0] =	vst v2  }
0x1db: {  	v4 =	vadd.s32 v35, v1;
	[tilespmem:s30+$0xFFFFFCE0] =	vst v7  }
0x1dc: {  	v3 =	vadd.s32 v34, v1;
	v5 =	vld.idx.msk [tilespmem:v5+s19+$0x0], $0xffff  }
0x1dd: {  	v2 =	vadd.s32 v33, v1;
	v6 =	vld.idx.msk [tilespmem:v6+s19+$0x0], $0xffff  }
0x1de: {  	v7 =	vadd.s32 v38, v1;
	v8 =	vld.idx.msk [tilespmem:v8+s19+$0x0], $0xffff  }
0x1df: {  	v9 =	vld.idx.msk [tilespmem:v9+s19+$0x0], $0xffff  }
0x1e0: {  	v4 =	vld.idx.msk [tilespmem:v4+s19+$0x0], $0xffff  }
0x1e1: {  	v3 =	vld.idx.msk [tilespmem:v3+s19+$0x0], $0xffff  }
0x1e2: {  	v2 =	vld.idx.msk [tilespmem:v2+s19+$0x0], $0xffff  }
0x1e3: {  	v7 =	vld.idx.msk [tilespmem:v7+s19+$0x0], $0xffff;
	[tilespmem:s30+$0xFFFFFD40] =	vst v5  }
0x1e4: {  	[tilespmem:s30+$0xFFFFFD50] =	vst v6  }
0x1e5: {  	[tilespmem:s30+$0xFFFFFD70] =	vst v8  }
0x1e6: {  	v5 =	vadd.s32 v43, v1;
	[tilespmem:s30+$0xFFFFFD80] =	vst v9  }
0x1e7: {  	[tilespmem:s30+$0xFFFFFD30] =	vst v4;
	v4 =	vadd.s32 v42, v1  }
0x1e8: {  	[tilespmem:s30+$0xFFFFFD10] =	vst v2;
	v2 =	vadd.s32 v41, v1  }
0x1e9: {  	[tilespmem:s30+$0xFFFFFD20] =	vst v3  }
0x1ea: {  	[tilespmem:s30+$0xFFFFFD60] =	vst v7  }
0x1eb: {  	v5 =	vld.idx.msk [tilespmem:v5+s19+$0x0], $0xffff  }
0x1ec: {  	v22 =	vmov v18;
	v4 =	vld.idx.msk [tilespmem:v4+s19+$0x0], $0xffff  }
0x1ed: {  	v21 =	vmov v60;
	v6 =	vadd.s32 v45, v1;
	v8 =	vadd.s32 v47, v1;
	v3 =	vld.idx.msk [tilespmem:v2+s19+$0x0], $0xffff;
	[tilespmem:$0x1FED0] =	vst v15  }
0x1ee: {  	s0 =	simm.s32 $0xB790;
	s3 =	simm.s32 $0x8;
	v9 =	vadd.s32 v48, v1;
	v7 =	vadd.s32 v46, v1;
	v2 =	vadd.s32 v44, v1;
	[tilespmem:$0x1FEE0] =	vst v16  }
.LBB2_11:
0x1ef: {  	_ =	sdelay $0x3  }
0x1f0: {  	v10 =	vld.idx.msk [tilespmem:v2+s19+$0x0], $0xffff  }
0x1f1: {  	v2 =	vmov s3;
	v6 =	vld.idx.msk [tilespmem:v6+s19+$0x0], $0xffff  }
0x1f2: {  	v7 =	vld.idx.msk [tilespmem:v7+s19+$0x0], $0xffff;
	v2 =	vshrl.u32 v2, $0x3  }
0x1f3: {  	v8 =	vld.idx.msk [tilespmem:v8+s19+$0x0], $0xffff;
	v2 =	vshll.u32 v2, $0x3  }
0x1f4: {  	v9 =	vld.idx.msk [tilespmem:v9+s19+$0x0], $0xffff;
	v2 =	vbroadcast v2, $0x0;
	[tilespmem:s30+$0xFFFFFD90] =	vst v3  }
0x1f5: {  	[tilespmem:s30+$0xFFFFFDA0] =	vst v4  }
0x1f6: {  	v12 =	vld [tilespmem:$0x1FEF0];
	[tilespmem:s30+$0xFFFFFDB0] =	vst v5;
	v3 =	vadd.s32 v0, v2  }
0x1f7: {  	v13 =	vld [tilespmem:$0x1FF00];
	v4 =	vadd.s32 v49, v1;
	[tilespmem:s30+$0xFFFFFDC0] =	vst v10  }
0x1f8: {  	v14 =	vld [tilespmem:$0x1FF10];
	v5 =	vadd.s32 v50, v1;
	[tilespmem:s30+$0xFFFFFDD0] =	vst v6  }
0x1f9: {  	v15 =	vld [tilespmem:$0x1FF20];
	[tilespmem:s30+$0xFFFFFDE0] =	vst v7;
	v6 =	vadd.s32 v51, v1  }
0x1fa: {  	v16 =	vld [tilespmem:$0x1FF30];
	[tilespmem:s30+$0xFFFFFDF0] =	vst v8;
	v7 =	vadd.s32 v52, v1  }
0x1fb: {  	v8 =	vadd.s32 v53, v1;
	v3 =	vld.idx.msk [tilespmem:v3+s19+$0x0], $0xffff;
	[tilespmem:s30+$0xFFFFFE00] =	vst v9  }
0x1fc: {  	v10 =	vadd.s32 v55, v1;
	v4 =	vld.idx.msk [tilespmem:v4+s19+$0x0], $0xffff  }
0x1fd: {  	v11 =	vadd.s32 v56, v1;
	v5 =	vld.idx.msk [tilespmem:v5+s19+$0x0], $0xffff  }
0x1fe: {  	v9 =	vadd.s32 v54, v1;
	v6 =	vld.idx.msk [tilespmem:v6+s19+$0x0], $0xffff  }
0x1ff: {  	v12 =	vadd.s32 v12, v2;
	v7 =	vld.idx.msk [tilespmem:v7+s19+$0x0], $0xffff  }
0x200: {  	v13 =	vadd.s32 v13, v2;
	v8 =	vld.idx.msk [tilespmem:v8+s19+$0x0], $0xffff  }
0x201: {  	v14 =	vadd.s32 v14, v2;
	v10 =	vld.idx.msk [tilespmem:v10+s19+$0x0], $0xffff  }
0x202: {  	v15 =	vadd.s32 v15, v2;
	v11 =	vld.idx.msk [tilespmem:v11+s19+$0x0], $0xffff  }
0x203: {  	v16 =	vadd.s32 v16, v2;
	v9 =	vld.idx.msk [tilespmem:v9+s19+$0x0], $0xffff;
	[tilespmem:s30+$0xFFFFFE10] =	vst v4  }
0x204: {  	v4 =	vld.idx.msk [tilespmem:v12+s19+$0x0], $0xffff;
	v12 =	vadd.s32 v23, v2;
	[tilespmem:s30+$0xFFFFFE20] =	vst v5  }
0x205: {  	v60 =	vadd.s32 v24, v2;
	v5 =	vld.idx.msk [tilespmem:v13+s19+$0x0], $0xffff;
	[tilespmem:s30+$0xFFFFFE30] =	vst v6  }
0x206: {  	v6 =	vld.idx.msk [tilespmem:v14+s19+$0x0], $0xffff;
	[tilespmem:s30+$0xFFFFFE40] =	vst v7;
	v7 =	vadd.s32 v57, v1  }
0x207: {  	v14 =	vld.idx.msk [tilespmem:v15+s19+$0x0], $0xffff;
	[tilespmem:s30+$0xFFFFFE50] =	vst v8;
	v8 =	vadd.s32 v58, v1  }
0x208: {  	v15 =	vld.idx.msk [tilespmem:v16+s19+$0x0], $0xffff;
	[tilespmem:s30+$0xFFFFFE60] =	vst v9;
	v9 =	vadd.s32 v59, v1  }
0x209: {  	v16 =	vadd.s32 v19, v1;
	v12 =	vld.idx.msk [tilespmem:v12+s19+$0x0], $0xffff;
	[tilespmem:s30+$0xFFFFFE70] =	vst v10  }
0x20a: {  	v10 =	vadd.s32 v17, v1;
	v13 =	vld.idx.msk [tilespmem:v60+s19+$0x0], $0xffff;
	[tilespmem:s30+$0xFFFFFE80] =	vst v11  }
0x20b: {  	v11 =	vadd.s32 v22, v1;
	v7 =	vld.idx.msk [tilespmem:v7+s19+$0x0], $0xffff  }
0x20c: {  	v17 =	vadd.s32 v21, v1;
	v8 =	vld.idx.msk [tilespmem:v8+s19+$0x0], $0xffff  }
0x20d: {  	v18 =	vadd.s32 v20, v1;
	v9 =	vld.idx.msk [tilespmem:v9+s19+$0x0], $0xffff  }
0x20e: {  	v16 =	vld.idx.msk [tilespmem:v16+s19+$0x0], $0xffff  }
0x20f: {  	s30 =	sadd.s32 $0x400, s30;
	v10 =	vld.idx.msk [tilespmem:v10+s19+$0x0], $0xffff  }
0x210: {  	v11 =	vld.idx.msk [tilespmem:v11+s19+$0x0], $0xffff;
	[tilespmem:s30+$0xFFFFFC10] =	vst v3  }
0x211: {  	v3 =	vld.idx.msk [tilespmem:v17+s19+$0x0], $0xffff  }
0x212: {  	v17 =	vld.idx.msk [tilespmem:v18+s19+$0x0], $0xffff  }
0x213: {  	[tilespmem:s0+$0xFFFFFE90] =	vst v7;
	v7 =	vld [tilespmem:$0x1FF40];
	_ =	sdelay $0x1  }
0x214: {  	[tilespmem:s0+$0xFFFFFEA0] =	vst v8;
	v8 =	vld [tilespmem:$0x1FF50]  }
0x215: {  	[tilespmem:s30+$0xFFFFFC20] =	vst v4  }
0x216: {  	[tilespmem:s0+$0xFFFFFEB0] =	vst v9;
	v9 =	vld [tilespmem:$0x1FF60]  }
0x217: {  	[tilespmem:s0+$0xFFFFFEE0] =	vst v16;
	v7 =	vadd.s32 v7, v1  }
0x218: {  	v60 =	vmov v0;
	v0 =	vmov v59;
	v59 =	vmov v58;
	[tilespmem:s0+$0xFFFFFEC0] =	vst v10  }
0x219: {  	v58 =	vmovc v57;
	v57 =	vmovc v56;
	v56 =	vmov v55;
	v55 =	vmov v54;
	[tilespmem:s0+$0xFFFFFED0] =	vst v11;
	v8 =	vadd.s32 v8, v1  }
0x21a: {  	v54 =	vmovc v53;
	v53 =	vmovc v52;
	v52 =	vmov v51;
	v51 =	vmov v50;
	v50 =	vmov v49;
	v10 =	vld [tilespmem:$0x1FF80];
	[tilespmem:s0+$0xFFFFFEF0] =	vst v3  }
0x21b: {  	v49 =	vmovc v48;
	v48 =	vmovc v47;
	v47 =	vmov v46;
	v46 =	vmov v45;
	v3 =	vld [tilespmem:$0x1FF70];
	[tilespmem:s0+$0xFFFFFF00] =	vst v17;
	v9 =	vadd.s32 v9, v1  }
0x21c: {  	v45 =	vmovc v44;
	v44 =	vmovc v43;
	v43 =	vmov v42;
	v42 =	vmov v41;
	v41 =	vmov v40;
	v4 =	vld.idx.msk [tilespmem:v7+s19+$0x0], $0xffff  }
0x21d: {  	v40 =	vmovc v39;
	v39 =	vmovc v38;
	v38 =	vmov v37;
	v37 =	vmov v36;
	v36 =	vmov v35;
	v7 =	vld [tilespmem:$0x1FF90];
	[tilespmem:s30+$0xFFFFFC30] =	vst v5  }
0x21e: {  	v35 =	vmovc v34;
	v34 =	vmovc v33;
	v33 =	vmov v32;
	v32 =	vmov v31;
	v31 =	vmov v30;
	v5 =	vld.idx.msk [tilespmem:v8+s19+$0x0], $0xffff  }
0x21f: {  	v30 =	vmovc v29;
	v29 =	vmovc v28;
	v28 =	vmov v27;
	v27 =	vmov v26;
	v26 =	vmov v25;
	v8 =	vld [tilespmem:$0x1FFA0];
	[tilespmem:s30+$0xFFFFFC40] =	vst v6  }
0x220: {  	v6 =	vld.idx.msk [tilespmem:v9+s19+$0x0], $0xffff  }
0x221: {  	v9 =	vld [tilespmem:$0x1FFB0]  }
0x222: {  	v25 =	vmovc v26;
	v26 =	vmov v27;
	v27 =	vmov v28;
	v3 =	vadd.s32 v3, v1  }
0x223: {  	v28 =	vmovc v29;
	v29 =	vmovc v30;
	v30 =	vmov v31;
	v31 =	vmov v32;
	v10 =	vadd.s32 v10, v1  }
0x224: {  	v32 =	vmovc v33;
	v33 =	vmovc v34;
	v34 =	vmov v35;
	v35 =	vmov v36;
	v7 =	vadd.s32 v7, v1  }
0x225: {  	v36 =	vmovc v37;
	v37 =	vmovc v38;
	v38 =	vmov v39;
	v39 =	vmov v40;
	v8 =	vadd.s32 v8, v1  }
0x226: {  	v40 =	vmovc v41;
	v41 =	vmovc v42;
	v42 =	vmov v43;
	v43 =	vmov v44;
	[tilespmem:s30+$0xFFFFFC50] =	vst v14;
	v9 =	vadd.s32 v9, v1  }
0x227: {  	v44 =	vmovc v45;
	v45 =	vmov v46;
	v46 =	vmov v47;
	v11 =	vadd.s32 v25, v2;
	v3 =	vld.idx.msk [tilespmem:v3+s19+$0x0], $0xffff;
	[tilespmem:s30+$0xFFFFFC60] =	vst v15  }
0x228: {  	v47 =	vmovc v48;
	v48 =	vmov v49;
	v49 =	vmov v50;
	v14 =	vadd.s32 v26, v2;
	v10 =	vld.idx.msk [tilespmem:v10+s19+$0x0], $0xffff;
	[tilespmem:s30+$0xFFFFFC70] =	vst v12  }
0x229: {  	v50 =	vmovc v51;
	v51 =	vmov v52;
	v52 =	vmov v53;
	v12 =	vadd.s32 v27, v2;
	v7 =	vld.idx.msk [tilespmem:v7+s19+$0x0], $0xffff;
	[tilespmem:s30+$0xFFFFFC80] =	vst v13  }
0x22a: {  	v53 =	vmovc v54;
	v54 =	vmovc v55;
	v55 =	vmov v56;
	v56 =	vmov v57;
	v57 =	vmov v58;
	v8 =	vld.idx.msk [tilespmem:v8+s19+$0x0], $0xffff  }
0x22b: {  	v58 =	vmovc v59;
	v59 =	vmov v0;
	v0 =	vmov v60;
	v60 =	vadd.s32 v28, v2;
	v9 =	vld.idx.msk [tilespmem:v9+s19+$0x0], $0xffff;
	[tilespmem:s0+$0xFFFFFF10] =	vst v4  }
0x22c: {  	v4 =	vld.idx.msk [tilespmem:v11+s19+$0x0], $0xffff;
	[tilespmem:s0+$0xFFFFFF20] =	vst v5  }
0x22d: {  	v15 =	vadd.s32 v29, v2;
	v5 =	vld.idx.msk [tilespmem:v14+s19+$0x0], $0xffff;
	[tilespmem:s0+$0xFFFFFF30] =	vst v6  }
0x22e: {  	v6 =	vld.idx.msk [tilespmem:v12+s19+$0x0], $0xffff  }
0x22f: {  	[tilespmem:s0+$0xFFFFFF40] =	vst v3;
	v3 =	vld [tilespmem:$0x1FFC0]  }
0x230: {  	v11 =	vadd.s32 v30, v2;
	v12 =	vld.idx.msk [tilespmem:v60+s19+$0x0], $0xffff  }
0x231: {  	[tilespmem:s0+$0xFFFFFF50] =	vst v10;
	v10 =	vld [tilespmem:$0x1FED0]  }
0x232: {  	v14 =	vadd.s32 v31, v2;
	v60 =	vld.idx.msk [tilespmem:v15+s19+$0x0], $0xffff  }
0x233: {  	[tilespmem:s0+$0xFFFFFF60] =	vst v7;
	v7 =	vld [tilespmem:$0x1FFD0]  }
0x234: {  	v15 =	vld [tilespmem:$0x1FEE0]  }
0x235: {  	v11 =	vld.idx.msk [tilespmem:v11+s19+$0x0], $0xffff  }
0x236: {  	v16 =	vadd.s32 v62, v1;
	[tilespmem:s0+$0xFFFFFF70] =	vst v8;
	v8 =	vld [tilespmem:$0x1FFE0]  }
0x237: {  	v17 =	vadd.s32 v63, v1;
	v14 =	vld.idx.msk [tilespmem:v14+s19+$0x0], $0xffff  }
0x238: {  	[tilespmem:s0+$0xFFFFFF80] =	vst v9;
	v9 =	vld [tilespmem:$0x1FFF0];
	v10 =	vadd.s32 v10, v1  }
0x239: {  	v3 =	vadd.s32 v3, v1  }
0x23a: {  	v7 =	vadd.s32 v7, v1  }
0x23b: {  	v16 =	vld.idx.msk [tilespmem:v16+s19+$0x0], $0xffff;
	v15 =	vadd.s32 v15, v1  }
0x23c: {  	v17 =	vld.idx.msk [tilespmem:v17+s19+$0x0], $0xffff;
	v8 =	vadd.s32 v8, v1  }
0x23d: {  	v9 =	vadd.s32 v9, v1;
	v1 =	vmov v2;
	v10 =	vld.idx.msk [tilespmem:v10+s19+$0x0], $0xffff  }
0x23e: {  	v3 =	vld.idx.msk [tilespmem:v3+s19+$0x0], $0xffff;
	v2 =	vadd.s32 v32, v1  }
0x23f: {  	v7 =	vld.idx.msk [tilespmem:v7+s19+$0x0], $0xffff  }
0x240: {  	v15 =	vld.idx.msk [tilespmem:v15+s19+$0x0], $0xffff  }
0x241: {  	v8 =	vld.idx.msk [tilespmem:v8+s19+$0x0], $0xffff  }
0x242: {  	v9 =	vld.idx.msk [tilespmem:v9+s19+$0x0], $0xffff;
	[tilespmem:s0+$0x0] =	vst v10  }
0x243: {  	v2 =	vld.idx.msk [tilespmem:v2+s19+$0x0], $0xffff;
	[tilespmem:s30+$0xFFFFFC90] =	vst v4  }
0x244: {  	[tilespmem:s30+$0xFFFFFCA0] =	vst v5  }
0x245: {  	[tilespmem:s30+$0xFFFFFCB0] =	vst v6  }
0x246: {  	[tilespmem:s30+$0xFFFFFCC0] =	vst v12;
	v4 =	vadd.s32 v33, v1  }
0x247: {  	[tilespmem:s30+$0xFFFFFCD0] =	vst v60;
	v5 =	vadd.s32 v34, v1  }
0x248: {  	[tilespmem:s30+$0xFFFFFCE0] =	vst v11;
	v6 =	vadd.s32 v35, v1  }
0x249: {  	v10 =	vadd.s32 v36, v1;
	[tilespmem:s30+$0xFFFFFCF0] =	vst v14  }
0x24a: {  	[tilespmem:s30+$0xFFFFFD00] =	vst v2;
	v2 =	vadd.s32 v37, v1  }
0x24b: {  	v11 =	vadd.s32 v38, v1;
	v4 =	vld.idx.msk [tilespmem:v4+s19+$0x0], $0xffff;
	[tilespmem:s0+$0xFFFFFF90] =	vst v3  }
0x24c: {  	v3 =	vld.idx.msk [tilespmem:v5+s19+$0x0], $0xffff;
	v5 =	vadd.s32 v39, v1;
	[tilespmem:s0+$0xFFFFFFA0] =	vst v7  }
0x24d: {  	v7 =	vadd.s32 v40, v1;
	v6 =	vld.idx.msk [tilespmem:v6+s19+$0x0], $0xffff;
	[tilespmem:s0+$0xFFFFFFB0] =	vst v8  }
0x24e: {  	v8 =	vld.idx.msk [tilespmem:v10+s19+$0x0], $0xffff;
	[tilespmem:s0+$0xFFFFFFC0] =	vst v9  }
0x24f: {  	v2 =	vld.idx.msk [tilespmem:v2+s19+$0x0], $0xffff;
	[tilespmem:s0+$0xFFFFFFD0] =	vst v15  }
0x250: {  	v9 =	vld.idx.msk [tilespmem:v11+s19+$0x0], $0xffff;
	[tilespmem:s0+$0xFFFFFFE0] =	vst v16  }
0x251: {  	v5 =	vld.idx.msk [tilespmem:v5+s19+$0x0], $0xffff;
	[tilespmem:s0+$0xFFFFFFF0] =	vst v17  }
0x252: {  	v7 =	vld.idx.msk [tilespmem:v7+s19+$0x0], $0xffff;
	[tilespmem:s30+$0xFFFFFD10] =	vst v4  }
0x253: {  	[tilespmem:s30+$0xFFFFFD20] =	vst v3  }
0x254: {  	[tilespmem:s30+$0xFFFFFD30] =	vst v6  }
0x255: {  	v3 =	vadd.s32 v41, v1;
	[tilespmem:s30+$0xFFFFFD40] =	vst v8  }
0x256: {  	v4 =	vadd.s32 v42, v1;
	[tilespmem:s30+$0xFFFFFD50] =	vst v2  }
0x257: {  	p0 =	sne.s32 s3, $0x38;
	[tilespmem:s30+$0xFFFFFD60] =	vst v9;
	v9 =	vadd.s32 v43, v1  }
.Ltmp4:
0x258: {  	[tilespmem:s30+$0xFFFFFD70] =	vst v5;
	(pc) =	sbr.rel @p0 .LBB2_11-.Ltmp4, $4  }
0x259: {  	[tilespmem:s30+$0xFFFFFD80] =	vst v7  }
0x25a: {  	v3 =	vld.idx.msk [tilespmem:v3+s19+$0x0], $0xffff  }
0x25b: {  	v17 =	vmov v61;
	v6 =	vadd.s32 v45, v1;
	v8 =	vadd.s32 v47, v1;
	v4 =	vld.idx.msk [tilespmem:v4+s19+$0x0], $0xffff  }
0x25c: {  	s3 =	sadd.s32 $0x8, s3;
	s0 =	smov.u32 s30;
	v2 =	vadd.s32 v44, v1;
	v7 =	vadd.s32 v46, v1;
	v5 =	vld.idx.msk [tilespmem:v9+s19+$0x0], $0xffff;
	v9 =	vadd.s32 v48, v1  }
0x25d: {  	_ =	sdelay $0x3  }
0x25e: {  	v2 =	vld.idx.msk [tilespmem:v2+s19+$0x0], $0xffff  }
0x25f: {  	v6 =	vld.idx.msk [tilespmem:v6+s19+$0x0], $0xffff  }
0x260: {  	v7 =	vld.idx.msk [tilespmem:v7+s19+$0x0], $0xffff  }
0x261: {  	v8 =	vld.idx.msk [tilespmem:v8+s19+$0x0], $0xffff  }
0x262: {  	v9 =	vld.idx.msk [tilespmem:v9+s19+$0x0], $0xffff;
	[tilespmem:s30+$0xFFFFFD90] =	vst v3  }
0x263: {  	[tilespmem:s30+$0xFFFFFDA0] =	vst v4  }
0x264: {  	[tilespmem:s30+$0xFFFFFDB0] =	vst v5  }
0x265: {  	v61 =	vadd.s32 v51, v1;
	[tilespmem:s30+$0xFFFFFDC0] =	vst v2  }
0x266: {  	v60 =	vadd.s32 v55, v1;
	[tilespmem:s30+$0xFFFFFDD0] =	vst v6  }
0x267: {  	v3 =	vadd.s32 v50, v1;
	[tilespmem:s30+$0xFFFFFDE0] =	vst v7  }
0x268: {  	v5 =	vadd.s32 v52, v1;
	[tilespmem:s30+$0xFFFFFDF0] =	vst v8  }
0x269: {  	v2 =	vadd.s32 v49, v1;
	[tilespmem:s30+$0xFFFFFE00] =	vst v9  }
0x26a: {  	v6 =	vadd.s32 v53, v1;
	v4 =	vld.idx.msk [tilespmem:v61+s19+$0x0], $0xffff  }
0x26b: {  	v7 =	vadd.s32 v54, v1;
	v8 =	vld.idx.msk [tilespmem:v60+s19+$0x0], $0xffff  }
0x26c: {  	v61 =	vadd.s32 v56, v1;
	v3 =	vld.idx.msk [tilespmem:v3+s19+$0x0], $0xffff  }
0x26d: {  	v5 =	vld.idx.msk [tilespmem:v5+s19+$0x0], $0xffff  }
0x26e: {  	v2 =	vld.idx.msk [tilespmem:v2+s19+$0x0], $0xffff  }
0x26f: {  	v6 =	vld.idx.msk [tilespmem:v6+s19+$0x0], $0xffff  }
0x270: {  	v7 =	vld.idx.msk [tilespmem:v7+s19+$0x0], $0xffff  }
0x271: {  	v9 =	vld.idx.msk [tilespmem:v61+s19+$0x0], $0xffff;
	[tilespmem:s30+$0xFFFFFE30] =	vst v4  }
0x272: {  	[tilespmem:s30+$0xFFFFFE70] =	vst v8  }
0x273: {  	[tilespmem:s30+$0xFFFFFE20] =	vst v3  }
0x274: {  	v3 =	vadd.s32 v58, v1;
	[tilespmem:s30+$0xFFFFFE40] =	vst v5  }
0x275: {  	v60 =	vadd.s32 v59, v1;
	[tilespmem:s30+$0xFFFFFE10] =	vst v2  }
0x276: {  	v61 =	vadd.s32 v21, v1;
	[tilespmem:s30+$0xFFFFFE50] =	vst v6  }
0x277: {  	v5 =	vadd.s32 v17, v1;
	[tilespmem:s30+$0xFFFFFE60] =	vst v7  }
0x278: {  	v2 =	vadd.s32 v57, v1;
	[tilespmem:s30+$0xFFFFFE80] =	vst v9  }
0x279: {  	v6 =	vadd.s32 v22, v1;
	v3 =	vld.idx.msk [tilespmem:v3+s19+$0x0], $0xffff  }
0x27a: {  	v7 =	vadd.s32 v19, v1;
	v4 =	vld.idx.msk [tilespmem:v60+s19+$0x0], $0xffff  }
0x27b: {  	v60 =	vadd.s32 v20, v1;
	v8 =	vld.idx.msk [tilespmem:v61+s19+$0x0], $0xffff  }
0x27c: {  	v5 =	vld.idx.msk [tilespmem:v5+s19+$0x0], $0xffff  }
0x27d: {  	v2 =	vld.idx.msk [tilespmem:v2+s19+$0x0], $0xffff  }
0x27e: {  	v6 =	vld.idx.msk [tilespmem:v6+s19+$0x0], $0xffff  }
0x27f: {  	v7 =	vld.idx.msk [tilespmem:v7+s19+$0x0], $0xffff  }
0x280: {  	v9 =	vld.idx.msk [tilespmem:v60+s19+$0x0], $0xffff;
	[tilespmem:s0+$0xFFFFFEA0] =	vst v3  }
0x281: {  	[tilespmem:s0+$0xFFFFFEB0] =	vst v4  }
0x282: {  	[tilespmem:s0+$0xFFFFFEC0] =	vst v5  }
0x283: {  	[tilespmem:s0+$0xFFFFFE90] =	vst v2  }
0x284: {  	v2 =	vld [tilespmem:$0x1FF40];
	[tilespmem:s0+$0xFFFFFED0] =	vst v6  }
0x285: {  	v3 =	vld [tilespmem:$0x1FF50];
	[tilespmem:s0+$0xFFFFFEE0] =	vst v7  }
0x286: {  	v10 =	vld [tilespmem:$0x1FF60];
	[tilespmem:s0+$0xFFFFFEF0] =	vst v8  }
0x287: {  	v18 =	vld [tilespmem:$0x1FF70];
	[tilespmem:s0+$0xFFFFFF00] =	vst v9  }
0x288: {  	v14 =	vmov v19;
	v19 =	vld [tilespmem:$0x1FF80]  }
0x289: {  	v16 =	vmov v20;
	v20 =	vld [tilespmem:$0x1FF90];
	v2 =	vadd.s32 v2, v1  }
0x28a: {  	v15 =	vmov v21;
	v21 =	vld [tilespmem:$0x1FFA0];
	v3 =	vadd.s32 v3, v1  }
0x28b: {  	v13 =	vmov v22;
	v22 =	vld [tilespmem:$0x1FFB0];
	v61 =	vadd.s32 v10, v1  }
0x28c: {  	v5 =	vadd.s32 v18, v1  }
0x28d: {  	v6 =	vadd.s32 v19, v1  }
0x28e: {  	v7 =	vadd.s32 v20, v1;
	v2 =	vld.idx.msk [tilespmem:v2+s19+$0x0], $0xffff  }
0x28f: {  	v60 =	vadd.s32 v21, v1;
	v3 =	vld.idx.msk [tilespmem:v3+s19+$0x0], $0xffff  }
0x290: {  	v4 =	vld.idx.msk [tilespmem:v61+s19+$0x0], $0xffff;
	v61 =	vadd.s32 v22, v1  }
0x291: {  	v5 =	vld.idx.msk [tilespmem:v5+s19+$0x0], $0xffff  }
0x292: {  	v6 =	vld.idx.msk [tilespmem:v6+s19+$0x0], $0xffff  }
0x293: {  	v7 =	vld.idx.msk [tilespmem:v7+s19+$0x0], $0xffff  }
0x294: {  	v8 =	vld.idx.msk [tilespmem:v60+s19+$0x0], $0xffff  }
0x295: {  	v9 =	vld.idx.msk [tilespmem:v61+s19+$0x0], $0xffff;
	[tilespmem:s0+$0xFFFFFF10] =	vst v2  }
0x296: {  	[tilespmem:s0+$0xFFFFFF20] =	vst v3  }
0x297: {  	[tilespmem:s0+$0xFFFFFF30] =	vst v4  }
0x298: {  	[tilespmem:s0+$0xFFFFFF40] =	vst v5  }
0x299: {  	v60 =	vld [tilespmem:$0x1FFC0];
	[tilespmem:s0+$0xFFFFFF50] =	vst v6  }
0x29a: {  	v3 =	vld [tilespmem:$0x1FED0];
	[tilespmem:s0+$0xFFFFFF60] =	vst v7  }
0x29b: {  	v61 =	vld [tilespmem:$0x1FFD0];
	[tilespmem:s0+$0xFFFFFF70] =	vst v8  }
0x29c: {  	v11 =	vld [tilespmem:$0x1FFE0];
	[tilespmem:s0+$0xFFFFFF80] =	vst v9  }
0x29d: {  	v62 =	vadd.s32 v62, v1;
	v12 =	vld [tilespmem:$0x1FFF0]  }
0x29e: {  	v7 =	vld [tilespmem:$0x1FEE0];
	v2 =	vadd.s32 v60, v1  }
0x29f: {  	v3 =	vadd.s32 v3, v1  }
0x2a0: {  	v4 =	vadd.s32 v61, v1  }
0x2a1: {  	v60 =	vadd.s32 v11, v1  }
0x2a2: {  	v8 =	vld.idx.msk [tilespmem:v62+s19+$0x0], $0xffff;
	v61 =	vadd.s32 v12, v1  }
0x2a3: {  	v7 =	vadd.s32 v7, v1;
	v2 =	vld.idx.msk [tilespmem:v2+s19+$0x0], $0xffff  }
0x2a4: {  	v1 =	vadd.s32 v63, v1;
	v3 =	vld.idx.msk [tilespmem:v3+s19+$0x0], $0xffff  }
0x2a5: {  	v4 =	vld.idx.msk [tilespmem:v4+s19+$0x0], $0xffff  }
0x2a6: {  	v5 =	vld.idx.msk [tilespmem:v60+s19+$0x0], $0xffff  }
0x2a7: {  	v6 =	vld.idx.msk [tilespmem:v61+s19+$0x0], $0xffff  }
0x2a8: {  	v7 =	vld.idx.msk [tilespmem:v7+s19+$0x0], $0xffff  }
0x2a9: {  	v1 =	vld.idx.msk [tilespmem:v1+s19+$0x0], $0xffff;
	[tilespmem:s0+$0xFFFFFFE0] =	vst v8  }
0x2aa: {  	[tilespmem:s0+$0xFFFFFF90] =	vst v2  }
0x2ab: {  	s28 =	sadd.s32 $0x1, s28;
	[tilespmem:s0+$0x0] =	vst v3  }
0x2ac: {  	s3 =	sadd.s32 s6, s29;
	p0 =	sne.s32 s28, $0x19;
	[tilespmem:s0+$0xFFFFFFA0] =	vst v4  }
.Ltmp5:
0x2ad: {  	s3 =	sshll.u32 s3, $0x10;
	[tilespmem:s0+$0xFFFFFFB0] =	vst v5;
	(pc) =	sbr.rel @p0 .LBB2_4-.Ltmp5, $4  }
0x2ae: {  	s3 =	sor.u32 s5, s3;
	[tilespmem:s0+$0xFFFFFFC0] =	vst v6  }
0x2af: {  	s3 =	sshrl.u32 s3, $0x3;
	[tilespmem:s0+$0xFFFFFFD0] =	vst v7  }
0x2b0: {  	s31 =	sadd.s32 s1, s3;
	[tilespmem:s0+$0xFFFFFFF0] =	vst v1  }
0x2b1: {  	[hbm4b:s31+s13] =	stream.strided.scatter [tilespmem:s23], [sflag:$0x4], $0x2000, s20, s13, $0x38;
	[tilespmem:$0xD3A0] =	vst v63  }
0x2b2: {  	s26 =	sadd.s32 $0x1, s26  }
0x2b3: {  	_ =	swait.ge [sflag:s24], $0x2000;
	p0 =	sne.s32 s26, s12  }
.Ltmp6:
0x2b4: {  	[sflag:s24] =	ssyncset.done $0x0;
	(pc) =	sbr.rel @p0 .LBB2_1-.Ltmp6, $4  }
0x2b5: {  	[sflag:s24] =	ssyncadd.s32 $0xFFFFE000  }
0x2b6: {  	_ =	swait.ge [sflag:s25], $0x2000  }
0x2b7: {  	[sflag:s25] =	ssyncset.done $0x0  }
0x2b8: {  	[sflag:s25] =	ssyncadd.s32 $0xFFFFE000  }
0x2b9: {  	_ =	sfence.sel $0x180000  }
0x2ba: {  	[bflag:$0x0] =	sbarrier.arrive $0xFFFF  }
0x2bb: {  	_ =	strace $0x90000047  }
0x2bc: {  	s0 =	stileid.u32;
	[bflag:$0x2] =	sbarrier.arrive $0xFFFF  }
0x2bd: {  	p0 =	sne.s32 s0, $0x0;
	s0 =	rddreg [dreg:$0x3]  }
0x2be: {  	s0 =	sadd.s32 @!p0 $0x100000, s0  }
0x2bf: {  	[sflag:s0] =	ssyncadd.tile.s32 @!p0 $0x1;
	_ =	shalt  }
.Lfunc_end2:
_tile_overlayer_lowered:
.L_overlay_start_2:
0x2c0: {  	(tag) =	ssettag $0x2  }
0x2c1: {  	s0 =	rddreg [dreg:$0x0];
	s2 =	stileid.u32  }
0x2c2: {  	s1 =	rddreg [dreg:$0x1];
	p0 =	sne.s32 s2, $0x0  }
0x2c3: {  	s3 =	rddreg [dreg:$0x2];
	[bflag:$0x3] =	sbarrier.arrive $0xFFFF;
	s2 =	simm.s32 @!p0 $0x1C05  }
0x2c4: {  	[timem:s3], [sflag:s2] =	dma.local @!p0 [hbm:s0], s1  }
0x2c5: {  	s0 =	simm.s32 @!p0 $0x5  }
0x2c6: {  	_ =	swait.ge @!p0 [sflag:s0], s1  }
0x2c7: {  	s1 =	ssub.s32 @!p0 $0x0, s1;
	[sflag:s0] =	ssyncset.done @!p0 $0x0  }
0x2c8: {  	[sflag:s0] =	ssyncadd.s32 @!p0 s1  }
0x2c9: {  	[bflag:$0x3] =	sbarrier.arrive $0xFFFF  }
0x2ca: {  	_ =	shalt  }

</sc_bundles>
